<compile_context>
chip_gen: v7x
topology: tpu7x:2x2x1
jax: 0.10.2.dev20260603
libtpu: 0.0.44.dev20260713+nightly
codegen_flags: <defaults>
</compile_context>

<pallas_src>
import functools

import jax
import jax.numpy as jnp
from jax import lax
from jax.experimental import pallas as pl
from jax.experimental.pallas import tpu as pltpu
from jax.experimental.pallas import tpu_sc as plsc

N = 10000
RP = 17
EMB = 128
HID = 16
NCLS = 8

NC = 2
NS = 16
NW = NC * NS
BATCH = 128
RSTRIPE = 640
RTAIL = N - RSTRIPE * (NS - 1)


def _xw_body(x_ref, w_ref, o_ref):
    o_ref[0] = lax.dot_general(
        x_ref[...], w_ref[0], (((1,), (0,)), ((), ())),
        preferred_element_type=jnp.float32)


def _per_rel_transform(x, w):
    D, H = x.shape[1], w.shape[2]
    return pl.pallas_call(
        _xw_body,
        grid=(RP,),
        in_specs=[
            pl.BlockSpec((N, D), lambda r: (0, 0)),
            pl.BlockSpec((1, D, H), lambda r: (r, 0, 0)),
        ],
        out_specs=pl.BlockSpec((1, N, H), lambda r: (r, 0, 0)),
        out_shape=jax.ShapeDtypeStruct((RP, N, H), jnp.float32),
    )(x, w)


def _mid_body(p_ref, b_ref, g_ref, bb_ref, w_ref, o_ref):
    h = p_ref[0] + p_ref[1] + b_ref[...]
    mu = jnp.mean(h, axis=-1, keepdims=True)
    var = jnp.mean((h - mu) ** 2, axis=-1, keepdims=True)
    h = (h - mu) * lax.rsqrt(var + 1e-5) * g_ref[...] + bb_ref[...]
    h = jnp.maximum(h, 0.0)
    o_ref[0] = lax.dot_general(
        h, w_ref[0], (((1,), (0,)), ((), ())),
        preferred_element_type=jnp.float32)


def _mid_transform(partials, bias1, ln1_g, ln1_b, w2p):
    return pl.pallas_call(
        _mid_body,
        grid=(RP,),
        in_specs=[
            pl.BlockSpec((2, N, HID), lambda r: (0, 0, 0)),
            pl.BlockSpec((1, HID), lambda r: (0, 0)),
            pl.BlockSpec((1, HID), lambda r: (0, 0)),
            pl.BlockSpec((1, HID), lambda r: (0, 0)),
            pl.BlockSpec((1, HID, HID), lambda r: (r, 0, 0)),
        ],
        out_specs=pl.BlockSpec((1, N, HID), lambda r: (r, 0, 0)),
        out_shape=jax.ShapeDtypeStruct((RP, N, HID), jnp.float32),
    )(partials, bias1.reshape(1, HID), ln1_g.reshape(1, HID),
      ln1_b.reshape(1, HID), w2p)


def _fin_body(p_ref, b_ref, g_ref, bb_ref, o_ref):
    h = p_ref[0, :, :NCLS] + p_ref[1, :, :NCLS] + b_ref[...]
    mu = jnp.mean(h, axis=-1, keepdims=True)
    var = jnp.mean((h - mu) ** 2, axis=-1, keepdims=True)
    o_ref[...] = (h - mu) * lax.rsqrt(var + 1e-5) * g_ref[...] + bb_ref[...]


def _final_norm(partials, bias2, ln2_g, ln2_b):
    return pl.pallas_call(
        _fin_body,
        in_specs=[
            pl.BlockSpec((2, N, HID), lambda: (0, 0, 0)),
            pl.BlockSpec((1, NCLS), lambda: (0, 0)),
            pl.BlockSpec((1, NCLS), lambda: (0, 0)),
            pl.BlockSpec((1, NCLS), lambda: (0, 0)),
        ],
        out_specs=pl.BlockSpec((N, NCLS), lambda: (0, 0)),
        out_shape=jax.ShapeDtypeStruct((N, NCLS), jnp.float32),
    )(partials, bias2.reshape(1, NCLS), ln2_g.reshape(1, NCLS),
      ln2_b.reshape(1, NCLS))


def _make_edge_pass(e_pad):
    ce = e_pad // NW
    nb = ce // BATCH
    mesh = plsc.VectorSubcoreMesh(
        core_axis_name="c", subcore_axis_name="s",
        num_cores=NC, num_subcores=NS)

    @functools.partial(
        pl.kernel,
        out_type=jax.ShapeDtypeStruct((NC, N, HID), jnp.float32),
        mesh=mesh,
        compiler_params=pltpu.CompilerParams(use_tc_tiling_on_sc=False),
        scratch_types=[
            pltpu.VMEM((ce,), jnp.int32),
            pltpu.VMEM((ce,), jnp.int32),
            pltpu.VMEM((ce,), jnp.float32),
            pltpu.VMEM((nb, BATCH), jnp.int32),
            pltpu.VMEM((nb, BATCH), jnp.int32),
            pltpu.VMEM((BATCH, HID), jnp.float32),
            pltpu.VMEM_SHARED((N, HID), jnp.float32),
            pltpu.SemaphoreType.DMA,
        ],
    )
    def edge_pass(rows_hbm, cols_hbm, vals_hbm, table_hbm, zeros_hbm, out_hbm,
                  r_v, c_v, v_v, g_v, s_v, rb_v, acc_sh, sem):
        cid = lax.axis_index("c")
        sid = lax.axis_index("s")
        wid = sid * NC + cid
        base = wid * ce
        pltpu.sync_copy(rows_hbm.at[pl.ds(base, ce)], r_v)
        pltpu.sync_copy(cols_hbm.at[pl.ds(base, ce)], c_v)
        pltpu.sync_copy(vals_hbm.at[pl.ds(base, ce)], v_v)
        @pl.when(sid < NS - 1)
        def _():
            pltpu.sync_copy(zeros_hbm.at[pl.ds(sid * RSTRIPE, RSTRIPE)],
                            acc_sh.at[pl.ds(sid * RSTRIPE, RSTRIPE)])

        @pl.when(sid == NS - 1)
        def _():
            pltpu.sync_copy(zeros_hbm.at[pl.ds((NS - 1) * RSTRIPE, RTAIL)],
                            acc_sh.at[pl.ds((NS - 1) * RSTRIPE, RTAIL)])

        def ixbody(i, _):
            rr = r_v[pl.ds(i * 16, 16)]
            cc = c_v[pl.ds(i * 16, 16)]
            ss = lax.rem(rr, jnp.int32(N))
            gg = rr - ss + cc
            b = i // (BATCH // 16)
            o = (i % (BATCH // 16)) * 16
            g_v[b, pl.ds(o, 16)] = gg
            s_v[b, pl.ds(o, 16)] = ss
            return 0

        lax.fori_loop(0, ce // 16, ixbody, 0)
        plsc.subcore_barrier()

        def batch_body(b, _):
            pltpu.async_copy(table_hbm.at[g_v.at[b]], rb_v, sem).wait()

            def scale_body(i, _):
                v16 = v_v[pl.ds(b * BATCH + i * 16, 16)]
                for j in range(16):
                    k = i * 16 + j
                    rb_v[k, :] = rb_v[k, :] * v16[j]
                return 0

            lax.fori_loop(0, BATCH // 16, scale_body, 0)
            pltpu.sync_copy(rb_v, acc_sh.at[s_v.at[b]], add=True)
            return 0

        lax.fori_loop(0, nb, batch_body, 0)
        plsc.subcore_barrier()

        @pl.when(sid < NS - 1)
        def _():
            pltpu.sync_copy(acc_sh.at[pl.ds(sid * RSTRIPE, RSTRIPE)],
                            out_hbm.at[cid, pl.ds(sid * RSTRIPE, RSTRIPE)])

        @pl.when(sid == NS - 1)
        def _():
            pltpu.sync_copy(acc_sh.at[pl.ds((NS - 1) * RSTRIPE, RTAIL)],
                            out_hbm.at[cid, pl.ds((NS - 1) * RSTRIPE, RTAIL)])

    return edge_pass


def kernel(features, W1, W2, bias1, bias2, ln1_g, ln1_b, ln2_g, ln2_b,
           rows, cols, vals):
    e = rows.shape[0]
    e_pad = ((e + NW * BATCH - 1) // (NW * BATCH)) * (NW * BATCH)
    pad = e_pad - e
    rows_p = jnp.pad(rows.astype(jnp.int32), (0, pad))
    cols_p = jnp.pad(cols.astype(jnp.int32), (0, pad))
    vals_p = jnp.pad(vals, (0, pad))
    zeros_tab = jnp.zeros((N, HID), jnp.float32)
    w2p = jnp.pad(W2, ((0, 0), (0, 0), (0, HID - NCLS)))

    edge_pass = _make_edge_pass(e_pad)

    t1 = _per_rel_transform(features.astype(jnp.float32), W1)
    p1 = edge_pass(rows_p, cols_p, vals_p, t1.reshape(RP * N, HID), zeros_tab)
    t2 = _mid_transform(p1, bias1, ln1_g, ln1_b, w2p)
    p2 = edge_pass(rows_p, cols_p, vals_p, t2.reshape(RP * N, HID), zeros_tab)
    return _final_norm(p2, bias2, ln2_g, ln2_b)

# --- scband reference (transcript-rebuilt; emitter-appended) ---
"""Pipeline reference for scband-rgcn-17437567222560 (READ-ONLY COPY).

The authoritative reference and input builder live on the scoring server;
editing this copy changes nothing except your own understanding.
"""

import jax, jax.numpy as jnp
import numpy as np

N = 10000
R = 8
T = 160000
EMB = 128
HID = 16
NCLS = 8
RP = 2 * R + 1


def _xavier(k, shape, gain):
    fan_in, fan_out = shape[-2], shape[-1]
    a = gain * np.sqrt(6.0 / (fan_in + fan_out))
    return jax.random.uniform(k, shape, minval=-a, maxval=a, dtype=jnp.float32)


def setup_inputs(seed: int = 0) -> dict:
    key = jax.random.key(seed)
    ks = jax.random.split(key, 8)
    # raw knowledge-graph triples (src, rel, dst)
    src = jax.random.randint(ks[0], (T,), 0, N)
    rel = jax.random.randint(ks[1], (T,), 0, R)
    dst = jax.random.randint(ks[2], (T,), 0, N)
    # enrich: add inverse relations and self-loops (relation id 2R)
    ar = jnp.arange(N, dtype=src.dtype)
    e_src = jnp.concatenate([src, dst, ar])
    e_rel = jnp.concatenate([rel, rel + R, jnp.full((N,), 2 * R, dtype=rel.dtype)])
    e_dst = jnp.concatenate([dst, src, ar])
    # vertical adjacency indices: row = rel*N + src, col = dst ; size (RP*N, N)
    rows = e_rel * N + e_src
    cols = e_dst
    ones = jnp.ones(rows.shape[0], dtype=jnp.float32)
    rowsum = jax.ops.segment_sum(ones, rows, num_segments=RP * N)
    vals = ones / rowsum[rows]
    gain = float(np.sqrt(2.0))
    W1 = _xavier(ks[3], (RP, EMB, HID), gain)
    W2 = _xavier(ks[4], (RP, HID, NCLS), gain)
    features = jax.random.normal(ks[5], (N, EMB), dtype=jnp.float32)
    return {
        'features': features,
        'W1': W1,
        'W2': W2,
        'bias1': jnp.zeros((HID,), dtype=jnp.float32),
        'bias2': jnp.zeros((NCLS,), dtype=jnp.float32),
        'ln1_g': jnp.ones((HID,), dtype=jnp.float32),
        'ln1_b': jnp.zeros((HID,), dtype=jnp.float32),
        'ln2_g': jnp.ones((NCLS,), dtype=jnp.float32),
        'ln2_b': jnp.zeros((NCLS,), dtype=jnp.float32),
        'rows': rows,
        'cols': cols,
        'vals': vals,
    }


def _layer_norm(x, g, b, eps=1e-5):
    mu = jnp.mean(x, axis=-1, keepdims=True)
    var = jnp.var(x, axis=-1, keepdims=True)
    return (x - mu) / jnp.sqrt(var + eps) * g + b


def reference(features, W1, W2, bias1, bias2, ln1_g, ln1_b, ln2_g, ln2_b, rows, cols, vals):
    # dropout layers act as identity in eval mode
    x = features.astype(jnp.float32)
    # h = ver_graph @ features  (sparse mm as gather + scatter-add)
    h = jax.ops.segment_sum(vals[:, None] * x[cols], rows, num_segments=RP * N)
    h = h.reshape(RP, N, EMB)
    # bmm with per-relation weights then sum over relations
    h = jnp.einsum('rne,reh->nh', h, W1)
    h = _layer_norm(h + bias1, ln1_g, ln1_b)
    h = jax.nn.relu(h)
    # second sparse propagation
    h2 = jax.ops.segment_sum(vals[:, None] * h[cols], rows, num_segments=RP * N)
    h2 = h2.reshape(RP, N, HID)
    h2 = jnp.einsum('rnh,rhc->nc', h2, W2)
    h2 = _layer_norm(h2 + bias2, ln2_g, ln2_b)
    return h2

if __name__ == "__main__":
    import jax
    _d = setup_inputs()
    print(jax.jit(kernel)(*tuple(_d.values())))

</pallas_src>

<mosaic_0001>
#map = affine_map<(d0, d1) -> (0)>
#map1 = affine_map<(d0, d1) -> (0, 0)>
#map2 = affine_map<(d0, d1) -> (0, 0, 0)>
module attributes {stable_mosaic.version = 14 : i64} {
  func.func @edge_pass(%arg0: i32, %arg1: i32, %arg2: memref<331776xi32, #tpu.memory_space<hbm>>, %arg3: memref<331776xi32, #tpu.memory_space<hbm>>, %arg4: memref<331776xf32, #tpu.memory_space<hbm>>, %arg5: memref<170000x16xf32, #tpu.memory_space<hbm>>, %arg6: memref<10000x16xf32, #tpu.memory_space<hbm>>, %arg7: memref<2x10000x16xf32, #tpu.memory_space<hbm>>, %arg8: memref<10368xi32, #tpu.memory_space<vmem>>, %arg9: memref<10368xi32, #tpu.memory_space<vmem>>, %arg10: memref<10368xf32, #tpu.memory_space<vmem>>, %arg11: memref<81x128xi32, #tpu.memory_space<vmem>>, %arg12: memref<81x128xi32, #tpu.memory_space<vmem>>, %arg13: memref<128x16xf32, #tpu.memory_space<vmem>>, %arg14: memref<10000x16xf32, #tpu.memory_space<vmem_shared>>, %arg15: memref<!tpu.dma_semaphore, #tpu.memory_space<semaphore_mem>>) attributes {dimension_semantics = [#tpu.dimension_semantics<core_parallel>, #tpu.dimension_semantics<subcore_parallel>], iteration_bounds = array<i64: 2, 16>, scalar_prefetch = 0 : i64, scratch_operands = 8 : i64, tpu.core_type = #tpu.core_type<sc_vector_subcore>, window_params = [{transform_indices = #map}, {transform_indices = #map}, {transform_indices = #map}, {transform_indices = #map1}, {transform_indices = #map1}, {transform_indices = #map2}]} {
    %mul3A = arith.constant 2 : i32
    %mul3A_0 = arith.muli %arg1, %mul3A : i32
    %add3A = arith.addi %mul3A_0, %arg0 : i32
    %mul3A_1 = arith.constant 10368 : i32
    %mul3A_2 = arith.muli %add3A, %mul3A_1 : i32
    "tpu.region"() ({
      %run_scoped3A = tpu.sem_alloc : memref<!tpu.dma_semaphore, #tpu.memory_space<semaphore_mem>>
      %dma_start3A = tpu.memref_slice %arg2[%mul3A_2] : memref<331776xi32, #tpu.memory_space<hbm>> -> memref<10368xi32, #tpu.memory_space<hbm>>
      %dma_start3A_33 = tpu.memref_slice %arg2[%mul3A_2] : memref<331776xi32, #tpu.memory_space<hbm>> -> memref<10368xi32, #tpu.memory_space<hbm>>
      tpu.enqueue_dma source(%dma_start3A_33 : memref<10368xi32, #tpu.memory_space<hbm>>) target(%arg8 : memref<10368xi32, #tpu.memory_space<vmem>>) target_semaphore(%run_scoped3A : memref<!tpu.dma_semaphore, #tpu.memory_space<semaphore_mem>>)
      %dma_wait3A = tpu.memref_slice %arg2[%mul3A_2] : memref<331776xi32, #tpu.memory_space<hbm>> -> memref<10368xi32, #tpu.memory_space<hbm>>
      %dma_wait3A_34 = tpu.memref_slice %arg2[%mul3A_2] : memref<331776xi32, #tpu.memory_space<hbm>> -> memref<10368xi32, #tpu.memory_space<hbm>>
      tpu.wait_dma2 semaphore(%run_scoped3A : memref<!tpu.dma_semaphore, #tpu.memory_space<semaphore_mem>>) src(%dma_wait3A_34 : memref<10368xi32, #tpu.memory_space<hbm>>) dst(%arg8 : memref<10368xi32, #tpu.memory_space<vmem>>)
      tpu.yield
    }) : () -> ()
    "tpu.region"() ({
      %run_scoped3A = tpu.sem_alloc : memref<!tpu.dma_semaphore, #tpu.memory_space<semaphore_mem>>
      %dma_start3A = tpu.memref_slice %arg3[%mul3A_2] : memref<331776xi32, #tpu.memory_space<hbm>> -> memref<10368xi32, #tpu.memory_space<hbm>>
      %dma_start3A_33 = tpu.memref_slice %arg3[%mul3A_2] : memref<331776xi32, #tpu.memory_space<hbm>> -> memref<10368xi32, #tpu.memory_space<hbm>>
      tpu.enqueue_dma source(%dma_start3A_33 : memref<10368xi32, #tpu.memory_space<hbm>>) target(%arg9 : memref<10368xi32, #tpu.memory_space<vmem>>) target_semaphore(%run_scoped3A : memref<!tpu.dma_semaphore, #tpu.memory_space<semaphore_mem>>)
      %dma_wait3A = tpu.memref_slice %arg3[%mul3A_2] : memref<331776xi32, #tpu.memory_space<hbm>> -> memref<10368xi32, #tpu.memory_space<hbm>>
      %dma_wait3A_34 = tpu.memref_slice %arg3[%mul3A_2] : memref<331776xi32, #tpu.memory_space<hbm>> -> memref<10368xi32, #tpu.memory_space<hbm>>
      tpu.wait_dma2 semaphore(%run_scoped3A : memref<!tpu.dma_semaphore, #tpu.memory_space<semaphore_mem>>) src(%dma_wait3A_34 : memref<10368xi32, #tpu.memory_space<hbm>>) dst(%arg9 : memref<10368xi32, #tpu.memory_space<vmem>>)
      tpu.yield
    }) : () -> ()
    "tpu.region"() ({
      %run_scoped3A = tpu.sem_alloc : memref<!tpu.dma_semaphore, #tpu.memory_space<semaphore_mem>>
      %dma_start3A = tpu.memref_slice %arg4[%mul3A_2] : memref<331776xf32, #tpu.memory_space<hbm>> -> memref<10368xf32, #tpu.memory_space<hbm>>
      %dma_start3A_33 = tpu.memref_slice %arg4[%mul3A_2] : memref<331776xf32, #tpu.memory_space<hbm>> -> memref<10368xf32, #tpu.memory_space<hbm>>
      tpu.enqueue_dma source(%dma_start3A_33 : memref<10368xf32, #tpu.memory_space<hbm>>) target(%arg10 : memref<10368xf32, #tpu.memory_space<vmem>>) target_semaphore(%run_scoped3A : memref<!tpu.dma_semaphore, #tpu.memory_space<semaphore_mem>>)
      %dma_wait3A = tpu.memref_slice %arg4[%mul3A_2] : memref<331776xf32, #tpu.memory_space<hbm>> -> memref<10368xf32, #tpu.memory_space<hbm>>
      %dma_wait3A_34 = tpu.memref_slice %arg4[%mul3A_2] : memref<331776xf32, #tpu.memory_space<hbm>> -> memref<10368xf32, #tpu.memory_space<hbm>>
      tpu.wait_dma2 semaphore(%run_scoped3A : memref<!tpu.dma_semaphore, #tpu.memory_space<semaphore_mem>>) src(%dma_wait3A_34 : memref<10368xf32, #tpu.memory_space<hbm>>) dst(%arg10 : memref<10368xf32, #tpu.memory_space<vmem>>)
      tpu.yield
    }) : () -> ()
    %lt3A = arith.constant 15 : i32
    %lt3A_3 = arith.cmpi slt, %arg1, %lt3A : i32
    %convert_element_type3A = arith.extui %lt3A_3 : i1 to i32
    %cond3A = arith.constant 0 : i32
    %cond3A_4 = arith.cmpi ne, %convert_element_type3A, %cond3A : i32
    scf.if %cond3A_4 {
      %mul3A_33 = arith.constant 640 : i32
      %mul3A_34 = arith.muli %arg1, %mul3A_33 : i32
      %mul3A_35 = arith.constant 640 : i32
      %mul3A_36 = arith.muli %arg1, %mul3A_35 : i32
      "tpu.region"() ({
        %run_scoped3A = tpu.sem_alloc : memref<!tpu.dma_semaphore, #tpu.memory_space<semaphore_mem>>
        %dma_start3A = arith.constant 0 : i32
        %dma_start3A_37 = tpu.memref_slice %arg14[%mul3A_36, %dma_start3A] : memref<10000x16xf32, #tpu.memory_space<vmem_shared>> -> memref<640x16xf32, #tpu.memory_space<vmem_shared>>
        %dma_start3A_38 = arith.constant 0 : i32
        %dma_start3A_39 = tpu.memref_slice %arg6[%mul3A_34, %dma_start3A_38] : memref<10000x16xf32, #tpu.memory_space<hbm>> -> memref<640x16xf32, #tpu.memory_space<hbm>>
        tpu.enqueue_dma source(%dma_start3A_39 : memref<640x16xf32, #tpu.memory_space<hbm>>) target(%dma_start3A_37 : memref<640x16xf32, #tpu.memory_space<vmem_shared>>) target_semaphore(%run_scoped3A : memref<!tpu.dma_semaphore, #tpu.memory_space<semaphore_mem>>)
        %dma_wait3A = arith.constant 0 : i32
        %dma_wait3A_40 = tpu.memref_slice %arg14[%mul3A_36, %dma_wait3A] : memref<10000x16xf32, #tpu.memory_space<vmem_shared>> -> memref<640x16xf32, #tpu.memory_space<vmem_shared>>
        %dma_wait3A_41 = arith.constant 0 : i32
        %dma_wait3A_42 = tpu.memref_slice %arg6[%mul3A_34, %dma_wait3A_41] : memref<10000x16xf32, #tpu.memory_space<hbm>> -> memref<640x16xf32, #tpu.memory_space<hbm>>
        tpu.wait_dma2 semaphore(%run_scoped3A : memref<!tpu.dma_semaphore, #tpu.memory_space<semaphore_mem>>) src(%dma_wait3A_42 : memref<640x16xf32, #tpu.memory_space<hbm>>) dst(%dma_wait3A_40 : memref<640x16xf32, #tpu.memory_space<vmem_shared>>)
        tpu.yield
      }) : () -> ()
    } else {
    }
    %eq3A = arith.constant 15 : i32
    %eq3A_5 = arith.cmpi eq, %arg1, %eq3A : i32
    %convert_element_type3A_6 = arith.extui %eq3A_5 : i1 to i32
    %cond3A_7 = arith.constant 0 : i32
    %cond3A_8 = arith.cmpi ne, %convert_element_type3A_6, %cond3A_7 : i32
    scf.if %cond3A_8 {
      "tpu.region"() ({
        %run_scoped3A = tpu.sem_alloc : memref<!tpu.dma_semaphore, #tpu.memory_space<semaphore_mem>>
        %dma_start3A = arith.constant 9600 : i32
        %dma_start3A_33 = arith.constant 0 : i32
        %dma_start3A_34 = tpu.memref_slice %arg14[%dma_start3A, %dma_start3A_33] : memref<10000x16xf32, #tpu.memory_space<vmem_shared>> -> memref<400x16xf32, #tpu.memory_space<vmem_shared>>
        %dma_start3A_35 = arith.constant 9600 : i32
        %dma_start3A_36 = arith.constant 0 : i32
        %dma_start3A_37 = tpu.memref_slice %arg6[%dma_start3A_35, %dma_start3A_36] : memref<10000x16xf32, #tpu.memory_space<hbm>> -> memref<400x16xf32, #tpu.memory_space<hbm>>
        tpu.enqueue_dma source(%dma_start3A_37 : memref<400x16xf32, #tpu.memory_space<hbm>>) target(%dma_start3A_34 : memref<400x16xf32, #tpu.memory_space<vmem_shared>>) target_semaphore(%run_scoped3A : memref<!tpu.dma_semaphore, #tpu.memory_space<semaphore_mem>>)
        %dma_wait3A = arith.constant 9600 : i32
        %dma_wait3A_38 = arith.constant 0 : i32
        %dma_wait3A_39 = tpu.memref_slice %arg14[%dma_wait3A, %dma_wait3A_38] : memref<10000x16xf32, #tpu.memory_space<vmem_shared>> -> memref<400x16xf32, #tpu.memory_space<vmem_shared>>
        %dma_wait3A_40 = arith.constant 9600 : i32
        %dma_wait3A_41 = arith.constant 0 : i32
        %dma_wait3A_42 = tpu.memref_slice %arg6[%dma_wait3A_40, %dma_wait3A_41] : memref<10000x16xf32, #tpu.memory_space<hbm>> -> memref<400x16xf32, #tpu.memory_space<hbm>>
        tpu.wait_dma2 semaphore(%run_scoped3A : memref<!tpu.dma_semaphore, #tpu.memory_space<semaphore_mem>>) src(%dma_wait3A_42 : memref<400x16xf32, #tpu.memory_space<hbm>>) dst(%dma_wait3A_39 : memref<400x16xf32, #tpu.memory_space<vmem_shared>>)
        tpu.yield
      }) : () -> ()
    } else {
    }
    %scan3A = arith.constant 0 : i32
    %scan3A_9 = arith.constant 0 : i32
    %scan3A_10 = arith.constant 648 : i32
    %scan3A_11 = arith.addi %scan3A_9, %scan3A_10 : i32
    %scan3A_12 = arith.constant 1 : i32
    %scan3A_13 = scf.for %scan3A_33 = %scan3A_9 to %scan3A_11 step %scan3A_12 iter_args(%scan3A_34 = %scan3A) -> (i32)  : i32 {
      %mul3A_35 = arith.constant 16 : i32
      %mul3A_36 = arith.muli %scan3A_33, %mul3A_35 : i32
      %get3A = arith.index_cast %mul3A_36 : i32 to index
      %get3A_37 = tpu.vector_load %arg8[%get3A] {strides = array<i32>} : memref<10368xi32, #tpu.memory_space<vmem>>, vector<16xi32>,
      %get3A_38 = vector.shape_cast %get3A_37 : vector<16xi32> to vector<16xi32>
      %mul3A_39 = arith.constant 16 : i32
      %mul3A_40 = arith.muli %scan3A_33, %mul3A_39 : i32
      %get3A_41 = arith.index_cast %mul3A_40 : i32 to index
      %get3A_42 = tpu.vector_load %arg9[%get3A_41] {strides = array<i32>} : memref<10368xi32, #tpu.memory_space<vmem>>, vector<16xi32>,
      %get3A_43 = vector.shape_cast %get3A_42 : vector<16xi32> to vector<16xi32>
      %rem3A = arith.constant 10000 : i32
      %rem3A_44 = vector.broadcast %rem3A : i32 to vector<16xi32>
      %rem3A_45 = arith.remsi %get3A_38, %rem3A_44 : vector<16xi32>
      %sub3A = arith.subi %get3A_38, %rem3A_45 : vector<16xi32>
      %add3A_46 = arith.addi %sub3A, %get3A_43 : vector<16xi32>
      %jit3A = arith.constant 8 : i32
      %div3A = arith.divsi %scan3A_33, %jit3A : i32
      %sign3A = arith.constant 0 : i32
      %sign3A_47 = arith.cmpi sgt, %scan3A_33, %sign3A : i32
      %sign3A_48 = arith.extui %sign3A_47 : i1 to i32
      %sign3A_49 = arith.constant 0 : i32
      %sign3A_50 = arith.cmpi slt, %scan3A_33, %sign3A_49 : i32
      %sign3A_51 = arith.extui %sign3A_50 : i1 to i32
      %sign3A_52 = arith.subi %sign3A_48, %sign3A_51 : i32
      %sign3A_53 = arith.constant 0 : i32
      %sign3A_54 = arith.cmpi sgt, %jit3A, %sign3A_53 : i32
      %sign3A_55 = arith.extui %sign3A_54 : i1 to i32
      %sign3A_56 = arith.constant 0 : i32
      %sign3A_57 = arith.cmpi slt, %jit3A, %sign3A_56 : i32
      %sign3A_58 = arith.extui %sign3A_57 : i1 to i32
      %sign3A_59 = arith.subi %sign3A_55, %sign3A_58 : i32
      %ne3A = arith.cmpi ne, %sign3A_52, %sign3A_59 : i32
      %rem3A_60 = arith.remsi %scan3A_33, %jit3A : i32
      %ne3A_61 = arith.constant 0 : i32
      %ne3A_62 = arith.cmpi ne, %rem3A_60, %ne3A_61 : i32
      %and3A = arith.andi %ne3A, %ne3A_62 : i1
      %sub3A_63 = arith.constant 1 : i32
      %sub3A_64 = arith.subi %div3A, %sub3A_63 : i32
      %select_n3A = arith.select %and3A, %sub3A_64, %div3A : i32
      %jit3A_65 = arith.constant 8 : i32
      %eq3A_66 = arith.constant 0 : i32
      %eq3A_67 = arith.cmpi eq, %jit3A_65, %eq3A_66 : i32
      %jit3A_68 = arith.constant 1 : i32
      %select_n3A_69 = arith.select %eq3A_67, %jit3A_68, %jit3A_65 : i32
      %rem3A_70 = arith.remsi %scan3A_33, %select_n3A_69 : i32
      %ne3A_71 = arith.constant 0 : i32
      %ne3A_72 = arith.cmpi ne, %rem3A_70, %ne3A_71 : i32
      %lt3A_73 = arith.constant 0 : i32
      %lt3A_74 = arith.cmpi slt, %rem3A_70, %lt3A_73 : i32
      %lt3A_75 = arith.constant 0 : i32
      %lt3A_76 = arith.cmpi slt, %select_n3A_69, %lt3A_75 : i32
      %ne3A_77 = arith.xori %lt3A_74, %lt3A_76 : i1
      %and3A_78 = arith.andi %ne3A_77, %ne3A_72 : i1
      %add3A_79 = arith.addi %rem3A_70, %select_n3A_69 : i32
      %select_n3A_80 = arith.select %and3A_78, %add3A_79, %rem3A_70 : i32
      %mul3A_81 = arith.constant 16 : i32
      %mul3A_82 = arith.muli %select_n3A_80, %mul3A_81 : i32
      %swap3A = arith.index_cast %select_n3A : i32 to index
      %swap3A_83 = arith.index_cast %mul3A_82 : i32 to index
      %swap3A_84 = tpu.vector_load %arg11[%swap3A, %swap3A_83] {strides = array<i32>} : memref<81x128xi32, #tpu.memory_space<vmem>>, vector<1x16xi32>,
      %swap3A_85 = vector.shape_cast %swap3A_84 : vector<1x16xi32> to vector<16xi32>
      %swap3A_86 = vector.shape_cast %add3A_46 : vector<16xi32> to vector<1x16xi32>
      tpu.vector_store %arg11[%swap3A, %swap3A_83], %swap3A_86 {strides = array<i32>} : memref<81x128xi32, #tpu.memory_space<vmem>>, vector<1x16xi32>,
      %swap3A_87 = arith.index_cast %select_n3A : i32 to index
      %swap3A_88 = arith.index_cast %mul3A_82 : i32 to index
      %swap3A_89 = tpu.vector_load %arg12[%swap3A_87, %swap3A_88] {strides = array<i32>} : memref<81x128xi32, #tpu.memory_space<vmem>>, vector<1x16xi32>,
      %swap3A_90 = vector.shape_cast %swap3A_89 : vector<1x16xi32> to vector<16xi32>
      %swap3A_91 = vector.shape_cast %rem3A_45 : vector<16xi32> to vector<1x16xi32>
      tpu.vector_store %arg12[%swap3A_87, %swap3A_88], %swap3A_91 {strides = array<i32>} : memref<81x128xi32, #tpu.memory_space<vmem>>, vector<1x16xi32>,
      %scan3A_92 = arith.constant 0 : i32
      scf.yield %scan3A_92 : i32
    }
    %scan3A_14 = arith.constant 648 : i32
    %barrier3A = arith.constant 0 : index
    tpu.barrier barrier_id(%barrier3A)
    %scan3A_15 = arith.constant 0 : i32
    %scan3A_16 = arith.constant 0 : i32
    %scan3A_17 = arith.constant 81 : i32
    %scan3A_18 = arith.addi %scan3A_16, %scan3A_17 : i32
    %scan3A_19 = arith.constant 1 : i32
    %scan3A_20 = scf.for %scan3A_33 = %scan3A_16 to %scan3A_18 step %scan3A_19 iter_args(%scan3A_34 = %scan3A_15) -> (i32)  : i32 {
      %dma_start3A = arith.constant 0 : i32
      %dma_start3A_35 = tpu.memref_slice %arg11[%scan3A_33, %dma_start3A] : memref<81x128xi32, #tpu.memory_space<vmem>> -> memref<1x128xi32, #tpu.memory_space<vmem>>
      %dma_start3A_36 = tpu.memref_squeeze %dma_start3A_35 : memref<1x128xi32, #tpu.memory_space<vmem>> -> memref<128xi32, #tpu.memory_space<vmem>>
      %dma_start3A_37 = arith.constant 0 : i32
      %dma_start3A_38 = arith.constant 0 : i32
      %dma_start3A_39 = tpu.memref_slice %arg5[%dma_start3A_37, %dma_start3A_38] : memref<170000x16xf32, #tpu.memory_space<hbm>> -> memref<170000x16xf32, #tpu.memory_space<hbm>>
      tpu.enqueue_indirect_dma source(%dma_start3A_39 : memref<170000x16xf32, #tpu.memory_space<hbm>>) target(%arg13 : memref<128x16xf32, #tpu.memory_space<vmem>>) offsets(%dma_start3A_36 : memref<128xi32, #tpu.memory_space<vmem>>) semaphore(%arg15 : memref<!tpu.dma_semaphore, #tpu.memory_space<semaphore_mem>>)
      %dma_wait3A = arith.constant 0 : i32
      %dma_wait3A_40 = tpu.memref_slice %arg11[%scan3A_33, %dma_wait3A] : memref<81x128xi32, #tpu.memory_space<vmem>> -> memref<1x128xi32, #tpu.memory_space<vmem>>
      %dma_wait3A_41 = tpu.memref_squeeze %dma_wait3A_40 : memref<1x128xi32, #tpu.memory_space<vmem>> -> memref<128xi32, #tpu.memory_space<vmem>>
      %dma_wait3A_42 = arith.constant 0 : i32
      %dma_wait3A_43 = arith.constant 0 : i32
      %dma_wait3A_44 = tpu.memref_slice %arg5[%dma_wait3A_42, %dma_wait3A_43] : memref<170000x16xf32, #tpu.memory_space<hbm>> -> memref<170000x16xf32, #tpu.memory_space<hbm>>
      tpu.wait_indirect_dma semaphore(%arg15 : memref<!tpu.dma_semaphore, #tpu.memory_space<semaphore_mem>>) src(%dma_wait3A_44 : memref<170000x16xf32, #tpu.memory_space<hbm>>) dst(%arg13 : memref<128x16xf32, #tpu.memory_space<vmem>>)
      %scan3A_45 = arith.constant 0 : i32
      %scan3A_46 = arith.constant 0 : i32
      %scan3A_47 = arith.constant 8 : i32
      %scan3A_48 = arith.addi %scan3A_46, %scan3A_47 : i32
      %scan3A_49 = arith.constant 1 : i32
      %scan3A_50 = scf.for %scan3A_53 = %scan3A_46 to %scan3A_48 step %scan3A_49 iter_args(%scan3A_54 = %scan3A_45) -> (i32)  : i32 {
        %mul3A_55 = arith.constant 128 : i32
        %mul3A_56 = arith.muli %scan3A_33, %mul3A_55 : i32
        %mul3A_57 = arith.constant 16 : i32
        %mul3A_58 = arith.muli %scan3A_53, %mul3A_57 : i32
        %add3A_59 = arith.addi %mul3A_56, %mul3A_58 : i32
        %get3A = arith.index_cast %add3A_59 : i32 to index
        %get3A_60 = tpu.vector_load %arg10[%get3A] {strides = array<i32>} : memref<10368xf32, #tpu.memory_space<vmem>>, vector<16xf32>,
        %get3A_61 = vector.shape_cast %get3A_60 : vector<16xf32> to vector<16xf32>
        %mul3A_62 = arith.constant 16 : i32
        %mul3A_63 = arith.muli %scan3A_53, %mul3A_62 : i32
        %add3A_64 = arith.constant 0 : i32
        %add3A_65 = arith.addi %mul3A_63, %add3A_64 : i32
        %get3A_66 = arith.index_cast %add3A_65 : i32 to index
        %get3A_67 = arith.constant 0 : index
        %get3A_68 = tpu.vector_load %arg13[%get3A_66, %get3A_67] {strides = array<i32>} : memref<128x16xf32, #tpu.memory_space<vmem>>, vector<1x16xf32>,
        %get3A_69 = vector.shape_cast %get3A_68 : vector<1x16xf32> to vector<16xf32>
        %slice3A = vector.extract_strided_slice %get3A_61 {offsets = [0], sizes = [1], strides = [1]} : vector<16xf32> to vector<1xf32>
        %squeeze3A = vector.extract %slice3A[0] : f32 from vector<1xf32>
        %mul3A_70 = vector.broadcast %squeeze3A : f32 to vector<16xf32>
        %mul3A_71 = arith.mulf %get3A_69, %mul3A_70 : vector<16xf32>
        %swap3A = arith.index_cast %add3A_65 : i32 to index
        %swap3A_72 = arith.constant 0 : index
        %swap3A_73 = tpu.vector_load %arg13[%swap3A, %swap3A_72] {strides = array<i32>} : memref<128x16xf32, #tpu.memory_space<vmem>>, vector<1x16xf32>,
        %swap3A_74 = vector.shape_cast %swap3A_73 : vector<1x16xf32> to vector<16xf32>
        %swap3A_75 = vector.shape_cast %mul3A_71 : vector<16xf32> to vector<1x16xf32>
        tpu.vector_store %arg13[%swap3A, %swap3A_72], %swap3A_75 {strides = array<i32>} : memref<128x16xf32, #tpu.memory_space<vmem>>, vector<1x16xf32>,
        %mul3A_76 = arith.constant 16 : i32
        %mul3A_77 = arith.muli %scan3A_53, %mul3A_76 : i32
        %add3A_78 = arith.constant 1 : i32
        %add3A_79 = arith.addi %mul3A_77, %add3A_78 : i32
        %get3A_80 = arith.index_cast %add3A_79 : i32 to index
        %get3A_81 = arith.constant 0 : index
        %get3A_82 = tpu.vector_load %arg13[%get3A_80, %get3A_81] {strides = array<i32>} : memref<128x16xf32, #tpu.memory_space<vmem>>, vector<1x16xf32>,
        %get3A_83 = vector.shape_cast %get3A_82 : vector<1x16xf32> to vector<16xf32>
        %slice3A_84 = vector.extract_strided_slice %get3A_61 {offsets = [1], sizes = [1], strides = [1]} : vector<16xf32> to vector<1xf32>
        %squeeze3A_85 = vector.extract %slice3A_84[0] : f32 from vector<1xf32>
        %mul3A_86 = vector.broadcast %squeeze3A_85 : f32 to vector<16xf32>
        %mul3A_87 = arith.mulf %get3A_83, %mul3A_86 : vector<16xf32>
        %swap3A_88 = arith.index_cast %add3A_79 : i32 to index
        %swap3A_89 = arith.constant 0 : index
        %swap3A_90 = tpu.vector_load %arg13[%swap3A_88, %swap3A_89] {strides = array<i32>} : memref<128x16xf32, #tpu.memory_space<vmem>>, vector<1x16xf32>,
        %swap3A_91 = vector.shape_cast %swap3A_90 : vector<1x16xf32> to vector<16xf32>
        %swap3A_92 = vector.shape_cast %mul3A_87 : vector<16xf32> to vector<1x16xf32>
        tpu.vector_store %arg13[%swap3A_88, %swap3A_89], %swap3A_92 {strides = array<i32>} : memref<128x16xf32, #tpu.memory_space<vmem>>, vector<1x16xf32>,
        %mul3A_93 = arith.constant 16 : i32
        %mul3A_94 = arith.muli %scan3A_53, %mul3A_93 : i32
        %add3A_95 = arith.constant 2 : i32
        %add3A_96 = arith.addi %mul3A_94, %add3A_95 : i32
        %get3A_97 = arith.index_cast %add3A_96 : i32 to index
        %get3A_98 = arith.constant 0 : index
        %get3A_99 = tpu.vector_load %arg13[%get3A_97, %get3A_98] {strides = array<i32>} : memref<128x16xf32, #tpu.memory_space<vmem>>, vector<1x16xf32>,
        %get3A_100 = vector.shape_cast %get3A_99 : vector<1x16xf32> to vector<16xf32>
        %slice3A_101 = vector.extract_strided_slice %get3A_61 {offsets = [2], sizes = [1], strides = [1]} : vector<16xf32> to vector<1xf32>
        %squeeze3A_102 = vector.extract %slice3A_101[0] : f32 from vector<1xf32>
        %mul3A_103 = vector.broadcast %squeeze3A_102 : f32 to vector<16xf32>
        %mul3A_104 = arith.mulf %get3A_100, %mul3A_103 : vector<16xf32>
        %swap3A_105 = arith.index_cast %add3A_96 : i32 to index
        %swap3A_106 = arith.constant 0 : index
        %swap3A_107 = tpu.vector_load %arg13[%swap3A_105, %swap3A_106] {strides = array<i32>} : memref<128x16xf32, #tpu.memory_space<vmem>>, vector<1x16xf32>,
        %swap3A_108 = vector.shape_cast %swap3A_107 : vector<1x16xf32> to vector<16xf32>
        %swap3A_109 = vector.shape_cast %mul3A_104 : vector<16xf32> to vector<1x16xf32>
        tpu.vector_store %arg13[%swap3A_105, %swap3A_106], %swap3A_109 {strides = array<i32>} : memref<128x16xf32, #tpu.memory_space<vmem>>, vector<1x16xf32>,
        %mul3A_110 = arith.constant 16 : i32
        %mul3A_111 = arith.muli %scan3A_53, %mul3A_110 : i32
        %add3A_112 = arith.constant 3 : i32
        %add3A_113 = arith.addi %mul3A_111, %add3A_112 : i32
        %get3A_114 = arith.index_cast %add3A_113 : i32 to index
        %get3A_115 = arith.constant 0 : index
        %get3A_116 = tpu.vector_load %arg13[%get3A_114, %get3A_115] {strides = array<i32>} : memref<128x16xf32, #tpu.memory_space<vmem>>, vector<1x16xf32>,
        %get3A_117 = vector.shape_cast %get3A_116 : vector<1x16xf32> to vector<16xf32>
        %slice3A_118 = vector.extract_strided_slice %get3A_61 {offsets = [3], sizes = [1], strides = [1]} : vector<16xf32> to vector<1xf32>
        %squeeze3A_119 = vector.extract %slice3A_118[0] : f32 from vector<1xf32>
        %mul3A_120 = vector.broadcast %squeeze3A_119 : f32 to vector<16xf32>
        %mul3A_121 = arith.mulf %get3A_117, %mul3A_120 : vector<16xf32>
        %swap3A_122 = arith.index_cast %add3A_113 : i32 to index
        %swap3A_123 = arith.constant 0 : index
        %swap3A_124 = tpu.vector_load %arg13[%swap3A_122, %swap3A_123] {strides = array<i32>} : memref<128x16xf32, #tpu.memory_space<vmem>>, vector<1x16xf32>,
        %swap3A_125 = vector.shape_cast %swap3A_124 : vector<1x16xf32> to vector<16xf32>
        %swap3A_126 = vector.shape_cast %mul3A_121 : vector<16xf32> to vector<1x16xf32>
        tpu.vector_store %arg13[%swap3A_122, %swap3A_123], %swap3A_126 {strides = array<i32>} : memref<128x16xf32, #tpu.memory_space<vmem>>, vector<1x16xf32>,
        %mul3A_127 = arith.constant 16 : i32
        %mul3A_128 = arith.muli %scan3A_53, %mul3A_127 : i32
        %add3A_129 = arith.constant 4 : i32
        %add3A_130 = arith.addi %mul3A_128, %add3A_129 : i32
        %get3A_131 = arith.index_cast %add3A_130 : i32 to index
        %get3A_132 = arith.constant 0 : index
        %get3A_133 = tpu.vector_load %arg13[%get3A_131, %get3A_132] {strides = array<i32>} : memref<128x16xf32, #tpu.memory_space<vmem>>, vector<1x16xf32>,
        %get3A_134 = vector.shape_cast %get3A_133 : vector<1x16xf32> to vector<16xf32>
        %slice3A_135 = vector.extract_strided_slice %get3A_61 {offsets = [4], sizes = [1], strides = [1]} : vector<16xf32> to vector<1xf32>
        %squeeze3A_136 = vector.extract %slice3A_135[0] : f32 from vector<1xf32>
        %mul3A_137 = vector.broadcast %squeeze3A_136 : f32 to vector<16xf32>
        %mul3A_138 = arith.mulf %get3A_134, %mul3A_137 : vector<16xf32>
        %swap3A_139 = arith.index_cast %add3A_130 : i32 to index
        %swap3A_140 = arith.constant 0 : index
        %swap3A_141 = tpu.vector_load %arg13[%swap3A_139, %swap3A_140] {strides = array<i32>} : memref<128x16xf32, #tpu.memory_space<vmem>>, vector<1x16xf32>,
        %swap3A_142 = vector.shape_cast %swap3A_141 : vector<1x16xf32> to vector<16xf32>
        %swap3A_143 = vector.shape_cast %mul3A_138 : vector<16xf32> to vector<1x16xf32>
        tpu.vector_store %arg13[%swap3A_139, %swap3A_140], %swap3A_143 {strides = array<i32>} : memref<128x16xf32, #tpu.memory_space<vmem>>, vector<1x16xf32>,
        %mul3A_144 = arith.constant 16 : i32
        %mul3A_145 = arith.muli %scan3A_53, %mul3A_144 : i32
        %add3A_146 = arith.constant 5 : i32
        %add3A_147 = arith.addi %mul3A_145, %add3A_146 : i32
        %get3A_148 = arith.index_cast %add3A_147 : i32 to index
        %get3A_149 = arith.constant 0 : index
        %get3A_150 = tpu.vector_load %arg13[%get3A_148, %get3A_149] {strides = array<i32>} : memref<128x16xf32, #tpu.memory_space<vmem>>, vector<1x16xf32>,
        %get3A_151 = vector.shape_cast %get3A_150 : vector<1x16xf32> to vector<16xf32>
        %slice3A_152 = vector.extract_strided_slice %get3A_61 {offsets = [5], sizes = [1], strides = [1]} : vector<16xf32> to vector<1xf32>
        %squeeze3A_153 = vector.extract %slice3A_152[0] : f32 from vector<1xf32>
        %mul3A_154 = vector.broadcast %squeeze3A_153 : f32 to vector<16xf32>
        %mul3A_155 = arith.mulf %get3A_151, %mul3A_154 : vector<16xf32>
        %swap3A_156 = arith.index_cast %add3A_147 : i32 to index
        %swap3A_157 = arith.constant 0 : index
        %swap3A_158 = tpu.vector_load %arg13[%swap3A_156, %swap3A_157] {strides = array<i32>} : memref<128x16xf32, #tpu.memory_space<vmem>>, vector<1x16xf32>,
        %swap3A_159 = vector.shape_cast %swap3A_158 : vector<1x16xf32> to vector<16xf32>
        %swap3A_160 = vector.shape_cast %mul3A_155 : vector<16xf32> to vector<1x16xf32>
        tpu.vector_store %arg13[%swap3A_156, %swap3A_157], %swap3A_160 {strides = array<i32>} : memref<128x16xf32, #tpu.memory_space<vmem>>, vector<1x16xf32>,
        %mul3A_161 = arith.constant 16 : i32
        %mul3A_162 = arith.muli %scan3A_53, %mul3A_161 : i32
        %add3A_163 = arith.constant 6 : i32
        %add3A_164 = arith.addi %mul3A_162, %add3A_163 : i32
        %get3A_165 = arith.index_cast %add3A_164 : i32 to index
        %get3A_166 = arith.constant 0 : index
        %get3A_167 = tpu.vector_load %arg13[%get3A_165, %get3A_166] {strides = array<i32>} : memref<128x16xf32, #tpu.memory_space<vmem>>, vector<1x16xf32>,
        %get3A_168 = vector.shape_cast %get3A_167 : vector<1x16xf32> to vector<16xf32>
        %slice3A_169 = vector.extract_strided_slice %get3A_61 {offsets = [6], sizes = [1], strides = [1]} : vector<16xf32> to vector<1xf32>
        %squeeze3A_170 = vector.extract %slice3A_169[0] : f32 from vector<1xf32>
        %mul3A_171 = vector.broadcast %squeeze3A_170 : f32 to vector<16xf32>
        %mul3A_172 = arith.mulf %get3A_168, %mul3A_171 : vector<16xf32>
        %swap3A_173 = arith.index_cast %add3A_164 : i32 to index
        %swap3A_174 = arith.constant 0 : index
        %swap3A_175 = tpu.vector_load %arg13[%swap3A_173, %swap3A_174] {strides = array<i32>} : memref<128x16xf32, #tpu.memory_space<vmem>>, vector<1x16xf32>,
        %swap3A_176 = vector.shape_cast %swap3A_175 : vector<1x16xf32> to vector<16xf32>
        %swap3A_177 = vector.shape_cast %mul3A_172 : vector<16xf32> to vector<1x16xf32>
        tpu.vector_store %arg13[%swap3A_173, %swap3A_174], %swap3A_177 {strides = array<i32>} : memref<128x16xf32, #tpu.memory_space<vmem>>, vector<1x16xf32>,
        %mul3A_178 = arith.constant 16 : i32
        %mul3A_179 = arith.muli %scan3A_53, %mul3A_178 : i32
        %add3A_180 = arith.constant 7 : i32
        %add3A_181 = arith.addi %mul3A_179, %add3A_180 : i32
        %get3A_182 = arith.index_cast %add3A_181 : i32 to index
        %get3A_183 = arith.constant 0 : index
        %get3A_184 = tpu.vector_load %arg13[%get3A_182, %get3A_183] {strides = array<i32>} : memref<128x16xf32, #tpu.memory_space<vmem>>, vector<1x16xf32>,
        %get3A_185 = vector.shape_cast %get3A_184 : vector<1x16xf32> to vector<16xf32>
        %slice3A_186 = vector.extract_strided_slice %get3A_61 {offsets = [7], sizes = [1], strides = [1]} : vector<16xf32> to vector<1xf32>
        %squeeze3A_187 = vector.extract %slice3A_186[0] : f32 from vector<1xf32>
        %mul3A_188 = vector.broadcast %squeeze3A_187 : f32 to vector<16xf32>
        %mul3A_189 = arith.mulf %get3A_185, %mul3A_188 : vector<16xf32>
        %swap3A_190 = arith.index_cast %add3A_181 : i32 to index
        %swap3A_191 = arith.constant 0 : index
        %swap3A_192 = tpu.vector_load %arg13[%swap3A_190, %swap3A_191] {strides = array<i32>} : memref<128x16xf32, #tpu.memory_space<vmem>>, vector<1x16xf32>,
        %swap3A_193 = vector.shape_cast %swap3A_192 : vector<1x16xf32> to vector<16xf32>
        %swap3A_194 = vector.shape_cast %mul3A_189 : vector<16xf32> to vector<1x16xf32>
        tpu.vector_store %arg13[%swap3A_190, %swap3A_191], %swap3A_194 {strides = array<i32>} : memref<128x16xf32, #tpu.memory_space<vmem>>, vector<1x16xf32>,
        %mul3A_195 = arith.constant 16 : i32
        %mul3A_196 = arith.muli %scan3A_53, %mul3A_195 : i32
        %add3A_197 = arith.constant 8 : i32
        %add3A_198 = arith.addi %mul3A_196, %add3A_197 : i32
        %get3A_199 = arith.index_cast %add3A_198 : i32 to index
        %get3A_200 = arith.constant 0 : index
        %get3A_201 = tpu.vector_load %arg13[%get3A_199, %get3A_200] {strides = array<i32>} : memref<128x16xf32, #tpu.memory_space<vmem>>, vector<1x16xf32>,
        %get3A_202 = vector.shape_cast %get3A_201 : vector<1x16xf32> to vector<16xf32>
        %slice3A_203 = vector.extract_strided_slice %get3A_61 {offsets = [8], sizes = [1], strides = [1]} : vector<16xf32> to vector<1xf32>
        %squeeze3A_204 = vector.extract %slice3A_203[0] : f32 from vector<1xf32>
        %mul3A_205 = vector.broadcast %squeeze3A_204 : f32 to vector<16xf32>
        %mul3A_206 = arith.mulf %get3A_202, %mul3A_205 : vector<16xf32>
        %swap3A_207 = arith.index_cast %add3A_198 : i32 to index
        %swap3A_208 = arith.constant 0 : index
        %swap3A_209 = tpu.vector_load %arg13[%swap3A_207, %swap3A_208] {strides = array<i32>} : memref<128x16xf32, #tpu.memory_space<vmem>>, vector<1x16xf32>,
        %swap3A_210 = vector.shape_cast %swap3A_209 : vector<1x16xf32> to vector<16xf32>
        %swap3A_211 = vector.shape_cast %mul3A_206 : vector<16xf32> to vector<1x16xf32>
        tpu.vector_store %arg13[%swap3A_207, %swap3A_208], %swap3A_211 {strides = array<i32>} : memref<128x16xf32, #tpu.memory_space<vmem>>, vector<1x16xf32>,
        %mul3A_212 = arith.constant 16 : i32
        %mul3A_213 = arith.muli %scan3A_53, %mul3A_212 : i32
        %add3A_214 = arith.constant 9 : i32
        %add3A_215 = arith.addi %mul3A_213, %add3A_214 : i32
        %get3A_216 = arith.index_cast %add3A_215 : i32 to index
        %get3A_217 = arith.constant 0 : index
        %get3A_218 = tpu.vector_load %arg13[%get3A_216, %get3A_217] {strides = array<i32>} : memref<128x16xf32, #tpu.memory_space<vmem>>, vector<1x16xf32>,
        %get3A_219 = vector.shape_cast %get3A_218 : vector<1x16xf32> to vector<16xf32>
        %slice3A_220 = vector.extract_strided_slice %get3A_61 {offsets = [9], sizes = [1], strides = [1]} : vector<16xf32> to vector<1xf32>
        %squeeze3A_221 = vector.extract %slice3A_220[0] : f32 from vector<1xf32>
        %mul3A_222 = vector.broadcast %squeeze3A_221 : f32 to vector<16xf32>
        %mul3A_223 = arith.mulf %get3A_219, %mul3A_222 : vector<16xf32>
        %swap3A_224 = arith.index_cast %add3A_215 : i32 to index
        %swap3A_225 = arith.constant 0 : index
        %swap3A_226 = tpu.vector_load %arg13[%swap3A_224, %swap3A_225] {strides = array<i32>} : memref<128x16xf32, #tpu.memory_space<vmem>>, vector<1x16xf32>,
        %swap3A_227 = vector.shape_cast %swap3A_226 : vector<1x16xf32> to vector<16xf32>
        %swap3A_228 = vector.shape_cast %mul3A_223 : vector<16xf32> to vector<1x16xf32>
        tpu.vector_store %arg13[%swap3A_224, %swap3A_225], %swap3A_228 {strides = array<i32>} : memref<128x16xf32, #tpu.memory_space<vmem>>, vector<1x16xf32>,
        %mul3A_229 = arith.constant 16 : i32
        %mul3A_230 = arith.muli %scan3A_53, %mul3A_229 : i32
        %add3A_231 = arith.constant 10 : i32
        %add3A_232 = arith.addi %mul3A_230, %add3A_231 : i32
        %get3A_233 = arith.index_cast %add3A_232 : i32 to index
        %get3A_234 = arith.constant 0 : index
        %get3A_235 = tpu.vector_load %arg13[%get3A_233, %get3A_234] {strides = array<i32>} : memref<128x16xf32, #tpu.memory_space<vmem>>, vector<1x16xf32>,
        %get3A_236 = vector.shape_cast %get3A_235 : vector<1x16xf32> to vector<16xf32>
        %slice3A_237 = vector.extract_strided_slice %get3A_61 {offsets = [10], sizes = [1], strides = [1]} : vector<16xf32> to vector<1xf32>
        %squeeze3A_238 = vector.extract %slice3A_237[0] : f32 from vector<1xf32>
        %mul3A_239 = vector.broadcast %squeeze3A_238 : f32 to vector<16xf32>
        %mul3A_240 = arith.mulf %get3A_236, %mul3A_239 : vector<16xf32>
        %swap3A_241 = arith.index_cast %add3A_232 : i32 to index
        %swap3A_242 = arith.constant 0 : index
        %swap3A_243 = tpu.vector_load %arg13[%swap3A_241, %swap3A_242] {strides = array<i32>} : memref<128x16xf32, #tpu.memory_space<vmem>>, vector<1x16xf32>,
        %swap3A_244 = vector.shape_cast %swap3A_243 : vector<1x16xf32> to vector<16xf32>
        %swap3A_245 = vector.shape_cast %mul3A_240 : vector<16xf32> to vector<1x16xf32>
        tpu.vector_store %arg13[%swap3A_241, %swap3A_242], %swap3A_245 {strides = array<i32>} : memref<128x16xf32, #tpu.memory_space<vmem>>, vector<1x16xf32>,
        %mul3A_246 = arith.constant 16 : i32
        %mul3A_247 = arith.muli %scan3A_53, %mul3A_246 : i32
        %add3A_248 = arith.constant 11 : i32
        %add3A_249 = arith.addi %mul3A_247, %add3A_248 : i32
        %get3A_250 = arith.index_cast %add3A_249 : i32 to index
        %get3A_251 = arith.constant 0 : index
        %get3A_252 = tpu.vector_load %arg13[%get3A_250, %get3A_251] {strides = array<i32>} : memref<128x16xf32, #tpu.memory_space<vmem>>, vector<1x16xf32>,
        %get3A_253 = vector.shape_cast %get3A_252 : vector<1x16xf32> to vector<16xf32>
        %slice3A_254 = vector.extract_strided_slice %get3A_61 {offsets = [11], sizes = [1], strides = [1]} : vector<16xf32> to vector<1xf32>
        %squeeze3A_255 = vector.extract %slice3A_254[0] : f32 from vector<1xf32>
        %mul3A_256 = vector.broadcast %squeeze3A_255 : f32 to vector<16xf32>
        %mul3A_257 = arith.mulf %get3A_253, %mul3A_256 : vector<16xf32>
        %swap3A_258 = arith.index_cast %add3A_249 : i32 to index
        %swap3A_259 = arith.constant 0 : index
        %swap3A_260 = tpu.vector_load %arg13[%swap3A_258, %swap3A_259] {strides = array<i32>} : memref<128x16xf32, #tpu.memory_space<vmem>>, vector<1x16xf32>,
        %swap3A_261 = vector.shape_cast %swap3A_260 : vector<1x16xf32> to vector<16xf32>
        %swap3A_262 = vector.shape_cast %mul3A_257 : vector<16xf32> to vector<1x16xf32>
        tpu.vector_store %arg13[%swap3A_258, %swap3A_259], %swap3A_262 {strides = array<i32>} : memref<128x16xf32, #tpu.memory_space<vmem>>, vector<1x16xf32>,
        %mul3A_263 = arith.constant 16 : i32
        %mul3A_264 = arith.muli %scan3A_53, %mul3A_263 : i32
        %add3A_265 = arith.constant 12 : i32
        %add3A_266 = arith.addi %mul3A_264, %add3A_265 : i32
        %get3A_267 = arith.index_cast %add3A_266 : i32 to index
        %get3A_268 = arith.constant 0 : index
        %get3A_269 = tpu.vector_load %arg13[%get3A_267, %get3A_268] {strides = array<i32>} : memref<128x16xf32, #tpu.memory_space<vmem>>, vector<1x16xf32>,
        %get3A_270 = vector.shape_cast %get3A_269 : vector<1x16xf32> to vector<16xf32>
        %slice3A_271 = vector.extract_strided_slice %get3A_61 {offsets = [12], sizes = [1], strides = [1]} : vector<16xf32> to vector<1xf32>
        %squeeze3A_272 = vector.extract %slice3A_271[0] : f32 from vector<1xf32>
        %mul3A_273 = vector.broadcast %squeeze3A_272 : f32 to vector<16xf32>
        %mul3A_274 = arith.mulf %get3A_270, %mul3A_273 : vector<16xf32>
        %swap3A_275 = arith.index_cast %add3A_266 : i32 to index
        %swap3A_276 = arith.constant 0 : index
        %swap3A_277 = tpu.vector_load %arg13[%swap3A_275, %swap3A_276] {strides = array<i32>} : memref<128x16xf32, #tpu.memory_space<vmem>>, vector<1x16xf32>,
        %swap3A_278 = vector.shape_cast %swap3A_277 : vector<1x16xf32> to vector<16xf32>
        %swap3A_279 = vector.shape_cast %mul3A_274 : vector<16xf32> to vector<1x16xf32>
        tpu.vector_store %arg13[%swap3A_275, %swap3A_276], %swap3A_279 {strides = array<i32>} : memref<128x16xf32, #tpu.memory_space<vmem>>, vector<1x16xf32>,
        %mul3A_280 = arith.constant 16 : i32
        %mul3A_281 = arith.muli %scan3A_53, %mul3A_280 : i32
        %add3A_282 = arith.constant 13 : i32
        %add3A_283 = arith.addi %mul3A_281, %add3A_282 : i32
        %get3A_284 = arith.index_cast %add3A_283 : i32 to index
        %get3A_285 = arith.constant 0 : index
        %get3A_286 = tpu.vector_load %arg13[%get3A_284, %get3A_285] {strides = array<i32>} : memref<128x16xf32, #tpu.memory_space<vmem>>, vector<1x16xf32>,
        %get3A_287 = vector.shape_cast %get3A_286 : vector<1x16xf32> to vector<16xf32>
        %slice3A_288 = vector.extract_strided_slice %get3A_61 {offsets = [13], sizes = [1], strides = [1]} : vector<16xf32> to vector<1xf32>
        %squeeze3A_289 = vector.extract %slice3A_288[0] : f32 from vector<1xf32>
        %mul3A_290 = vector.broadcast %squeeze3A_289 : f32 to vector<16xf32>
        %mul3A_291 = arith.mulf %get3A_287, %mul3A_290 : vector<16xf32>
        %swap3A_292 = arith.index_cast %add3A_283 : i32 to index
        %swap3A_293 = arith.constant 0 : index
        %swap3A_294 = tpu.vector_load %arg13[%swap3A_292, %swap3A_293] {strides = array<i32>} : memref<128x16xf32, #tpu.memory_space<vmem>>, vector<1x16xf32>,
        %swap3A_295 = vector.shape_cast %swap3A_294 : vector<1x16xf32> to vector<16xf32>
        %swap3A_296 = vector.shape_cast %mul3A_291 : vector<16xf32> to vector<1x16xf32>
        tpu.vector_store %arg13[%swap3A_292, %swap3A_293], %swap3A_296 {strides = array<i32>} : memref<128x16xf32, #tpu.memory_space<vmem>>, vector<1x16xf32>,
        %mul3A_297 = arith.constant 16 : i32
        %mul3A_298 = arith.muli %scan3A_53, %mul3A_297 : i32
        %add3A_299 = arith.constant 14 : i32
        %add3A_300 = arith.addi %mul3A_298, %add3A_299 : i32
        %get3A_301 = arith.index_cast %add3A_300 : i32 to index
        %get3A_302 = arith.constant 0 : index
        %get3A_303 = tpu.vector_load %arg13[%get3A_301, %get3A_302] {strides = array<i32>} : memref<128x16xf32, #tpu.memory_space<vmem>>, vector<1x16xf32>,
        %get3A_304 = vector.shape_cast %get3A_303 : vector<1x16xf32> to vector<16xf32>
        %slice3A_305 = vector.extract_strided_slice %get3A_61 {offsets = [14], sizes = [1], strides = [1]} : vector<16xf32> to vector<1xf32>
        %squeeze3A_306 = vector.extract %slice3A_305[0] : f32 from vector<1xf32>
        %mul3A_307 = vector.broadcast %squeeze3A_306 : f32 to vector<16xf32>
        %mul3A_308 = arith.mulf %get3A_304, %mul3A_307 : vector<16xf32>
        %swap3A_309 = arith.index_cast %add3A_300 : i32 to index
        %swap3A_310 = arith.constant 0 : index
        %swap3A_311 = tpu.vector_load %arg13[%swap3A_309, %swap3A_310] {strides = array<i32>} : memref<128x16xf32, #tpu.memory_space<vmem>>, vector<1x16xf32>,
        %swap3A_312 = vector.shape_cast %swap3A_311 : vector<1x16xf32> to vector<16xf32>
        %swap3A_313 = vector.shape_cast %mul3A_308 : vector<16xf32> to vector<1x16xf32>
        tpu.vector_store %arg13[%swap3A_309, %swap3A_310], %swap3A_313 {strides = array<i32>} : memref<128x16xf32, #tpu.memory_space<vmem>>, vector<1x16xf32>,
        %mul3A_314 = arith.constant 16 : i32
        %mul3A_315 = arith.muli %scan3A_53, %mul3A_314 : i32
        %add3A_316 = arith.constant 15 : i32
        %add3A_317 = arith.addi %mul3A_315, %add3A_316 : i32
        %get3A_318 = arith.index_cast %add3A_317 : i32 to index
        %get3A_319 = arith.constant 0 : index
        %get3A_320 = tpu.vector_load %arg13[%get3A_318, %get3A_319] {strides = array<i32>} : memref<128x16xf32, #tpu.memory_space<vmem>>, vector<1x16xf32>,
        %get3A_321 = vector.shape_cast %get3A_320 : vector<1x16xf32> to vector<16xf32>
        %slice3A_322 = vector.extract_strided_slice %get3A_61 {offsets = [15], sizes = [1], strides = [1]} : vector<16xf32> to vector<1xf32>
        %squeeze3A_323 = vector.extract %slice3A_322[0] : f32 from vector<1xf32>
        %mul3A_324 = vector.broadcast %squeeze3A_323 : f32 to vector<16xf32>
        %mul3A_325 = arith.mulf %get3A_321, %mul3A_324 : vector<16xf32>
        %swap3A_326 = arith.index_cast %add3A_317 : i32 to index
        %swap3A_327 = arith.constant 0 : index
        %swap3A_328 = tpu.vector_load %arg13[%swap3A_326, %swap3A_327] {strides = array<i32>} : memref<128x16xf32, #tpu.memory_space<vmem>>, vector<1x16xf32>,
        %swap3A_329 = vector.shape_cast %swap3A_328 : vector<1x16xf32> to vector<16xf32>
        %swap3A_330 = vector.shape_cast %mul3A_325 : vector<16xf32> to vector<1x16xf32>
        tpu.vector_store %arg13[%swap3A_326, %swap3A_327], %swap3A_330 {strides = array<i32>} : memref<128x16xf32, #tpu.memory_space<vmem>>, vector<1x16xf32>,
        %scan3A_331 = arith.constant 0 : i32
        scf.yield %scan3A_331 : i32
      }
      %scan3A_51 = arith.constant 8 : i32
      "tpu.region"() ({
        %run_scoped3A = tpu.sem_alloc : memref<!tpu.dma_semaphore, #tpu.memory_space<semaphore_mem>>
        %dma_start3A_53 = arith.constant 0 : i32
        %dma_start3A_54 = tpu.memref_slice %arg12[%scan3A_33, %dma_start3A_53] : memref<81x128xi32, #tpu.memory_space<vmem>> -> memref<1x128xi32, #tpu.memory_space<vmem>>
        %dma_start3A_55 = tpu.memref_squeeze %dma_start3A_54 : memref<1x128xi32, #tpu.memory_space<vmem>> -> memref<128xi32, #tpu.memory_space<vmem>>
        %dma_start3A_56 = arith.constant 0 : i32
        %dma_start3A_57 = arith.constant 0 : i32
        %dma_start3A_58 = tpu.memref_slice %arg14[%dma_start3A_56, %dma_start3A_57] : memref<10000x16xf32, #tpu.memory_space<vmem_shared>> -> memref<10000x16xf32, #tpu.memory_space<vmem_shared>>
        tpu.enqueue_indirect_dma source(%arg13 : memref<128x16xf32, #tpu.memory_space<vmem>>) target(%dma_start3A_58 : memref<10000x16xf32, #tpu.memory_space<vmem_shared>>) offsets(%dma_start3A_55 : memref<128xi32, #tpu.memory_space<vmem>>) semaphore(%run_scoped3A : memref<!tpu.dma_semaphore, #tpu.memory_space<semaphore_mem>>) {add = true}
        %dma_wait3A_59 = arith.constant 0 : i32
        %dma_wait3A_60 = tpu.memref_slice %arg12[%scan3A_33, %dma_wait3A_59] : memref<81x128xi32, #tpu.memory_space<vmem>> -> memref<1x128xi32, #tpu.memory_space<vmem>>
        %dma_wait3A_61 = tpu.memref_squeeze %dma_wait3A_60 : memref<1x128xi32, #tpu.memory_space<vmem>> -> memref<128xi32, #tpu.memory_space<vmem>>
        %dma_wait3A_62 = arith.constant 0 : i32
        %dma_wait3A_63 = arith.constant 0 : i32
        %dma_wait3A_64 = tpu.memref_slice %arg14[%dma_wait3A_62, %dma_wait3A_63] : memref<10000x16xf32, #tpu.memory_space<vmem_shared>> -> memref<10000x16xf32, #tpu.memory_space<vmem_shared>>
        tpu.wait_indirect_dma semaphore(%run_scoped3A : memref<!tpu.dma_semaphore, #tpu.memory_space<semaphore_mem>>) src(%arg13 : memref<128x16xf32, #tpu.memory_space<vmem>>) dst(%dma_wait3A_64 : memref<10000x16xf32, #tpu.memory_space<vmem_shared>>)
        tpu.yield
      }) : () -> ()
      %scan3A_52 = arith.constant 0 : i32
      scf.yield %scan3A_52 : i32
    }
    %scan3A_21 = arith.constant 81 : i32
    %barrier3A_22 = arith.constant 0 : index
    tpu.barrier barrier_id(%barrier3A_22)
    %lt3A_23 = arith.constant 15 : i32
    %lt3A_24 = arith.cmpi slt, %arg1, %lt3A_23 : i32
    %convert_element_type3A_25 = arith.extui %lt3A_24 : i1 to i32
    %cond3A_26 = arith.constant 0 : i32
    %cond3A_27 = arith.cmpi ne, %convert_element_type3A_25, %cond3A_26 : i32
    scf.if %cond3A_27 {
      %mul3A_33 = arith.constant 640 : i32
      %mul3A_34 = arith.muli %arg1, %mul3A_33 : i32
      %mul3A_35 = arith.constant 640 : i32
      %mul3A_36 = arith.muli %arg1, %mul3A_35 : i32
      "tpu.region"() ({
        %run_scoped3A = tpu.sem_alloc : memref<!tpu.dma_semaphore, #tpu.memory_space<semaphore_mem>>
        %dma_start3A = arith.constant 0 : i32
        %dma_start3A_37 = tpu.memref_slice %arg7[%arg0, %mul3A_36, %dma_start3A] : memref<2x10000x16xf32, #tpu.memory_space<hbm>> -> memref<1x640x16xf32, #tpu.memory_space<hbm>>
        %dma_start3A_38 = tpu.memref_squeeze %dma_start3A_37 : memref<1x640x16xf32, #tpu.memory_space<hbm>> -> memref<640x16xf32, #tpu.memory_space<hbm>>
        %dma_start3A_39 = arith.constant 0 : i32
        %dma_start3A_40 = tpu.memref_slice %arg14[%mul3A_34, %dma_start3A_39] : memref<10000x16xf32, #tpu.memory_space<vmem_shared>> -> memref<640x16xf32, #tpu.memory_space<vmem_shared>>
        tpu.enqueue_dma source(%dma_start3A_40 : memref<640x16xf32, #tpu.memory_space<vmem_shared>>) target(%dma_start3A_38 : memref<640x16xf32, #tpu.memory_space<hbm>>) target_semaphore(%run_scoped3A : memref<!tpu.dma_semaphore, #tpu.memory_space<semaphore_mem>>)
        %dma_wait3A = arith.constant 0 : i32
        %dma_wait3A_41 = tpu.memref_slice %arg7[%arg0, %mul3A_36, %dma_wait3A] : memref<2x10000x16xf32, #tpu.memory_space<hbm>> -> memref<1x640x16xf32, #tpu.memory_space<hbm>>
        %dma_wait3A_42 = tpu.memref_squeeze %dma_wait3A_41 : memref<1x640x16xf32, #tpu.memory_space<hbm>> -> memref<640x16xf32, #tpu.memory_space<hbm>>
        %dma_wait3A_43 = arith.constant 0 : i32
        %dma_wait3A_44 = tpu.memref_slice %arg14[%mul3A_34, %dma_wait3A_43] : memref<10000x16xf32, #tpu.memory_space<vmem_shared>> -> memref<640x16xf32, #tpu.memory_space<vmem_shared>>
        tpu.wait_dma2 semaphore(%run_scoped3A : memref<!tpu.dma_semaphore, #tpu.memory_space<semaphore_mem>>) src(%dma_wait3A_44 : memref<640x16xf32, #tpu.memory_space<vmem_shared>>) dst(%dma_wait3A_42 : memref<640x16xf32, #tpu.memory_space<hbm>>)
        tpu.yield
      }) : () -> ()
    } else {
    }
    %eq3A_28 = arith.constant 15 : i32
    %eq3A_29 = arith.cmpi eq, %arg1, %eq3A_28 : i32
    %convert_element_type3A_30 = arith.extui %eq3A_29 : i1 to i32
    %cond3A_31 = arith.constant 0 : i32
    %cond3A_32 = arith.cmpi ne, %convert_element_type3A_30, %cond3A_31 : i32
    scf.if %cond3A_32 {
      "tpu.region"() ({
        %run_scoped3A = tpu.sem_alloc : memref<!tpu.dma_semaphore, #tpu.memory_space<semaphore_mem>>
        %dma_start3A = arith.constant 9600 : i32
        %dma_start3A_33 = arith.constant 0 : i32
        %dma_start3A_34 = tpu.memref_slice %arg7[%arg0, %dma_start3A, %dma_start3A_33] : memref<2x10000x16xf32, #tpu.memory_space<hbm>> -> memref<1x400x16xf32, #tpu.memory_space<hbm>>
        %dma_start3A_35 = tpu.memref_squeeze %dma_start3A_34 : memref<1x400x16xf32, #tpu.memory_space<hbm>> -> memref<400x16xf32, #tpu.memory_space<hbm>>
        %dma_start3A_36 = arith.constant 9600 : i32
        %dma_start3A_37 = arith.constant 0 : i32
        %dma_start3A_38 = tpu.memref_slice %arg14[%dma_start3A_36, %dma_start3A_37] : memref<10000x16xf32, #tpu.memory_space<vmem_shared>> -> memref<400x16xf32, #tpu.memory_space<vmem_shared>>
        tpu.enqueue_dma source(%dma_start3A_38 : memref<400x16xf32, #tpu.memory_space<vmem_shared>>) target(%dma_start3A_35 : memref<400x16xf32, #tpu.memory_space<hbm>>) target_semaphore(%run_scoped3A : memref<!tpu.dma_semaphore, #tpu.memory_space<semaphore_mem>>)
        %dma_wait3A = arith.constant 9600 : i32
        %dma_wait3A_39 = arith.constant 0 : i32
        %dma_wait3A_40 = tpu.memref_slice %arg7[%arg0, %dma_wait3A, %dma_wait3A_39] : memref<2x10000x16xf32, #tpu.memory_space<hbm>> -> memref<1x400x16xf32, #tpu.memory_space<hbm>>
        %dma_wait3A_41 = tpu.memref_squeeze %dma_wait3A_40 : memref<1x400x16xf32, #tpu.memory_space<hbm>> -> memref<400x16xf32, #tpu.memory_space<hbm>>
        %dma_wait3A_42 = arith.constant 9600 : i32
        %dma_wait3A_43 = arith.constant 0 : i32
        %dma_wait3A_44 = tpu.memref_slice %arg14[%dma_wait3A_42, %dma_wait3A_43] : memref<10000x16xf32, #tpu.memory_space<vmem_shared>> -> memref<400x16xf32, #tpu.memory_space<vmem_shared>>
        tpu.wait_dma2 semaphore(%run_scoped3A : memref<!tpu.dma_semaphore, #tpu.memory_space<semaphore_mem>>) src(%dma_wait3A_44 : memref<400x16xf32, #tpu.memory_space<vmem_shared>>) dst(%dma_wait3A_41 : memref<400x16xf32, #tpu.memory_space<hbm>>)
        tpu.yield
      }) : () -> ()
    } else {
    }
    return
  }
}

#map = affine_map<(d0, d1) -> (0)>
#map1 = affine_map<(d0, d1) -> (0, 0)>
#map2 = affine_map<(d0, d1) -> (0, 0, 0)>
module attributes {stable_mosaic.version = 14 : i64} {
  func.func @edge_pass(%arg0: i32, %arg1: i32, %arg2: memref<331776xi32, #tpu.memory_space<hbm>>, %arg3: memref<331776xi32, #tpu.memory_space<hbm>>, %arg4: memref<331776xf32, #tpu.memory_space<hbm>>, %arg5: memref<170000x16xf32, #tpu.memory_space<hbm>>, %arg6: memref<10000x16xf32, #tpu.memory_space<hbm>>, %arg7: memref<2x10000x16xf32, #tpu.memory_space<hbm>>, %arg8: memref<10368xi32, #tpu.memory_space<vmem>>, %arg9: memref<10368xi32, #tpu.memory_space<vmem>>, %arg10: memref<10368xf32, #tpu.memory_space<vmem>>, %arg11: memref<81x128xi32, #tpu.memory_space<vmem>>, %arg12: memref<81x128xi32, #tpu.memory_space<vmem>>, %arg13: memref<128x16xf32, #tpu.memory_space<vmem>>, %arg14: memref<10000x16xf32, #tpu.memory_space<vmem_shared>>, %arg15: memref<!tpu.dma_semaphore, #tpu.memory_space<semaphore_mem>>) attributes {dimension_semantics = [#tpu.dimension_semantics<core_parallel>, #tpu.dimension_semantics<subcore_parallel>], iteration_bounds = array<i64: 2, 16>, scalar_prefetch = 0 : i64, scratch_operands = 8 : i64, tpu.core_type = #tpu.core_type<sc_vector_subcore>, window_params = [{transform_indices = #map}, {transform_indices = #map}, {transform_indices = #map}, {transform_indices = #map1}, {transform_indices = #map1}, {transform_indices = #map2}]} {
    %mul3A = arith.constant 2 : i32
    %mul3A_0 = arith.muli %arg1, %mul3A : i32
    %add3A = arith.addi %mul3A_0, %arg0 : i32
    %mul3A_1 = arith.constant 10368 : i32
    %mul3A_2 = arith.muli %add3A, %mul3A_1 : i32
    "tpu.region"() ({
      %run_scoped3A = tpu.sem_alloc : memref<!tpu.dma_semaphore, #tpu.memory_space<semaphore_mem>>
      %dma_start3A = tpu.memref_slice %arg2[%mul3A_2] : memref<331776xi32, #tpu.memory_space<hbm>> -> memref<10368xi32, #tpu.memory_space<hbm>>
      %dma_start3A_33 = tpu.memref_slice %arg2[%mul3A_2] : memref<331776xi32, #tpu.memory_space<hbm>> -> memref<10368xi32, #tpu.memory_space<hbm>>
      tpu.enqueue_dma source(%dma_start3A_33 : memref<10368xi32, #tpu.memory_space<hbm>>) target(%arg8 : memref<10368xi32, #tpu.memory_space<vmem>>) target_semaphore(%run_scoped3A : memref<!tpu.dma_semaphore, #tpu.memory_space<semaphore_mem>>)
      %dma_wait3A = tpu.memref_slice %arg2[%mul3A_2] : memref<331776xi32, #tpu.memory_space<hbm>> -> memref<10368xi32, #tpu.memory_space<hbm>>
      %dma_wait3A_34 = tpu.memref_slice %arg2[%mul3A_2] : memref<331776xi32, #tpu.memory_space<hbm>> -> memref<10368xi32, #tpu.memory_space<hbm>>
      tpu.wait_dma2 semaphore(%run_scoped3A : memref<!tpu.dma_semaphore, #tpu.memory_space<semaphore_mem>>) src(%dma_wait3A_34 : memref<10368xi32, #tpu.memory_space<hbm>>) dst(%arg8 : memref<10368xi32, #tpu.memory_space<vmem>>)
      tpu.yield
    }) : () -> ()
    "tpu.region"() ({
      %run_scoped3A = tpu.sem_alloc : memref<!tpu.dma_semaphore, #tpu.memory_space<semaphore_mem>>
      %dma_start3A = tpu.memref_slice %arg3[%mul3A_2] : memref<331776xi32, #tpu.memory_space<hbm>> -> memref<10368xi32, #tpu.memory_space<hbm>>
      %dma_start3A_33 = tpu.memref_slice %arg3[%mul3A_2] : memref<331776xi32, #tpu.memory_space<hbm>> -> memref<10368xi32, #tpu.memory_space<hbm>>
      tpu.enqueue_dma source(%dma_start3A_33 : memref<10368xi32, #tpu.memory_space<hbm>>) target(%arg9 : memref<10368xi32, #tpu.memory_space<vmem>>) target_semaphore(%run_scoped3A : memref<!tpu.dma_semaphore, #tpu.memory_space<semaphore_mem>>)
      %dma_wait3A = tpu.memref_slice %arg3[%mul3A_2] : memref<331776xi32, #tpu.memory_space<hbm>> -> memref<10368xi32, #tpu.memory_space<hbm>>
      %dma_wait3A_34 = tpu.memref_slice %arg3[%mul3A_2] : memref<331776xi32, #tpu.memory_space<hbm>> -> memref<10368xi32, #tpu.memory_space<hbm>>
      tpu.wait_dma2 semaphore(%run_scoped3A : memref<!tpu.dma_semaphore, #tpu.memory_space<semaphore_mem>>) src(%dma_wait3A_34 : memref<10368xi32, #tpu.memory_space<hbm>>) dst(%arg9 : memref<10368xi32, #tpu.memory_space<vmem>>)
      tpu.yield
    }) : () -> ()
    "tpu.region"() ({
      %run_scoped3A = tpu.sem_alloc : memref<!tpu.dma_semaphore, #tpu.memory_space<semaphore_mem>>
      %dma_start3A = tpu.memref_slice %arg4[%mul3A_2] : memref<331776xf32, #tpu.memory_space<hbm>> -> memref<10368xf32, #tpu.memory_space<hbm>>
      %dma_start3A_33 = tpu.memref_slice %arg4[%mul3A_2] : memref<331776xf32, #tpu.memory_space<hbm>> -> memref<10368xf32, #tpu.memory_space<hbm>>
      tpu.enqueue_dma source(%dma_start3A_33 : memref<10368xf32, #tpu.memory_space<hbm>>) target(%arg10 : memref<10368xf32, #tpu.memory_space<vmem>>) target_semaphore(%run_scoped3A : memref<!tpu.dma_semaphore, #tpu.memory_space<semaphore_mem>>)
      %dma_wait3A = tpu.memref_slice %arg4[%mul3A_2] : memref<331776xf32, #tpu.memory_space<hbm>> -> memref<10368xf32, #tpu.memory_space<hbm>>
      %dma_wait3A_34 = tpu.memref_slice %arg4[%mul3A_2] : memref<331776xf32, #tpu.memory_space<hbm>> -> memref<10368xf32, #tpu.memory_space<hbm>>
      tpu.wait_dma2 semaphore(%run_scoped3A : memref<!tpu.dma_semaphore, #tpu.memory_space<semaphore_mem>>) src(%dma_wait3A_34 : memref<10368xf32, #tpu.memory_space<hbm>>) dst(%arg10 : memref<10368xf32, #tpu.memory_space<vmem>>)
      tpu.yield
    }) : () -> ()
    %lt3A = arith.constant 15 : i32
    %lt3A_3 = arith.cmpi slt, %arg1, %lt3A : i32
    %convert_element_type3A = arith.extui %lt3A_3 : i1 to i32
    %cond3A = arith.constant 0 : i32
    %cond3A_4 = arith.cmpi ne, %convert_element_type3A, %cond3A : i32
    scf.if %cond3A_4 {
      %mul3A_33 = arith.constant 640 : i32
      %mul3A_34 = arith.muli %arg1, %mul3A_33 : i32
      %mul3A_35 = arith.constant 640 : i32
      %mul3A_36 = arith.muli %arg1, %mul3A_35 : i32
      "tpu.region"() ({
        %run_scoped3A = tpu.sem_alloc : memref<!tpu.dma_semaphore, #tpu.memory_space<semaphore_mem>>
        %dma_start3A = arith.constant 0 : i32
        %dma_start3A_37 = tpu.memref_slice %arg14[%mul3A_36, %dma_start3A] : memref<10000x16xf32, #tpu.memory_space<vmem_shared>> -> memref<640x16xf32, #tpu.memory_space<vmem_shared>>
        %dma_start3A_38 = arith.constant 0 : i32
        %dma_start3A_39 = tpu.memref_slice %arg6[%mul3A_34, %dma_start3A_38] : memref<10000x16xf32, #tpu.memory_space<hbm>> -> memref<640x16xf32, #tpu.memory_space<hbm>>
        tpu.enqueue_dma source(%dma_start3A_39 : memref<640x16xf32, #tpu.memory_space<hbm>>) target(%dma_start3A_37 : memref<640x16xf32, #tpu.memory_space<vmem_shared>>) target_semaphore(%run_scoped3A : memref<!tpu.dma_semaphore, #tpu.memory_space<semaphore_mem>>)
        %dma_wait3A = arith.constant 0 : i32
        %dma_wait3A_40 = tpu.memref_slice %arg14[%mul3A_36, %dma_wait3A] : memref<10000x16xf32, #tpu.memory_space<vmem_shared>> -> memref<640x16xf32, #tpu.memory_space<vmem_shared>>
        %dma_wait3A_41 = arith.constant 0 : i32
        %dma_wait3A_42 = tpu.memref_slice %arg6[%mul3A_34, %dma_wait3A_41] : memref<10000x16xf32, #tpu.memory_space<hbm>> -> memref<640x16xf32, #tpu.memory_space<hbm>>
        tpu.wait_dma2 semaphore(%run_scoped3A : memref<!tpu.dma_semaphore, #tpu.memory_space<semaphore_mem>>) src(%dma_wait3A_42 : memref<640x16xf32, #tpu.memory_space<hbm>>) dst(%dma_wait3A_40 : memref<640x16xf32, #tpu.memory_space<vmem_shared>>)
        tpu.yield
      }) : () -> ()
    } else {
    }
    %eq3A = arith.constant 15 : i32
    %eq3A_5 = arith.cmpi eq, %arg1, %eq3A : i32
    %convert_element_type3A_6 = arith.extui %eq3A_5 : i1 to i32
    %cond3A_7 = arith.constant 0 : i32
    %cond3A_8 = arith.cmpi ne, %convert_element_type3A_6, %cond3A_7 : i32
    scf.if %cond3A_8 {
      "tpu.region"() ({
        %run_scoped3A = tpu.sem_alloc : memref<!tpu.dma_semaphore, #tpu.memory_space<semaphore_mem>>
        %dma_start3A = arith.constant 9600 : i32
        %dma_start3A_33 = arith.constant 0 : i32
        %dma_start3A_34 = tpu.memref_slice %arg14[%dma_start3A, %dma_start3A_33] : memref<10000x16xf32, #tpu.memory_space<vmem_shared>> -> memref<400x16xf32, #tpu.memory_space<vmem_shared>>
        %dma_start3A_35 = arith.constant 9600 : i32
        %dma_start3A_36 = arith.constant 0 : i32
        %dma_start3A_37 = tpu.memref_slice %arg6[%dma_start3A_35, %dma_start3A_36] : memref<10000x16xf32, #tpu.memory_space<hbm>> -> memref<400x16xf32, #tpu.memory_space<hbm>>
        tpu.enqueue_dma source(%dma_start3A_37 : memref<400x16xf32, #tpu.memory_space<hbm>>) target(%dma_start3A_34 : memref<400x16xf32, #tpu.memory_space<vmem_shared>>) target_semaphore(%run_scoped3A : memref<!tpu.dma_semaphore, #tpu.memory_space<semaphore_mem>>)
        %dma_wait3A = arith.constant 9600 : i32
        %dma_wait3A_38 = arith.constant 0 : i32
        %dma_wait3A_39 = tpu.memref_slice %arg14[%dma_wait3A, %dma_wait3A_38] : memref<10000x16xf32, #tpu.memory_space<vmem_shared>> -> memref<400x16xf32, #tpu.memory_space<vmem_shared>>
        %dma_wait3A_40 = arith.constant 9600 : i32
        %dma_wait3A_41 = arith.constant 0 : i32
        %dma_wait3A_42 = tpu.memref_slice %arg6[%dma_wait3A_40, %dma_wait3A_41] : memref<10000x16xf32, #tpu.memory_space<hbm>> -> memref<400x16xf32, #tpu.memory_space<hbm>>
        tpu.wait_dma2 semaphore(%run_scoped3A : memref<!tpu.dma_semaphore, #tpu.memory_space<semaphore_mem>>) src(%dma_wait3A_42 : memref<400x16xf32, #tpu.memory_space<hbm>>) dst(%dma_wait3A_39 : memref<400x16xf32, #tpu.memory_space<vmem_shared>>)
        tpu.yield
      }) : () -> ()
    } else {
    }
    %scan3A = arith.constant 0 : i32
    %scan3A_9 = arith.constant 0 : i32
    %scan3A_10 = arith.constant 648 : i32
    %scan3A_11 = arith.addi %scan3A_9, %scan3A_10 : i32
    %scan3A_12 = arith.constant 1 : i32
    %scan3A_13 = scf.for %scan3A_33 = %scan3A_9 to %scan3A_11 step %scan3A_12 iter_args(%scan3A_34 = %scan3A) -> (i32)  : i32 {
      %mul3A_35 = arith.constant 16 : i32
      %mul3A_36 = arith.muli %scan3A_33, %mul3A_35 : i32
      %get3A = arith.index_cast %mul3A_36 : i32 to index
      %get3A_37 = tpu.vector_load %arg8[%get3A] {strides = array<i32>} : memref<10368xi32, #tpu.memory_space<vmem>>, vector<16xi32>,
      %get3A_38 = vector.shape_cast %get3A_37 : vector<16xi32> to vector<16xi32>
      %mul3A_39 = arith.constant 16 : i32
      %mul3A_40 = arith.muli %scan3A_33, %mul3A_39 : i32
      %get3A_41 = arith.index_cast %mul3A_40 : i32 to index
      %get3A_42 = tpu.vector_load %arg9[%get3A_41] {strides = array<i32>} : memref<10368xi32, #tpu.memory_space<vmem>>, vector<16xi32>,
      %get3A_43 = vector.shape_cast %get3A_42 : vector<16xi32> to vector<16xi32>
      %rem3A = arith.constant 10000 : i32
      %rem3A_44 = vector.broadcast %rem3A : i32 to vector<16xi32>
      %rem3A_45 = arith.remsi %get3A_38, %rem3A_44 : vector<16xi32>
      %sub3A = arith.subi %get3A_38, %rem3A_45 : vector<16xi32>
      %add3A_46 = arith.addi %sub3A, %get3A_43 : vector<16xi32>
      %jit3A = arith.constant 8 : i32
      %div3A = arith.divsi %scan3A_33, %jit3A : i32
      %sign3A = arith.constant 0 : i32
      %sign3A_47 = arith.cmpi sgt, %scan3A_33, %sign3A : i32
      %sign3A_48 = arith.extui %sign3A_47 : i1 to i32
      %sign3A_49 = arith.constant 0 : i32
      %sign3A_50 = arith.cmpi slt, %scan3A_33, %sign3A_49 : i32
      %sign3A_51 = arith.extui %sign3A_50 : i1 to i32
      %sign3A_52 = arith.subi %sign3A_48, %sign3A_51 : i32
      %sign3A_53 = arith.constant 0 : i32
      %sign3A_54 = arith.cmpi sgt, %jit3A, %sign3A_53 : i32
      %sign3A_55 = arith.extui %sign3A_54 : i1 to i32
      %sign3A_56 = arith.constant 0 : i32
      %sign3A_57 = arith.cmpi slt, %jit3A, %sign3A_56 : i32
      %sign3A_58 = arith.extui %sign3A_57 : i1 to i32
      %sign3A_59 = arith.subi %sign3A_55, %sign3A_58 : i32
      %ne3A = arith.cmpi ne, %sign3A_52, %sign3A_59 : i32
      %rem3A_60 = arith.remsi %scan3A_33, %jit3A : i32
      %ne3A_61 = arith.constant 0 : i32
      %ne3A_62 = arith.cmpi ne, %rem3A_60, %ne3A_61 : i32
      %and3A = arith.andi %ne3A, %ne3A_62 : i1
      %sub3A_63 = arith.constant 1 : i32
      %sub3A_64 = arith.subi %div3A, %sub3A_63 : i32
      %select_n3A = arith.select %and3A, %sub3A_64, %div3A : i32
      %jit3A_65 = arith.constant 8 : i32
      %eq3A_66 = arith.constant 0 : i32
      %eq3A_67 = arith.cmpi eq, %jit3A_65, %eq3A_66 : i32
      %jit3A_68 = arith.constant 1 : i32
      %select_n3A_69 = arith.select %eq3A_67, %jit3A_68, %jit3A_65 : i32
      %rem3A_70 = arith.remsi %scan3A_33, %select_n3A_69 : i32
      %ne3A_71 = arith.constant 0 : i32
      %ne3A_72 = arith.cmpi ne, %rem3A_70, %ne3A_71 : i32
      %lt3A_73 = arith.constant 0 : i32
      %lt3A_74 = arith.cmpi slt, %rem3A_70, %lt3A_73 : i32
      %lt3A_75 = arith.constant 0 : i32
      %lt3A_76 = arith.cmpi slt, %select_n3A_69, %lt3A_75 : i32
      %ne3A_77 = arith.xori %lt3A_74, %lt3A_76 : i1
      %and3A_78 = arith.andi %ne3A_77, %ne3A_72 : i1
      %add3A_79 = arith.addi %rem3A_70, %select_n3A_69 : i32
      %select_n3A_80 = arith.select %and3A_78, %add3A_79, %rem3A_70 : i32
      %mul3A_81 = arith.constant 16 : i32
      %mul3A_82 = arith.muli %select_n3A_80, %mul3A_81 : i32
      %swap3A = arith.index_cast %select_n3A : i32 to index
      %swap3A_83 = arith.index_cast %mul3A_82 : i32 to index
      %swap3A_84 = tpu.vector_load %arg11[%swap3A, %swap3A_83] {strides = array<i32>} : memref<81x128xi32, #tpu.memory_space<vmem>>, vector<1x16xi32>,
      %swap3A_85 = vector.shape_cast %swap3A_84 : vector<1x16xi32> to vector<16xi32>
      %swap3A_86 = vector.shape_cast %add3A_46 : vector<16xi32> to vector<1x16xi32>
      tpu.vector_store %arg11[%swap3A, %swap3A_83], %swap3A_86 {strides = array<i32>} : memref<81x128xi32, #tpu.memory_space<vmem>>, vector<1x16xi32>,
      %swap3A_87 = arith.index_cast %select_n3A : i32 to index
      %swap3A_88 = arith.index_cast %mul3A_82 : i32 to index
      %swap3A_89 = tpu.vector_load %arg12[%swap3A_87, %swap3A_88] {strides = array<i32>} : memref<81x128xi32, #tpu.memory_space<vmem>>, vector<1x16xi32>,
      %swap3A_90 = vector.shape_cast %swap3A_89 : vector<1x16xi32> to vector<16xi32>
      %swap3A_91 = vector.shape_cast %rem3A_45 : vector<16xi32> to vector<1x16xi32>
      tpu.vector_store %arg12[%swap3A_87, %swap3A_88], %swap3A_91 {strides = array<i32>} : memref<81x128xi32, #tpu.memory_space<vmem>>, vector<1x16xi32>,
      %scan3A_92 = arith.constant 0 : i32
      scf.yield %scan3A_92 : i32
    }
    %scan3A_14 = arith.constant 648 : i32
    %barrier3A = arith.constant 0 : index
    tpu.barrier barrier_id(%barrier3A)
    %scan3A_15 = arith.constant 0 : i32
    %scan3A_16 = arith.constant 0 : i32
    %scan3A_17 = arith.constant 81 : i32
    %scan3A_18 = arith.addi %scan3A_16, %scan3A_17 : i32
    %scan3A_19 = arith.constant 1 : i32
    %scan3A_20 = scf.for %scan3A_33 = %scan3A_16 to %scan3A_18 step %scan3A_19 iter_args(%scan3A_34 = %scan3A_15) -> (i32)  : i32 {
      %dma_start3A = arith.constant 0 : i32
      %dma_start3A_35 = tpu.memref_slice %arg11[%scan3A_33, %dma_start3A] : memref<81x128xi32, #tpu.memory_space<vmem>> -> memref<1x128xi32, #tpu.memory_space<vmem>>
      %dma_start3A_36 = tpu.memref_squeeze %dma_start3A_35 : memref<1x128xi32, #tpu.memory_space<vmem>> -> memref<128xi32, #tpu.memory_space<vmem>>
      %dma_start3A_37 = arith.constant 0 : i32
      %dma_start3A_38 = arith.constant 0 : i32
      %dma_start3A_39 = tpu.memref_slice %arg5[%dma_start3A_37, %dma_start3A_38] : memref<170000x16xf32, #tpu.memory_space<hbm>> -> memref<170000x16xf32, #tpu.memory_space<hbm>>
      tpu.enqueue_indirect_dma source(%dma_start3A_39 : memref<170000x16xf32, #tpu.memory_space<hbm>>) target(%arg13 : memref<128x16xf32, #tpu.memory_space<vmem>>) offsets(%dma_start3A_36 : memref<128xi32, #tpu.memory_space<vmem>>) semaphore(%arg15 : memref<!tpu.dma_semaphore, #tpu.memory_space<semaphore_mem>>)
      %dma_wait3A = arith.constant 0 : i32
      %dma_wait3A_40 = tpu.memref_slice %arg11[%scan3A_33, %dma_wait3A] : memref<81x128xi32, #tpu.memory_space<vmem>> -> memref<1x128xi32, #tpu.memory_space<vmem>>
      %dma_wait3A_41 = tpu.memref_squeeze %dma_wait3A_40 : memref<1x128xi32, #tpu.memory_space<vmem>> -> memref<128xi32, #tpu.memory_space<vmem>>
      %dma_wait3A_42 = arith.constant 0 : i32
      %dma_wait3A_43 = arith.constant 0 : i32
      %dma_wait3A_44 = tpu.memref_slice %arg5[%dma_wait3A_42, %dma_wait3A_43] : memref<170000x16xf32, #tpu.memory_space<hbm>> -> memref<170000x16xf32, #tpu.memory_space<hbm>>
      tpu.wait_indirect_dma semaphore(%arg15 : memref<!tpu.dma_semaphore, #tpu.memory_space<semaphore_mem>>) src(%dma_wait3A_44 : memref<170000x16xf32, #tpu.memory_space<hbm>>) dst(%arg13 : memref<128x16xf32, #tpu.memory_space<vmem>>)
      %scan3A_45 = arith.constant 0 : i32
      %scan3A_46 = arith.constant 0 : i32
      %scan3A_47 = arith.constant 8 : i32
      %scan3A_48 = arith.addi %scan3A_46, %scan3A_47 : i32
      %scan3A_49 = arith.constant 1 : i32
      %scan3A_50 = scf.for %scan3A_53 = %scan3A_46 to %scan3A_48 step %scan3A_49 iter_args(%scan3A_54 = %scan3A_45) -> (i32)  : i32 {
        %mul3A_55 = arith.constant 128 : i32
        %mul3A_56 = arith.muli %scan3A_33, %mul3A_55 : i32
        %mul3A_57 = arith.constant 16 : i32
        %mul3A_58 = arith.muli %scan3A_53, %mul3A_57 : i32
        %add3A_59 = arith.addi %mul3A_56, %mul3A_58 : i32
        %get3A = arith.index_cast %add3A_59 : i32 to index
        %get3A_60 = tpu.vector_load %arg10[%get3A] {strides = array<i32>} : memref<10368xf32, #tpu.memory_space<vmem>>, vector<16xf32>,
        %get3A_61 = vector.shape_cast %get3A_60 : vector<16xf32> to vector<16xf32>
        %mul3A_62 = arith.constant 16 : i32
        %mul3A_63 = arith.muli %scan3A_53, %mul3A_62 : i32
        %add3A_64 = arith.constant 0 : i32
        %add3A_65 = arith.addi %mul3A_63, %add3A_64 : i32
        %get3A_66 = arith.index_cast %add3A_65 : i32 to index
        %get3A_67 = arith.constant 0 : index
        %get3A_68 = tpu.vector_load %arg13[%get3A_66, %get3A_67] {strides = array<i32>} : memref<128x16xf32, #tpu.memory_space<vmem>>, vector<1x16xf32>,
        %get3A_69 = vector.shape_cast %get3A_68 : vector<1x16xf32> to vector<16xf32>
        %slice3A = vector.extract_strided_slice %get3A_61 {offsets = [0], sizes = [1], strides = [1]} : vector<16xf32> to vector<1xf32>
        %squeeze3A = vector.extract %slice3A[0] : f32 from vector<1xf32>
        %mul3A_70 = vector.broadcast %squeeze3A : f32 to vector<16xf32>
        %mul3A_71 = arith.mulf %get3A_69, %mul3A_70 : vector<16xf32>
        %swap3A = arith.index_cast %add3A_65 : i32 to index
        %swap3A_72 = arith.constant 0 : index
        %swap3A_73 = tpu.vector_load %arg13[%swap3A, %swap3A_72] {strides = array<i32>} : memref<128x16xf32, #tpu.memory_space<vmem>>, vector<1x16xf32>,
        %swap3A_74 = vector.shape_cast %swap3A_73 : vector<1x16xf32> to vector<16xf32>
        %swap3A_75 = vector.shape_cast %mul3A_71 : vector<16xf32> to vector<1x16xf32>
        tpu.vector_store %arg13[%swap3A, %swap3A_72], %swap3A_75 {strides = array<i32>} : memref<128x16xf32, #tpu.memory_space<vmem>>, vector<1x16xf32>,
        %mul3A_76 = arith.constant 16 : i32
        %mul3A_77 = arith.muli %scan3A_53, %mul3A_76 : i32
        %add3A_78 = arith.constant 1 : i32
        %add3A_79 = arith.addi %mul3A_77, %add3A_78 : i32
        %get3A_80 = arith.index_cast %add3A_79 : i32 to index
        %get3A_81 = arith.constant 0 : index
        %get3A_82 = tpu.vector_load %arg13[%get3A_80, %get3A_81] {strides = array<i32>} : memref<128x16xf32, #tpu.memory_space<vmem>>, vector<1x16xf32>,
        %get3A_83 = vector.shape_cast %get3A_82 : vector<1x16xf32> to vector<16xf32>
        %slice3A_84 = vector.extract_strided_slice %get3A_61 {offsets = [1], sizes = [1], strides = [1]} : vector<16xf32> to vector<1xf32>
        %squeeze3A_85 = vector.extract %slice3A_84[0] : f32 from vector<1xf32>
        %mul3A_86 = vector.broadcast %squeeze3A_85 : f32 to vector<16xf32>
        %mul3A_87 = arith.mulf %get3A_83, %mul3A_86 : vector<16xf32>
        %swap3A_88 = arith.index_cast %add3A_79 : i32 to index
        %swap3A_89 = arith.constant 0 : index
        %swap3A_90 = tpu.vector_load %arg13[%swap3A_88, %swap3A_89] {strides = array<i32>} : memref<128x16xf32, #tpu.memory_space<vmem>>, vector<1x16xf32>,
        %swap3A_91 = vector.shape_cast %swap3A_90 : vector<1x16xf32> to vector<16xf32>
        %swap3A_92 = vector.shape_cast %mul3A_87 : vector<16xf32> to vector<1x16xf32>
        tpu.vector_store %arg13[%swap3A_88, %swap3A_89], %swap3A_92 {strides = array<i32>} : memref<128x16xf32, #tpu.memory_space<vmem>>, vector<1x16xf32>,
        %mul3A_93 = arith.constant 16 : i32
        %mul3A_94 = arith.muli %scan3A_53, %mul3A_93 : i32
        %add3A_95 = arith.constant 2 : i32
        %add3A_96 = arith.addi %mul3A_94, %add3A_95 : i32
        %get3A_97 = arith.index_cast %add3A_96 : i32 to index
        %get3A_98 = arith.constant 0 : index
        %get3A_99 = tpu.vector_load %arg13[%get3A_97, %get3A_98] {strides = array<i32>} : memref<128x16xf32, #tpu.memory_space<vmem>>, vector<1x16xf32>,
        %get3A_100 = vector.shape_cast %get3A_99 : vector<1x16xf32> to vector<16xf32>
        %slice3A_101 = vector.extract_strided_slice %get3A_61 {offsets = [2], sizes = [1], strides = [1]} : vector<16xf32> to vector<1xf32>
        %squeeze3A_102 = vector.extract %slice3A_101[0] : f32 from vector<1xf32>
        %mul3A_103 = vector.broadcast %squeeze3A_102 : f32 to vector<16xf32>
        %mul3A_104 = arith.mulf %get3A_100, %mul3A_103 : vector<16xf32>
        %swap3A_105 = arith.index_cast %add3A_96 : i32 to index
        %swap3A_106 = arith.constant 0 : index
        %swap3A_107 = tpu.vector_load %arg13[%swap3A_105, %swap3A_106] {strides = array<i32>} : memref<128x16xf32, #tpu.memory_space<vmem>>, vector<1x16xf32>,
        %swap3A_108 = vector.shape_cast %swap3A_107 : vector<1x16xf32> to vector<16xf32>
        %swap3A_109 = vector.shape_cast %mul3A_104 : vector<16xf32> to vector<1x16xf32>
        tpu.vector_store %arg13[%swap3A_105, %swap3A_106], %swap3A_109 {strides = array<i32>} : memref<128x16xf32, #tpu.memory_space<vmem>>, vector<1x16xf32>,
        %mul3A_110 = arith.constant 16 : i32
        %mul3A_111 = arith.muli %scan3A_53, %mul3A_110 : i32
        %add3A_112 = arith.constant 3 : i32
        %add3A_113 = arith.addi %mul3A_111, %add3A_112 : i32
        %get3A_114 = arith.index_cast %add3A_113 : i32 to index
        %get3A_115 = arith.constant 0 : index
        %get3A_116 = tpu.vector_load %arg13[%get3A_114, %get3A_115] {strides = array<i32>} : memref<128x16xf32, #tpu.memory_space<vmem>>, vector<1x16xf32>,
        %get3A_117 = vector.shape_cast %get3A_116 : vector<1x16xf32> to vector<16xf32>
        %slice3A_118 = vector.extract_strided_slice %get3A_61 {offsets = [3], sizes = [1], strides = [1]} : vector<16xf32> to vector<1xf32>
        %squeeze3A_119 = vector.extract %slice3A_118[0] : f32 from vector<1xf32>
        %mul3A_120 = vector.broadcast %squeeze3A_119 : f32 to vector<16xf32>
        %mul3A_121 = arith.mulf %get3A_117, %mul3A_120 : vector<16xf32>
        %swap3A_122 = arith.index_cast %add3A_113 : i32 to index
        %swap3A_123 = arith.constant 0 : index
        %swap3A_124 = tpu.vector_load %arg13[%swap3A_122, %swap3A_123] {strides = array<i32>} : memref<128x16xf32, #tpu.memory_space<vmem>>, vector<1x16xf32>,
        %swap3A_125 = vector.shape_cast %swap3A_124 : vector<1x16xf32> to vector<16xf32>
        %swap3A_126 = vector.shape_cast %mul3A_121 : vector<16xf32> to vector<1x16xf32>
        tpu.vector_store %arg13[%swap3A_122, %swap3A_123], %swap3A_126 {strides = array<i32>} : memref<128x16xf32, #tpu.memory_space<vmem>>, vector<1x16xf32>,
        %mul3A_127 = arith.constant 16 : i32
        %mul3A_128 = arith.muli %scan3A_53, %mul3A_127 : i32
        %add3A_129 = arith.constant 4 : i32
        %add3A_130 = arith.addi %mul3A_128, %add3A_129 : i32
        %get3A_131 = arith.index_cast %add3A_130 : i32 to index
        %get3A_132 = arith.constant 0 : index
        %get3A_133 = tpu.vector_load %arg13[%get3A_131, %get3A_132] {strides = array<i32>} : memref<128x16xf32, #tpu.memory_space<vmem>>, vector<1x16xf32>,
        %get3A_134 = vector.shape_cast %get3A_133 : vector<1x16xf32> to vector<16xf32>
        %slice3A_135 = vector.extract_strided_slice %get3A_61 {offsets = [4], sizes = [1], strides = [1]} : vector<16xf32> to vector<1xf32>
        %squeeze3A_136 = vector.extract %slice3A_135[0] : f32 from vector<1xf32>
        %mul3A_137 = vector.broadcast %squeeze3A_136 : f32 to vector<16xf32>
        %mul3A_138 = arith.mulf %get3A_134, %mul3A_137 : vector<16xf32>
        %swap3A_139 = arith.index_cast %add3A_130 : i32 to index
        %swap3A_140 = arith.constant 0 : index
        %swap3A_141 = tpu.vector_load %arg13[%swap3A_139, %swap3A_140] {strides = array<i32>} : memref<128x16xf32, #tpu.memory_space<vmem>>, vector<1x16xf32>,
        %swap3A_142 = vector.shape_cast %swap3A_141 : vector<1x16xf32> to vector<16xf32>
        %swap3A_143 = vector.shape_cast %mul3A_138 : vector<16xf32> to vector<1x16xf32>
        tpu.vector_store %arg13[%swap3A_139, %swap3A_140], %swap3A_143 {strides = array<i32>} : memref<128x16xf32, #tpu.memory_space<vmem>>, vector<1x16xf32>,
        %mul3A_144 = arith.constant 16 : i32
        %mul3A_145 = arith.muli %scan3A_53, %mul3A_144 : i32
        %add3A_146 = arith.constant 5 : i32
        %add3A_147 = arith.addi %mul3A_145, %add3A_146 : i32
        %get3A_148 = arith.index_cast %add3A_147 : i32 to index
        %get3A_149 = arith.constant 0 : index
        %get3A_150 = tpu.vector_load %arg13[%get3A_148, %get3A_149] {strides = array<i32>} : memref<128x16xf32, #tpu.memory_space<vmem>>, vector<1x16xf32>,
        %get3A_151 = vector.shape_cast %get3A_150 : vector<1x16xf32> to vector<16xf32>
        %slice3A_152 = vector.extract_strided_slice %get3A_61 {offsets = [5], sizes = [1], strides = [1]} : vector<16xf32> to vector<1xf32>
        %squeeze3A_153 = vector.extract %slice3A_152[0] : f32 from vector<1xf32>
        %mul3A_154 = vector.broadcast %squeeze3A_153 : f32 to vector<16xf32>
        %mul3A_155 = arith.mulf %get3A_151, %mul3A_154 : vector<16xf32>
        %swap3A_156 = arith.index_cast %add3A_147 : i32 to index
        %swap3A_157 = arith.constant 0 : index
        %swap3A_158 = tpu.vector_load %arg13[%swap3A_156, %swap3A_157] {strides = array<i32>} : memref<128x16xf32, #tpu.memory_space<vmem>>, vector<1x16xf32>,
        %swap3A_159 = vector.shape_cast %swap3A_158 : vector<1x16xf32> to vector<16xf32>
        %swap3A_160 = vector.shape_cast %mul3A_155 : vector<16xf32> to vector<1x16xf32>
        tpu.vector_store %arg13[%swap3A_156, %swap3A_157], %swap3A_160 {strides = array<i32>} : memref<128x16xf32, #tpu.memory_space<vmem>>, vector<1x16xf32>,
        %mul3A_161 = arith.constant 16 : i32
        %mul3A_162 = arith.muli %scan3A_53, %mul3A_161 : i32
        %add3A_163 = arith.constant 6 : i32
        %add3A_164 = arith.addi %mul3A_162, %add3A_163 : i32
        %get3A_165 = arith.index_cast %add3A_164 : i32 to index
        %get3A_166 = arith.constant 0 : index
        %get3A_167 = tpu.vector_load %arg13[%get3A_165, %get3A_166] {strides = array<i32>} : memref<128x16xf32, #tpu.memory_space<vmem>>, vector<1x16xf32>,
        %get3A_168 = vector.shape_cast %get3A_167 : vector<1x16xf32> to vector<16xf32>
        %slice3A_169 = vector.extract_strided_slice %get3A_61 {offsets = [6], sizes = [1], strides = [1]} : vector<16xf32> to vector<1xf32>
        %squeeze3A_170 = vector.extract %slice3A_169[0] : f32 from vector<1xf32>
        %mul3A_171 = vector.broadcast %squeeze3A_170 : f32 to vector<16xf32>
        %mul3A_172 = arith.mulf %get3A_168, %mul3A_171 : vector<16xf32>
        %swap3A_173 = arith.index_cast %add3A_164 : i32 to index
        %swap3A_174 = arith.constant 0 : index
        %swap3A_175 = tpu.vector_load %arg13[%swap3A_173, %swap3A_174] {strides = array<i32>} : memref<128x16xf32, #tpu.memory_space<vmem>>, vector<1x16xf32>,
        %swap3A_176 = vector.shape_cast %swap3A_175 : vector<1x16xf32> to vector<16xf32>
        %swap3A_177 = vector.shape_cast %mul3A_172 : vector<16xf32> to vector<1x16xf32>
        tpu.vector_store %arg13[%swap3A_173, %swap3A_174], %swap3A_177 {strides = array<i32>} : memref<128x16xf32, #tpu.memory_space<vmem>>, vector<1x16xf32>,
        %mul3A_178 = arith.constant 16 : i32
        %mul3A_179 = arith.muli %scan3A_53, %mul3A_178 : i32
        %add3A_180 = arith.constant 7 : i32
        %add3A_181 = arith.addi %mul3A_179, %add3A_180 : i32
        %get3A_182 = arith.index_cast %add3A_181 : i32 to index
        %get3A_183 = arith.constant 0 : index
        %get3A_184 = tpu.vector_load %arg13[%get3A_182, %get3A_183] {strides = array<i32>} : memref<128x16xf32, #tpu.memory_space<vmem>>, vector<1x16xf32>,
        %get3A_185 = vector.shape_cast %get3A_184 : vector<1x16xf32> to vector<16xf32>
        %slice3A_186 = vector.extract_strided_slice %get3A_61 {offsets = [7], sizes = [1], strides = [1]} : vector<16xf32> to vector<1xf32>
        %squeeze3A_187 = vector.extract %slice3A_186[0] : f32 from vector<1xf32>
        %mul3A_188 = vector.broadcast %squeeze3A_187 : f32 to vector<16xf32>
        %mul3A_189 = arith.mulf %get3A_185, %mul3A_188 : vector<16xf32>
        %swap3A_190 = arith.index_cast %add3A_181 : i32 to index
        %swap3A_191 = arith.constant 0 : index
        %swap3A_192 = tpu.vector_load %arg13[%swap3A_190, %swap3A_191] {strides = array<i32>} : memref<128x16xf32, #tpu.memory_space<vmem>>, vector<1x16xf32>,
        %swap3A_193 = vector.shape_cast %swap3A_192 : vector<1x16xf32> to vector<16xf32>
        %swap3A_194 = vector.shape_cast %mul3A_189 : vector<16xf32> to vector<1x16xf32>
        tpu.vector_store %arg13[%swap3A_190, %swap3A_191], %swap3A_194 {strides = array<i32>} : memref<128x16xf32, #tpu.memory_space<vmem>>, vector<1x16xf32>,
        %mul3A_195 = arith.constant 16 : i32
        %mul3A_196 = arith.muli %scan3A_53, %mul3A_195 : i32
        %add3A_197 = arith.constant 8 : i32
        %add3A_198 = arith.addi %mul3A_196, %add3A_197 : i32
        %get3A_199 = arith.index_cast %add3A_198 : i32 to index
        %get3A_200 = arith.constant 0 : index
        %get3A_201 = tpu.vector_load %arg13[%get3A_199, %get3A_200] {strides = array<i32>} : memref<128x16xf32, #tpu.memory_space<vmem>>, vector<1x16xf32>,
        %get3A_202 = vector.shape_cast %get3A_201 : vector<1x16xf32> to vector<16xf32>
        %slice3A_203 = vector.extract_strided_slice %get3A_61 {offsets = [8], sizes = [1], strides = [1]} : vector<16xf32> to vector<1xf32>
        %squeeze3A_204 = vector.extract %slice3A_203[0] : f32 from vector<1xf32>
        %mul3A_205 = vector.broadcast %squeeze3A_204 : f32 to vector<16xf32>
        %mul3A_206 = arith.mulf %get3A_202, %mul3A_205 : vector<16xf32>
        %swap3A_207 = arith.index_cast %add3A_198 : i32 to index
        %swap3A_208 = arith.constant 0 : index
        %swap3A_209 = tpu.vector_load %arg13[%swap3A_207, %swap3A_208] {strides = array<i32>} : memref<128x16xf32, #tpu.memory_space<vmem>>, vector<1x16xf32>,
        %swap3A_210 = vector.shape_cast %swap3A_209 : vector<1x16xf32> to vector<16xf32>
        %swap3A_211 = vector.shape_cast %mul3A_206 : vector<16xf32> to vector<1x16xf32>
        tpu.vector_store %arg13[%swap3A_207, %swap3A_208], %swap3A_211 {strides = array<i32>} : memref<128x16xf32, #tpu.memory_space<vmem>>, vector<1x16xf32>,
        %mul3A_212 = arith.constant 16 : i32
        %mul3A_213 = arith.muli %scan3A_53, %mul3A_212 : i32
        %add3A_214 = arith.constant 9 : i32
        %add3A_215 = arith.addi %mul3A_213, %add3A_214 : i32
        %get3A_216 = arith.index_cast %add3A_215 : i32 to index
        %get3A_217 = arith.constant 0 : index
        %get3A_218 = tpu.vector_load %arg13[%get3A_216, %get3A_217] {strides = array<i32>} : memref<128x16xf32, #tpu.memory_space<vmem>>, vector<1x16xf32>,
        %get3A_219 = vector.shape_cast %get3A_218 : vector<1x16xf32> to vector<16xf32>
        %slice3A_220 = vector.extract_strided_slice %get3A_61 {offsets = [9], sizes = [1], strides = [1]} : vector<16xf32> to vector<1xf32>
        %squeeze3A_221 = vector.extract %slice3A_220[0] : f32 from vector<1xf32>
        %mul3A_222 = vector.broadcast %squeeze3A_221 : f32 to vector<16xf32>
        %mul3A_223 = arith.mulf %get3A_219, %mul3A_222 : vector<16xf32>
        %swap3A_224 = arith.index_cast %add3A_215 : i32 to index
        %swap3A_225 = arith.constant 0 : index
        %swap3A_226 = tpu.vector_load %arg13[%swap3A_224, %swap3A_225] {strides = array<i32>} : memref<128x16xf32, #tpu.memory_space<vmem>>, vector<1x16xf32>,
        %swap3A_227 = vector.shape_cast %swap3A_226 : vector<1x16xf32> to vector<16xf32>
        %swap3A_228 = vector.shape_cast %mul3A_223 : vector<16xf32> to vector<1x16xf32>
        tpu.vector_store %arg13[%swap3A_224, %swap3A_225], %swap3A_228 {strides = array<i32>} : memref<128x16xf32, #tpu.memory_space<vmem>>, vector<1x16xf32>,
        %mul3A_229 = arith.constant 16 : i32
        %mul3A_230 = arith.muli %scan3A_53, %mul3A_229 : i32
        %add3A_231 = arith.constant 10 : i32
        %add3A_232 = arith.addi %mul3A_230, %add3A_231 : i32
        %get3A_233 = arith.index_cast %add3A_232 : i32 to index
        %get3A_234 = arith.constant 0 : index
        %get3A_235 = tpu.vector_load %arg13[%get3A_233, %get3A_234] {strides = array<i32>} : memref<128x16xf32, #tpu.memory_space<vmem>>, vector<1x16xf32>,
        %get3A_236 = vector.shape_cast %get3A_235 : vector<1x16xf32> to vector<16xf32>
        %slice3A_237 = vector.extract_strided_slice %get3A_61 {offsets = [10], sizes = [1], strides = [1]} : vector<16xf32> to vector<1xf32>
        %squeeze3A_238 = vector.extract %slice3A_237[0] : f32 from vector<1xf32>
        %mul3A_239 = vector.broadcast %squeeze3A_238 : f32 to vector<16xf32>
        %mul3A_240 = arith.mulf %get3A_236, %mul3A_239 : vector<16xf32>
        %swap3A_241 = arith.index_cast %add3A_232 : i32 to index
        %swap3A_242 = arith.constant 0 : index
        %swap3A_243 = tpu.vector_load %arg13[%swap3A_241, %swap3A_242] {strides = array<i32>} : memref<128x16xf32, #tpu.memory_space<vmem>>, vector<1x16xf32>,
        %swap3A_244 = vector.shape_cast %swap3A_243 : vector<1x16xf32> to vector<16xf32>
        %swap3A_245 = vector.shape_cast %mul3A_240 : vector<16xf32> to vector<1x16xf32>
        tpu.vector_store %arg13[%swap3A_241, %swap3A_242], %swap3A_245 {strides = array<i32>} : memref<128x16xf32, #tpu.memory_space<vmem>>, vector<1x16xf32>,
        %mul3A_246 = arith.constant 16 : i32
        %mul3A_247 = arith.muli %scan3A_53, %mul3A_246 : i32
        %add3A_248 = arith.constant 11 : i32
        %add3A_249 = arith.addi %mul3A_247, %add3A_248 : i32
        %get3A_250 = arith.index_cast %add3A_249 : i32 to index
        %get3A_251 = arith.constant 0 : index
        %get3A_252 = tpu.vector_load %arg13[%get3A_250, %get3A_251] {strides = array<i32>} : memref<128x16xf32, #tpu.memory_space<vmem>>, vector<1x16xf32>,
        %get3A_253 = vector.shape_cast %get3A_252 : vector<1x16xf32> to vector<16xf32>
        %slice3A_254 = vector.extract_strided_slice %get3A_61 {offsets = [11], sizes = [1], strides = [1]} : vector<16xf32> to vector<1xf32>
        %squeeze3A_255 = vector.extract %slice3A_254[0] : f32 from vector<1xf32>
        %mul3A_256 = vector.broadcast %squeeze3A_255 : f32 to vector<16xf32>
        %mul3A_257 = arith.mulf %get3A_253, %mul3A_256 : vector<16xf32>
        %swap3A_258 = arith.index_cast %add3A_249 : i32 to index
        %swap3A_259 = arith.constant 0 : index
        %swap3A_260 = tpu.vector_load %arg13[%swap3A_258, %swap3A_259] {strides = array<i32>} : memref<128x16xf32, #tpu.memory_space<vmem>>, vector<1x16xf32>,
        %swap3A_261 = vector.shape_cast %swap3A_260 : vector<1x16xf32> to vector<16xf32>
        %swap3A_262 = vector.shape_cast %mul3A_257 : vector<16xf32> to vector<1x16xf32>
        tpu.vector_store %arg13[%swap3A_258, %swap3A_259], %swap3A_262 {strides = array<i32>} : memref<128x16xf32, #tpu.memory_space<vmem>>, vector<1x16xf32>,
        %mul3A_263 = arith.constant 16 : i32
        %mul3A_264 = arith.muli %scan3A_53, %mul3A_263 : i32
        %add3A_265 = arith.constant 12 : i32
        %add3A_266 = arith.addi %mul3A_264, %add3A_265 : i32
        %get3A_267 = arith.index_cast %add3A_266 : i32 to index
        %get3A_268 = arith.constant 0 : index
        %get3A_269 = tpu.vector_load %arg13[%get3A_267, %get3A_268] {strides = array<i32>} : memref<128x16xf32, #tpu.memory_space<vmem>>, vector<1x16xf32>,
        %get3A_270 = vector.shape_cast %get3A_269 : vector<1x16xf32> to vector<16xf32>
        %slice3A_271 = vector.extract_strided_slice %get3A_61 {offsets = [12], sizes = [1], strides = [1]} : vector<16xf32> to vector<1xf32>
        %squeeze3A_272 = vector.extract %slice3A_271[0] : f32 from vector<1xf32>
        %mul3A_273 = vector.broadcast %squeeze3A_272 : f32 to vector<16xf32>
        %mul3A_274 = arith.mulf %get3A_270, %mul3A_273 : vector<16xf32>
        %swap3A_275 = arith.index_cast %add3A_266 : i32 to index
        %swap3A_276 = arith.constant 0 : index
        %swap3A_277 = tpu.vector_load %arg13[%swap3A_275, %swap3A_276] {strides = array<i32>} : memref<128x16xf32, #tpu.memory_space<vmem>>, vector<1x16xf32>,
        %swap3A_278 = vector.shape_cast %swap3A_277 : vector<1x16xf32> to vector<16xf32>
        %swap3A_279 = vector.shape_cast %mul3A_274 : vector<16xf32> to vector<1x16xf32>
        tpu.vector_store %arg13[%swap3A_275, %swap3A_276], %swap3A_279 {strides = array<i32>} : memref<128x16xf32, #tpu.memory_space<vmem>>, vector<1x16xf32>,
        %mul3A_280 = arith.constant 16 : i32
        %mul3A_281 = arith.muli %scan3A_53, %mul3A_280 : i32
        %add3A_282 = arith.constant 13 : i32
        %add3A_283 = arith.addi %mul3A_281, %add3A_282 : i32
        %get3A_284 = arith.index_cast %add3A_283 : i32 to index
        %get3A_285 = arith.constant 0 : index
        %get3A_286 = tpu.vector_load %arg13[%get3A_284, %get3A_285] {strides = array<i32>} : memref<128x16xf32, #tpu.memory_space<vmem>>, vector<1x16xf32>,
        %get3A_287 = vector.shape_cast %get3A_286 : vector<1x16xf32> to vector<16xf32>
        %slice3A_288 = vector.extract_strided_slice %get3A_61 {offsets = [13], sizes = [1], strides = [1]} : vector<16xf32> to vector<1xf32>
        %squeeze3A_289 = vector.extract %slice3A_288[0] : f32 from vector<1xf32>
        %mul3A_290 = vector.broadcast %squeeze3A_289 : f32 to vector<16xf32>
        %mul3A_291 = arith.mulf %get3A_287, %mul3A_290 : vector<16xf32>
        %swap3A_292 = arith.index_cast %add3A_283 : i32 to index
        %swap3A_293 = arith.constant 0 : index
        %swap3A_294 = tpu.vector_load %arg13[%swap3A_292, %swap3A_293] {strides = array<i32>} : memref<128x16xf32, #tpu.memory_space<vmem>>, vector<1x16xf32>,
        %swap3A_295 = vector.shape_cast %swap3A_294 : vector<1x16xf32> to vector<16xf32>
        %swap3A_296 = vector.shape_cast %mul3A_291 : vector<16xf32> to vector<1x16xf32>
        tpu.vector_store %arg13[%swap3A_292, %swap3A_293], %swap3A_296 {strides = array<i32>} : memref<128x16xf32, #tpu.memory_space<vmem>>, vector<1x16xf32>,
        %mul3A_297 = arith.constant 16 : i32
        %mul3A_298 = arith.muli %scan3A_53, %mul3A_297 : i32
        %add3A_299 = arith.constant 14 : i32
        %add3A_300 = arith.addi %mul3A_298, %add3A_299 : i32
        %get3A_301 = arith.index_cast %add3A_300 : i32 to index
        %get3A_302 = arith.constant 0 : index
        %get3A_303 = tpu.vector_load %arg13[%get3A_301, %get3A_302] {strides = array<i32>} : memref<128x16xf32, #tpu.memory_space<vmem>>, vector<1x16xf32>,
        %get3A_304 = vector.shape_cast %get3A_303 : vector<1x16xf32> to vector<16xf32>
        %slice3A_305 = vector.extract_strided_slice %get3A_61 {offsets = [14], sizes = [1], strides = [1]} : vector<16xf32> to vector<1xf32>
        %squeeze3A_306 = vector.extract %slice3A_305[0] : f32 from vector<1xf32>
        %mul3A_307 = vector.broadcast %squeeze3A_306 : f32 to vector<16xf32>
        %mul3A_308 = arith.mulf %get3A_304, %mul3A_307 : vector<16xf32>
        %swap3A_309 = arith.index_cast %add3A_300 : i32 to index
        %swap3A_310 = arith.constant 0 : index
        %swap3A_311 = tpu.vector_load %arg13[%swap3A_309, %swap3A_310] {strides = array<i32>} : memref<128x16xf32, #tpu.memory_space<vmem>>, vector<1x16xf32>,
        %swap3A_312 = vector.shape_cast %swap3A_311 : vector<1x16xf32> to vector<16xf32>
        %swap3A_313 = vector.shape_cast %mul3A_308 : vector<16xf32> to vector<1x16xf32>
        tpu.vector_store %arg13[%swap3A_309, %swap3A_310], %swap3A_313 {strides = array<i32>} : memref<128x16xf32, #tpu.memory_space<vmem>>, vector<1x16xf32>,
        %mul3A_314 = arith.constant 16 : i32
        %mul3A_315 = arith.muli %scan3A_53, %mul3A_314 : i32
        %add3A_316 = arith.constant 15 : i32
        %add3A_317 = arith.addi %mul3A_315, %add3A_316 : i32
        %get3A_318 = arith.index_cast %add3A_317 : i32 to index
        %get3A_319 = arith.constant 0 : index
        %get3A_320 = tpu.vector_load %arg13[%get3A_318, %get3A_319] {strides = array<i32>} : memref<128x16xf32, #tpu.memory_space<vmem>>, vector<1x16xf32>,
        %get3A_321 = vector.shape_cast %get3A_320 : vector<1x16xf32> to vector<16xf32>
        %slice3A_322 = vector.extract_strided_slice %get3A_61 {offsets = [15], sizes = [1], strides = [1]} : vector<16xf32> to vector<1xf32>
        %squeeze3A_323 = vector.extract %slice3A_322[0] : f32 from vector<1xf32>
        %mul3A_324 = vector.broadcast %squeeze3A_323 : f32 to vector<16xf32>
        %mul3A_325 = arith.mulf %get3A_321, %mul3A_324 : vector<16xf32>
        %swap3A_326 = arith.index_cast %add3A_317 : i32 to index
        %swap3A_327 = arith.constant 0 : index
        %swap3A_328 = tpu.vector_load %arg13[%swap3A_326, %swap3A_327] {strides = array<i32>} : memref<128x16xf32, #tpu.memory_space<vmem>>, vector<1x16xf32>,
        %swap3A_329 = vector.shape_cast %swap3A_328 : vector<1x16xf32> to vector<16xf32>
        %swap3A_330 = vector.shape_cast %mul3A_325 : vector<16xf32> to vector<1x16xf32>
        tpu.vector_store %arg13[%swap3A_326, %swap3A_327], %swap3A_330 {strides = array<i32>} : memref<128x16xf32, #tpu.memory_space<vmem>>, vector<1x16xf32>,
        %scan3A_331 = arith.constant 0 : i32
        scf.yield %scan3A_331 : i32
      }
      %scan3A_51 = arith.constant 8 : i32
      "tpu.region"() ({
        %run_scoped3A = tpu.sem_alloc : memref<!tpu.dma_semaphore, #tpu.memory_space<semaphore_mem>>
        %dma_start3A_53 = arith.constant 0 : i32
        %dma_start3A_54 = tpu.memref_slice %arg12[%scan3A_33, %dma_start3A_53] : memref<81x128xi32, #tpu.memory_space<vmem>> -> memref<1x128xi32, #tpu.memory_space<vmem>>
        %dma_start3A_55 = tpu.memref_squeeze %dma_start3A_54 : memref<1x128xi32, #tpu.memory_space<vmem>> -> memref<128xi32, #tpu.memory_space<vmem>>
        %dma_start3A_56 = arith.constant 0 : i32
        %dma_start3A_57 = arith.constant 0 : i32
        %dma_start3A_58 = tpu.memref_slice %arg14[%dma_start3A_56, %dma_start3A_57] : memref<10000x16xf32, #tpu.memory_space<vmem_shared>> -> memref<10000x16xf32, #tpu.memory_space<vmem_shared>>
        tpu.enqueue_indirect_dma source(%arg13 : memref<128x16xf32, #tpu.memory_space<vmem>>) target(%dma_start3A_58 : memref<10000x16xf32, #tpu.memory_space<vmem_shared>>) offsets(%dma_start3A_55 : memref<128xi32, #tpu.memory_space<vmem>>) semaphore(%run_scoped3A : memref<!tpu.dma_semaphore, #tpu.memory_space<semaphore_mem>>) {add = true}
        %dma_wait3A_59 = arith.constant 0 : i32
        %dma_wait3A_60 = tpu.memref_slice %arg12[%scan3A_33, %dma_wait3A_59] : memref<81x128xi32, #tpu.memory_space<vmem>> -> memref<1x128xi32, #tpu.memory_space<vmem>>
        %dma_wait3A_61 = tpu.memref_squeeze %dma_wait3A_60 : memref<1x128xi32, #tpu.memory_space<vmem>> -> memref<128xi32, #tpu.memory_space<vmem>>
        %dma_wait3A_62 = arith.constant 0 : i32
        %dma_wait3A_63 = arith.constant 0 : i32
        %dma_wait3A_64 = tpu.memref_slice %arg14[%dma_wait3A_62, %dma_wait3A_63] : memref<10000x16xf32, #tpu.memory_space<vmem_shared>> -> memref<10000x16xf32, #tpu.memory_space<vmem_shared>>
        tpu.wait_indirect_dma semaphore(%run_scoped3A : memref<!tpu.dma_semaphore, #tpu.memory_space<semaphore_mem>>) src(%arg13 : memref<128x16xf32, #tpu.memory_space<vmem>>) dst(%dma_wait3A_64 : memref<10000x16xf32, #tpu.memory_space<vmem_shared>>)
        tpu.yield
      }) : () -> ()
      %scan3A_52 = arith.constant 0 : i32
      scf.yield %scan3A_52 : i32
    }
    %scan3A_21 = arith.constant 81 : i32
    %barrier3A_22 = arith.constant 0 : index
    tpu.barrier barrier_id(%barrier3A_22)
    %lt3A_23 = arith.constant 15 : i32
    %lt3A_24 = arith.cmpi slt, %arg1, %lt3A_23 : i32
    %convert_element_type3A_25 = arith.extui %lt3A_24 : i1 to i32
    %cond3A_26 = arith.constant 0 : i32
    %cond3A_27 = arith.cmpi ne, %convert_element_type3A_25, %cond3A_26 : i32
    scf.if %cond3A_27 {
      %mul3A_33 = arith.constant 640 : i32
      %mul3A_34 = arith.muli %arg1, %mul3A_33 : i32
      %mul3A_35 = arith.constant 640 : i32
      %mul3A_36 = arith.muli %arg1, %mul3A_35 : i32
      "tpu.region"() ({
        %run_scoped3A = tpu.sem_alloc : memref<!tpu.dma_semaphore, #tpu.memory_space<semaphore_mem>>
        %dma_start3A = arith.constant 0 : i32
        %dma_start3A_37 = tpu.memref_slice %arg7[%arg0, %mul3A_36, %dma_start3A] : memref<2x10000x16xf32, #tpu.memory_space<hbm>> -> memref<1x640x16xf32, #tpu.memory_space<hbm>>
        %dma_start3A_38 = tpu.memref_squeeze %dma_start3A_37 : memref<1x640x16xf32, #tpu.memory_space<hbm>> -> memref<640x16xf32, #tpu.memory_space<hbm>>
        %dma_start3A_39 = arith.constant 0 : i32
        %dma_start3A_40 = tpu.memref_slice %arg14[%mul3A_34, %dma_start3A_39] : memref<10000x16xf32, #tpu.memory_space<vmem_shared>> -> memref<640x16xf32, #tpu.memory_space<vmem_shared>>
        tpu.enqueue_dma source(%dma_start3A_40 : memref<640x16xf32, #tpu.memory_space<vmem_shared>>) target(%dma_start3A_38 : memref<640x16xf32, #tpu.memory_space<hbm>>) target_semaphore(%run_scoped3A : memref<!tpu.dma_semaphore, #tpu.memory_space<semaphore_mem>>)
        %dma_wait3A = arith.constant 0 : i32
        %dma_wait3A_41 = tpu.memref_slice %arg7[%arg0, %mul3A_36, %dma_wait3A] : memref<2x10000x16xf32, #tpu.memory_space<hbm>> -> memref<1x640x16xf32, #tpu.memory_space<hbm>>
        %dma_wait3A_42 = tpu.memref_squeeze %dma_wait3A_41 : memref<1x640x16xf32, #tpu.memory_space<hbm>> -> memref<640x16xf32, #tpu.memory_space<hbm>>
        %dma_wait3A_43 = arith.constant 0 : i32
        %dma_wait3A_44 = tpu.memref_slice %arg14[%mul3A_34, %dma_wait3A_43] : memref<10000x16xf32, #tpu.memory_space<vmem_shared>> -> memref<640x16xf32, #tpu.memory_space<vmem_shared>>
        tpu.wait_dma2 semaphore(%run_scoped3A : memref<!tpu.dma_semaphore, #tpu.memory_space<semaphore_mem>>) src(%dma_wait3A_44 : memref<640x16xf32, #tpu.memory_space<vmem_shared>>) dst(%dma_wait3A_42 : memref<640x16xf32, #tpu.memory_space<hbm>>)
        tpu.yield
      }) : () -> ()
    } else {
    }
    %eq3A_28 = arith.constant 15 : i32
    %eq3A_29 = arith.cmpi eq, %arg1, %eq3A_28 : i32
    %convert_element_type3A_30 = arith.extui %eq3A_29 : i1 to i32
    %cond3A_31 = arith.constant 0 : i32
    %cond3A_32 = arith.cmpi ne, %convert_element_type3A_30, %cond3A_31 : i32
    scf.if %cond3A_32 {
      "tpu.region"() ({
        %run_scoped3A = tpu.sem_alloc : memref<!tpu.dma_semaphore, #tpu.memory_space<semaphore_mem>>
        %dma_start3A = arith.constant 9600 : i32
        %dma_start3A_33 = arith.constant 0 : i32
        %dma_start3A_34 = tpu.memref_slice %arg7[%arg0, %dma_start3A, %dma_start3A_33] : memref<2x10000x16xf32, #tpu.memory_space<hbm>> -> memref<1x400x16xf32, #tpu.memory_space<hbm>>
        %dma_start3A_35 = tpu.memref_squeeze %dma_start3A_34 : memref<1x400x16xf32, #tpu.memory_space<hbm>> -> memref<400x16xf32, #tpu.memory_space<hbm>>
        %dma_start3A_36 = arith.constant 9600 : i32
        %dma_start3A_37 = arith.constant 0 : i32
        %dma_start3A_38 = tpu.memref_slice %arg14[%dma_start3A_36, %dma_start3A_37] : memref<10000x16xf32, #tpu.memory_space<vmem_shared>> -> memref<400x16xf32, #tpu.memory_space<vmem_shared>>
        tpu.enqueue_dma source(%dma_start3A_38 : memref<400x16xf32, #tpu.memory_space<vmem_shared>>) target(%dma_start3A_35 : memref<400x16xf32, #tpu.memory_space<hbm>>) target_semaphore(%run_scoped3A : memref<!tpu.dma_semaphore, #tpu.memory_space<semaphore_mem>>)
        %dma_wait3A = arith.constant 9600 : i32
        %dma_wait3A_39 = arith.constant 0 : i32
        %dma_wait3A_40 = tpu.memref_slice %arg7[%arg0, %dma_wait3A, %dma_wait3A_39] : memref<2x10000x16xf32, #tpu.memory_space<hbm>> -> memref<1x400x16xf32, #tpu.memory_space<hbm>>
        %dma_wait3A_41 = tpu.memref_squeeze %dma_wait3A_40 : memref<1x400x16xf32, #tpu.memory_space<hbm>> -> memref<400x16xf32, #tpu.memory_space<hbm>>
        %dma_wait3A_42 = arith.constant 9600 : i32
        %dma_wait3A_43 = arith.constant 0 : i32
        %dma_wait3A_44 = tpu.memref_slice %arg14[%dma_wait3A_42, %dma_wait3A_43] : memref<10000x16xf32, #tpu.memory_space<vmem_shared>> -> memref<400x16xf32, #tpu.memory_space<vmem_shared>>
        tpu.wait_dma2 semaphore(%run_scoped3A : memref<!tpu.dma_semaphore, #tpu.memory_space<semaphore_mem>>) src(%dma_wait3A_44 : memref<400x16xf32, #tpu.memory_space<vmem_shared>>) dst(%dma_wait3A_41 : memref<400x16xf32, #tpu.memory_space<hbm>>)
        tpu.yield
      }) : () -> ()
    } else {
    }
    return
  }
}

module attributes {stable_mosaic.version = 14 : i64} {
  func.func @_xw_body(%arg0: i32, %arg1: memref<10000x128xf32, #tpu.memory_space<vmem>>, %arg2: memref<1x128x16xf32, #tpu.memory_space<vmem>>, %arg3: memref<1x10000x16xf32, #tpu.memory_space<vmem>>) attributes {dimension_semantics = [#tpu.dimension_semantics<arbitrary>], iteration_bounds = array<i64: 17>, scalar_prefetch = 0 : i64, scratch_operands = 0 : i64, tpu.core_type = #tpu.core_type<tc>, window_params = [{pipeline_mode = #tpu.pipeline_mode<synchronous>, transform_indices = @transform_0, window_bounds = array<i64: 10000, 128>}, {transform_indices = @transform_1, window_bounds = array<i64: 1, 128, 16>}, {transform_indices = @transform_2, window_bounds = array<i64: 1, 10000, 16>}]} {
    %get3A = arith.constant 0 : index
    %get3A_0 = arith.constant 0 : index
    %get3A_1 = vector.load %arg1[%get3A, %get3A_0] : memref<10000x128xf32, #tpu.memory_space<vmem>>, vector<10000x128xf32>
    %get3A_2 = arith.constant 0 : index
    %get3A_3 = arith.constant 0 : index
    %get3A_4 = arith.constant 0 : index
    %get3A_5 = vector.load %arg2[%get3A_2, %get3A_3, %get3A_4] : memref<1x128x16xf32, #tpu.memory_space<vmem>>, vector<1x128x16xf32>
    %get3A_6 = vector.shape_cast %get3A_5 : vector<1x128x16xf32> to vector<128x16xf32>
    %dot_general3A = arith.constant dense<0.000000e+00> : vector<10000x16xf32>
    %dot_general3A_7 = tpu.matmul %get3A_1, %get3A_6, %dot_general3A {dimension_numbers = #tpu.dot_dimension_numbers<[1], [0], [0], [1], [0, 0, 1, 1], [], []>, transpose_lhs_hint = false} : vector<10000x128xf32>, vector<128x16xf32>, vector<10000x16xf32> -> vector<10000x16xf32>
    %swap3A = arith.constant 0 : index
    %swap3A_8 = arith.constant 0 : index
    %swap3A_9 = arith.constant 0 : index
    %swap3A_10 = vector.load %arg3[%swap3A, %swap3A_8, %swap3A_9] : memref<1x10000x16xf32, #tpu.memory_space<vmem>>, vector<1x10000x16xf32>
    %swap3A_11 = vector.shape_cast %swap3A_10 : vector<1x10000x16xf32> to vector<10000x16xf32>
    %swap3A_12 = vector.shape_cast %dot_general3A_7 : vector<10000x16xf32> to vector<1x10000x16xf32>
    tpu.vector_store %arg3[%swap3A, %swap3A_8, %swap3A_9], %swap3A_12 {strides = array<i32>} : memref<1x10000x16xf32, #tpu.memory_space<vmem>>, vector<1x10000x16xf32>,
    return
  }
  func.func @transform_0(%arg0: i32) -> (i32, i32) {
    %c0_i32 = arith.constant 0 : i32
    %c0_i32_0 = arith.constant 0 : i32
    %c0_i32_1 = arith.constant 0 : i32
    return %c0_i32, %c0_i32_0 : i32, i32
  }
  func.func @transform_1(%arg0: i32) -> (i32, i32, i32) {
    %c0_i32 = arith.constant 0 : i32
    %c0_i32_0 = arith.constant 0 : i32
    %c0_i32_1 = arith.constant 0 : i32
    return %arg0, %c0_i32, %c0_i32_0 : i32, i32, i32
  }
  func.func @transform_2(%arg0: i32) -> (i32, i32, i32) {
    %c0_i32 = arith.constant 0 : i32
    %c0_i32_0 = arith.constant 0 : i32
    %c0_i32_1 = arith.constant 0 : i32
    return %arg0, %c0_i32, %c0_i32_0 : i32, i32, i32
  }
}

module attributes {stable_mosaic.version = 14 : i64} {
  func.func @_mid_body(%arg0: i32, %arg1: memref<2x10000x16xf32, #tpu.memory_space<vmem>>, %arg2: memref<1x16xf32, #tpu.memory_space<vmem>>, %arg3: memref<1x16xf32, #tpu.memory_space<vmem>>, %arg4: memref<1x16xf32, #tpu.memory_space<vmem>>, %arg5: memref<1x16x16xf32, #tpu.memory_space<vmem>>, %arg6: memref<1x10000x16xf32, #tpu.memory_space<vmem>>) attributes {dimension_semantics = [#tpu.dimension_semantics<arbitrary>], iteration_bounds = array<i64: 17>, scalar_prefetch = 0 : i64, scratch_operands = 0 : i64, tpu.core_type = #tpu.core_type<tc>, window_params = [{pipeline_mode = #tpu.pipeline_mode<synchronous>, transform_indices = @transform_0, window_bounds = array<i64: 2, 10000, 16>}, {pipeline_mode = #tpu.pipeline_mode<synchronous>, transform_indices = @transform_1, window_bounds = array<i64: 1, 16>}, {pipeline_mode = #tpu.pipeline_mode<synchronous>, transform_indices = @transform_2, window_bounds = array<i64: 1, 16>}, {pipeline_mode = #tpu.pipeline_mode<synchronous>, transform_indices = @transform_3, window_bounds = array<i64: 1, 16>}, {transform_indices = @transform_4, window_bounds = array<i64: 1, 16, 16>}, {transform_indices = @transform_5, window_bounds = array<i64: 1, 10000, 16>}]} {
    %get3A = arith.constant 0 : index
    %get3A_0 = arith.constant 0 : index
    %get3A_1 = arith.constant 0 : index
    %get3A_2 = vector.load %arg1[%get3A, %get3A_0, %get3A_1] : memref<2x10000x16xf32, #tpu.memory_space<vmem>>, vector<1x10000x16xf32>
    %get3A_3 = vector.shape_cast %get3A_2 : vector<1x10000x16xf32> to vector<10000x16xf32>
    %get3A_4 = arith.constant 1 : index
    %get3A_5 = arith.constant 0 : index
    %get3A_6 = arith.constant 0 : index
    %get3A_7 = vector.load %arg1[%get3A_4, %get3A_5, %get3A_6] : memref<2x10000x16xf32, #tpu.memory_space<vmem>>, vector<1x10000x16xf32>
    %get3A_8 = vector.shape_cast %get3A_7 : vector<1x10000x16xf32> to vector<10000x16xf32>
    %add3A = arith.addf %get3A_3, %get3A_8 : vector<10000x16xf32>
    %get3A_9 = arith.constant 0 : index
    %get3A_10 = arith.constant 0 : index
    %get3A_11 = vector.load %arg2[%get3A_9, %get3A_10] : memref<1x16xf32, #tpu.memory_space<vmem>>, vector<1x16xf32>
    %add3A_12 = vector.broadcast %get3A_11 : vector<1x16xf32> to vector<10000x16xf32>
    %add3A_13 = arith.addf %add3A, %add3A_12 : vector<10000x16xf32>
    %reduce_sum3A = arith.constant dense<0.000000e+00> : vector<10000xf32>
    %reduce_sum3A_14 = vector.multi_reduction <add>, %add3A_13, %reduce_sum3A [1] : vector<10000x16xf32> to vector<10000xf32>
    %broadcast_in_dim3A = vector.shape_cast %reduce_sum3A_14 : vector<10000xf32> to vector<10000x1xf32>
    %div3A = arith.constant 1.600000e+01 : f32
    %div3A_15 = vector.broadcast %div3A : f32 to vector<10000x1xf32>
    %div3A_16 = arith.divf %broadcast_in_dim3A, %div3A_15 : vector<10000x1xf32>
    %sub3A = vector.broadcast %div3A_16 : vector<10000x1xf32> to vector<10000x16xf32>
    %sub3A_17 = arith.subf %add3A_13, %sub3A : vector<10000x16xf32>
    %integer_pow3A = arith.mulf %sub3A_17, %sub3A_17 : vector<10000x16xf32>
    %reduce_sum3A_18 = arith.constant dense<0.000000e+00> : vector<10000xf32>
    %reduce_sum3A_19 = vector.multi_reduction <add>, %integer_pow3A, %reduce_sum3A_18 [1] : vector<10000x16xf32> to vector<10000xf32>
    %broadcast_in_dim3A_20 = vector.shape_cast %reduce_sum3A_19 : vector<10000xf32> to vector<10000x1xf32>
    %div3A_21 = arith.constant 1.600000e+01 : f32
    %div3A_22 = vector.broadcast %div3A_21 : f32 to vector<10000x1xf32>
    %div3A_23 = arith.divf %broadcast_in_dim3A_20, %div3A_22 : vector<10000x1xf32>
    %sub3A_24 = vector.broadcast %div3A_16 : vector<10000x1xf32> to vector<10000x16xf32>
    %sub3A_25 = arith.subf %add3A_13, %sub3A_24 : vector<10000x16xf32>
    %add3A_26 = arith.constant 9.99999974E-6 : f32
    %add3A_27 = vector.broadcast %add3A_26 : f32 to vector<10000x1xf32>
    %add3A_28 = arith.addf %div3A_23, %add3A_27 : vector<10000x1xf32>
    %rsqrt3A = math.rsqrt %add3A_28 : vector<10000x1xf32>
    %mul3A = vector.broadcast %rsqrt3A : vector<10000x1xf32> to vector<10000x16xf32>
    %mul3A_29 = arith.mulf %sub3A_25, %mul3A : vector<10000x16xf32>
    %get3A_30 = arith.constant 0 : index
    %get3A_31 = arith.constant 0 : index
    %get3A_32 = vector.load %arg3[%get3A_30, %get3A_31] : memref<1x16xf32, #tpu.memory_space<vmem>>, vector<1x16xf32>
    %mul3A_33 = vector.broadcast %get3A_32 : vector<1x16xf32> to vector<10000x16xf32>
    %mul3A_34 = arith.mulf %mul3A_29, %mul3A_33 : vector<10000x16xf32>
    %get3A_35 = arith.constant 0 : index
    %get3A_36 = arith.constant 0 : index
    %get3A_37 = vector.load %arg4[%get3A_35, %get3A_36] : memref<1x16xf32, #tpu.memory_space<vmem>>, vector<1x16xf32>
    %add3A_38 = vector.broadcast %get3A_37 : vector<1x16xf32> to vector<10000x16xf32>
    %add3A_39 = arith.addf %mul3A_34, %add3A_38 : vector<10000x16xf32>
    %max3A = arith.constant 0.000000e+00 : f32
    %max3A_40 = vector.broadcast %max3A : f32 to vector<10000x16xf32>
    %max3A_41 = arith.maximumf %add3A_39, %max3A_40 : vector<10000x16xf32>
    %get3A_42 = arith.constant 0 : index
    %get3A_43 = arith.constant 0 : index
    %get3A_44 = arith.constant 0 : index
    %get3A_45 = vector.load %arg5[%get3A_42, %get3A_43, %get3A_44] : memref<1x16x16xf32, #tpu.memory_space<vmem>>, vector<1x16x16xf32>
    %get3A_46 = vector.shape_cast %get3A_45 : vector<1x16x16xf32> to vector<16x16xf32>
    %dot_general3A = arith.constant dense<0.000000e+00> : vector<10000x16xf32>
    %dot_general3A_47 = tpu.matmul %max3A_41, %get3A_46, %dot_general3A {dimension_numbers = #tpu.dot_dimension_numbers<[1], [0], [0], [1], [0, 0, 1, 1], [], []>, transpose_lhs_hint = false} : vector<10000x16xf32>, vector<16x16xf32>, vector<10000x16xf32> -> vector<10000x16xf32>
    %swap3A = arith.constant 0 : index
    %swap3A_48 = arith.constant 0 : index
    %swap3A_49 = arith.constant 0 : index
    %swap3A_50 = vector.load %arg6[%swap3A, %swap3A_48, %swap3A_49] : memref<1x10000x16xf32, #tpu.memory_space<vmem>>, vector<1x10000x16xf32>
    %swap3A_51 = vector.shape_cast %swap3A_50 : vector<1x10000x16xf32> to vector<10000x16xf32>
    %swap3A_52 = vector.shape_cast %dot_general3A_47 : vector<10000x16xf32> to vector<1x10000x16xf32>
    tpu.vector_store %arg6[%swap3A, %swap3A_48, %swap3A_49], %swap3A_52 {strides = array<i32>} : memref<1x10000x16xf32, #tpu.memory_space<vmem>>, vector<1x10000x16xf32>,
    return
  }
  func.func @transform_0(%arg0: i32) -> (i32, i32, i32) {
    %c0_i32 = arith.constant 0 : i32
    %c0_i32_0 = arith.constant 0 : i32
    %c0_i32_1 = arith.constant 0 : i32
    %c0_i32_2 = arith.constant 0 : i32
    return %c0_i32, %c0_i32_0, %c0_i32_1 : i32, i32, i32
  }
  func.func @transform_1(%arg0: i32) -> (i32, i32) {
    %c0_i32 = arith.constant 0 : i32
    %c0_i32_0 = arith.constant 0 : i32
    %c0_i32_1 = arith.constant 0 : i32
    return %c0_i32, %c0_i32_0 : i32, i32
  }
  func.func @transform_2(%arg0: i32) -> (i32, i32) {
    %c0_i32 = arith.constant 0 : i32
    %c0_i32_0 = arith.constant 0 : i32
    %c0_i32_1 = arith.constant 0 : i32
    return %c0_i32, %c0_i32_0 : i32, i32
  }
  func.func @transform_3(%arg0: i32) -> (i32, i32) {
    %c0_i32 = arith.constant 0 : i32
    %c0_i32_0 = arith.constant 0 : i32
    %c0_i32_1 = arith.constant 0 : i32
    return %c0_i32, %c0_i32_0 : i32, i32
  }
  func.func @transform_4(%arg0: i32) -> (i32, i32, i32) {
    %c0_i32 = arith.constant 0 : i32
    %c0_i32_0 = arith.constant 0 : i32
    %c0_i32_1 = arith.constant 0 : i32
    return %arg0, %c0_i32, %c0_i32_0 : i32, i32, i32
  }
  func.func @transform_5(%arg0: i32) -> (i32, i32, i32) {
    %c0_i32 = arith.constant 0 : i32
    %c0_i32_0 = arith.constant 0 : i32
    %c0_i32_1 = arith.constant 0 : i32
    return %arg0, %c0_i32, %c0_i32_0 : i32, i32, i32
  }
}

module attributes {stable_mosaic.version = 14 : i64} {
  func.func @_fin_body(%arg0: memref<2x10000x16xf32, #tpu.memory_space<vmem>>, %arg1: memref<1x8xf32, #tpu.memory_space<vmem>>, %arg2: memref<1x8xf32, #tpu.memory_space<vmem>>, %arg3: memref<1x8xf32, #tpu.memory_space<vmem>>, %arg4: memref<10000x8xf32, #tpu.memory_space<vmem>>) attributes {dimension_semantics = [], scalar_prefetch = 0 : i64, scratch_operands = 0 : i64, tpu.core_type = #tpu.core_type<tc>} {
    %get3A = arith.constant 0 : index
    %get3A_0 = arith.constant 0 : index
    %get3A_1 = arith.constant 0 : index
    %get3A_2 = vector.load %arg0[%get3A, %get3A_0, %get3A_1] : memref<2x10000x16xf32, #tpu.memory_space<vmem>>, vector<1x10000x8xf32>
    %get3A_3 = vector.shape_cast %get3A_2 : vector<1x10000x8xf32> to vector<10000x8xf32>
    %get3A_4 = arith.constant 1 : index
    %get3A_5 = arith.constant 0 : index
    %get3A_6 = arith.constant 0 : index
    %get3A_7 = vector.load %arg0[%get3A_4, %get3A_5, %get3A_6] : memref<2x10000x16xf32, #tpu.memory_space<vmem>>, vector<1x10000x8xf32>
    %get3A_8 = vector.shape_cast %get3A_7 : vector<1x10000x8xf32> to vector<10000x8xf32>
    %add3A = arith.addf %get3A_3, %get3A_8 : vector<10000x8xf32>
    %get3A_9 = arith.constant 0 : index
    %get3A_10 = arith.constant 0 : index
    %get3A_11 = vector.load %arg1[%get3A_9, %get3A_10] : memref<1x8xf32, #tpu.memory_space<vmem>>, vector<1x8xf32>
    %add3A_12 = vector.broadcast %get3A_11 : vector<1x8xf32> to vector<10000x8xf32>
    %add3A_13 = arith.addf %add3A, %add3A_12 : vector<10000x8xf32>
    %reduce_sum3A = arith.constant dense<0.000000e+00> : vector<10000xf32>
    %reduce_sum3A_14 = vector.multi_reduction <add>, %add3A_13, %reduce_sum3A [1] : vector<10000x8xf32> to vector<10000xf32>
    %broadcast_in_dim3A = vector.shape_cast %reduce_sum3A_14 : vector<10000xf32> to vector<10000x1xf32>
    %div3A = arith.constant 8.000000e+00 : f32
    %div3A_15 = vector.broadcast %div3A : f32 to vector<10000x1xf32>
    %div3A_16 = arith.divf %broadcast_in_dim3A, %div3A_15 : vector<10000x1xf32>
    %sub3A = vector.broadcast %div3A_16 : vector<10000x1xf32> to vector<10000x8xf32>
    %sub3A_17 = arith.subf %add3A_13, %sub3A : vector<10000x8xf32>
    %integer_pow3A = arith.mulf %sub3A_17, %sub3A_17 : vector<10000x8xf32>
    %reduce_sum3A_18 = arith.constant dense<0.000000e+00> : vector<10000xf32>
    %reduce_sum3A_19 = vector.multi_reduction <add>, %integer_pow3A, %reduce_sum3A_18 [1] : vector<10000x8xf32> to vector<10000xf32>
    %broadcast_in_dim3A_20 = vector.shape_cast %reduce_sum3A_19 : vector<10000xf32> to vector<10000x1xf32>
    %div3A_21 = arith.constant 8.000000e+00 : f32
    %div3A_22 = vector.broadcast %div3A_21 : f32 to vector<10000x1xf32>
    %div3A_23 = arith.divf %broadcast_in_dim3A_20, %div3A_22 : vector<10000x1xf32>
    %sub3A_24 = vector.broadcast %div3A_16 : vector<10000x1xf32> to vector<10000x8xf32>
    %sub3A_25 = arith.subf %add3A_13, %sub3A_24 : vector<10000x8xf32>
    %add3A_26 = arith.constant 9.99999974E-6 : f32
    %add3A_27 = vector.broadcast %add3A_26 : f32 to vector<10000x1xf32>
    %add3A_28 = arith.addf %div3A_23, %add3A_27 : vector<10000x1xf32>
    %rsqrt3A = math.rsqrt %add3A_28 : vector<10000x1xf32>
    %mul3A = vector.broadcast %rsqrt3A : vector<10000x1xf32> to vector<10000x8xf32>
    %mul3A_29 = arith.mulf %sub3A_25, %mul3A : vector<10000x8xf32>
    %get3A_30 = arith.constant 0 : index
    %get3A_31 = arith.constant 0 : index
    %get3A_32 = vector.load %arg2[%get3A_30, %get3A_31] : memref<1x8xf32, #tpu.memory_space<vmem>>, vector<1x8xf32>
    %mul3A_33 = vector.broadcast %get3A_32 : vector<1x8xf32> to vector<10000x8xf32>
    %mul3A_34 = arith.mulf %mul3A_29, %mul3A_33 : vector<10000x8xf32>
    %get3A_35 = arith.constant 0 : index
    %get3A_36 = arith.constant 0 : index
    %get3A_37 = vector.load %arg3[%get3A_35, %get3A_36] : memref<1x8xf32, #tpu.memory_space<vmem>>, vector<1x8xf32>
    %add3A_38 = vector.broadcast %get3A_37 : vector<1x8xf32> to vector<10000x8xf32>
    %add3A_39 = arith.addf %mul3A_34, %add3A_38 : vector<10000x8xf32>
    %swap3A = arith.constant 0 : index
    %swap3A_40 = arith.constant 0 : index
    %swap3A_41 = vector.load %arg4[%swap3A, %swap3A_40] : memref<10000x8xf32, #tpu.memory_space<vmem>>, vector<10000x8xf32>
    tpu.vector_store %arg4[%swap3A, %swap3A_40], %add3A_39 {strides = array<i32>} : memref<10000x8xf32, #tpu.memory_space<vmem>>, vector<10000x8xf32>,
    return
  }
}

</mosaic_0001>

<sc_bundles>
// kernel: kernel.10.cloned.1.call-start
scs
__scs_entry_jumppad:
0x0: {  	(pc) =	sbr.rel $0x88, $3  }
0x1: {  	(tag) =	ssettag $0x0;
	lr =	simm.s32 $0x1  }
0x2: {  	[smem:$0x3F95] =	sst lr;
	_ =	strace $0xD0000000  }
0x3: {  	_ = 	snop  }
0x4: {  	_ = 	snop  }
0x5: {  	_ = 	snop  }
0x6: {  	_ = 	snop  }
0x7: {  	_ = 	snop  }
__scs_overlays_trampoline_lowered:
0x8: {  	[smem:$0x3FA4] =	sst s0  }
0x9: {  	[smem:$0x3FA5] =	sst s1  }
0xa: {  	[smem:$0x3FA6] =	sst s2  }
0xb: {  	[smem:$0x3FA7] =	sst s3  }
0xc: {  	[smem:$0x3FA8] =	sst s4  }
0xd: {  	[smem:$0x3FA9] =	sst s5  }
0xe: {  	[smem:$0x3FAA] =	sst s6  }
0xf: {  	[smem:$0x3FAB] =	sst s7  }
0x10: {  	[smem:$0x3FAC] =	sst s8  }
0x11: {  	[smem:$0x3FAD] =	sst s9;
	s0 =	simm.s32 @!p0 $0x0  }
0x12: {  	s1 =	sld [smem:$0x3F93];
	s0 =	simm.s32 @p0 $0x1  }
0x13: {  	[smem:$0x3FAE] =	sst s0;
	s0 =	simm.s32 @!p1 $0x0  }
0x14: {  	s2 =	sld [smem:$0x3F92];
	s0 =	simm.s32 @p1 $0x1  }
0x15: {  	[smem:$0x3FAF] =	sst s0;
	s0 =	simm.s32 @!p2 $0x0  }
0x16: {  	s3 =	sld [smem:$0x3FDB];
	s0 =	simm.s32 @p2 $0x1  }
0x17: {  	s4 =	simm.s32 $0x1BF5;
	[smem:$0x3FB1] =	sst s0  }
0x18: {  	s0 =	sld [smem:$0x3F94];
	_ =	swait.ge [sflag:s4], $0x0  }
0x19: {  	s7 =	sld [smem:$0x3F95]  }
0x1a: {  	s8 =	sadd.s32 $0xFFFFE003, lr  }
0x1b: {  	s9 =	sadd.s32 $0xFFFFFEF7, lr;
	s5 =	simm.s32 $0xFFFFFFFF;
	p2 =	slt.u32 s8, $0xFFFFF086  }
0x1c: {  	p1 =	slt.u32 s9, $0xF7A;
	s5 =	simm.s32 @!p2 $0x0  }
0x1d: {  	s5 =	simm.s32 @p1 $0x1;
	p0 =	seq.s32 s7, s2  }
0x1e: {  	s7 =	smul.u32 @!p0 $0xF7A, s2;
	p2 =	seq.s32 @!p0 s5, $0x0  }
0x1f: {  	s9 =	smul.u32 $0xF7A, s1;
	s8 =	simm.s32 @!p0 $0x1BF5;
	p2 =	por !p2, p0  }
0x20: {  	[sflag:s8] =	ssyncset.s32 @!p0 $0xFFFFF086;
	s6 =	sadd.s32 @!p0 s3, s7;
	s7 =	simm.s32 @!p0 $0x108  }
0x21: {  	s3 =	sadd.s32 s3, s9;
	s6 =	sadd.s32 @!p0 $0x88, s6;
	s7 =	simm.s32 @p2 $0x1082  }
0x22: {  	[simem:s7], [sflag:s8] =	dma.local @!p0 [hbm:s6], $0xF7A  }
0x23: {  	s9 =	sor.u32 $0xD0000000, s2;
	s6 =	simm.s32 $0x108;
	_ =	swait.ge @!p0 [sflag:s8], $0x0  }
0x24: {  	s3 =	sadd.s32 $0x88, s3;
	s6 =	simm.s32 @!p1 $0x1082;
	[sflag:s4] =	ssyncset.s32 $0xFFFFF086  }
0x25: {  	[simem:s6], [sflag:s4] =	dma.local [hbm:s3], $0xF7A  }
0x26: {  	[smem:$0x3F95] =	sst s1;
	(tag) =	ssettag s2;
	_ =	strace s9  }
0x27: {  	s1 =	sld [smem:$0x3FA5]  }
0x28: {  	s2 =	sld [smem:$0x3FA6]  }
0x29: {  	s4 =	sld [smem:$0x3FA8]  }
0x2a: {  	p0 =	seq.s32 s5, $0x0;
	s5 =	sld [smem:$0x3FA9]  }
0x2b: {  	s6 =	sld [smem:$0x3FAA]  }
0x2c: {  	s7 =	sld [smem:$0x3FAB]  }
0x2d: {  	s3 =	simm.s32 $0x108;
	s8 =	sld [smem:$0x3FAC]  }
0x2e: {  	s3 =	simm.s32 @!p0 $0x1082;
	s9 =	sld [smem:$0x3FAD]  }
0x2f: {  	lr =	sadd.s32 s0, s3;
	s0 =	sld [smem:$0x3FA4]  }
0x30: {  	s3 =	sld [smem:$0x3FA7]  }
0x31: {  	[smem:$0x3FB0] =	sst s10  }
0x32: {  	s10 =	sld [smem:$0x3FAE];
	_ =	sdelay $0x3  }
0x33: {  	p0 =	seq.s32 s10, $0x1;
	s10 =	sld [smem:$0x3FB0];
	_ =	sdelay $0x3  }
0x34: {  	[smem:$0x3FB0] =	sst s10  }
0x35: {  	s10 =	sld [smem:$0x3FAF];
	_ =	sdelay $0x3  }
0x36: {  	p1 =	seq.s32 s10, $0x1;
	s10 =	sld [smem:$0x3FB0];
	_ =	sdelay $0x3  }
0x37: {  	[smem:$0x3FB0] =	sst s10  }
0x38: {  	s10 =	sld [smem:$0x3FB1]  }
0x39: {  	_ = 	snop;
	(pc) =	sbr.ind lr, $3  }
0x3a: {  	_ = 	snop  }
0x3b: {  	_ = 	snop  }
0x3c: {  	p2 =	seq.s32 s10, $0x1;
	s10 =	sld [smem:$0x3FB0]  }
0x3d: {  	_ =	shalt  }
0x3e: {  	_ =	shalt  }
0x3f: {  	_ =	shalt  }
0x40: {  	_ =	shalt  }
0x41: {  	_ =	shalt  }
0x42: {  	_ =	shalt  }
0x43: {  	_ =	shalt  }
0x44: {  	_ =	shalt  }
0x45: {  	_ =	shalt  }
0x46: {  	_ =	shalt  }
0x47: {  	_ =	shalt  }
0x48: {  	_ =	shalt  }
0x49: {  	_ =	shalt  }
0x4a: {  	_ =	shalt  }
0x4b: {  	_ =	shalt  }
0x4c: {  	_ =	shalt  }
0x4d: {  	_ =	shalt  }
0x4e: {  	_ =	shalt  }
0x4f: {  	_ =	shalt  }
0x50: {  	_ =	shalt  }
0x51: {  	_ =	shalt  }
0x52: {  	_ =	shalt  }
0x53: {  	_ =	shalt  }
0x54: {  	_ =	shalt  }
0x55: {  	_ =	shalt  }
0x56: {  	_ =	shalt  }
0x57: {  	_ =	shalt  }
0x58: {  	_ =	shalt  }
0x59: {  	_ =	shalt  }
0x5a: {  	_ =	shalt  }
0x5b: {  	_ =	shalt  }
0x5c: {  	_ =	shalt  }
0x5d: {  	_ =	shalt  }
0x5e: {  	_ =	shalt  }
0x5f: {  	_ =	shalt  }
0x60: {  	_ =	shalt  }
0x61: {  	_ =	shalt  }
0x62: {  	_ =	shalt  }
0x63: {  	_ =	shalt  }
0x64: {  	_ =	shalt  }
0x65: {  	_ =	shalt  }
0x66: {  	_ =	shalt  }
0x67: {  	_ =	shalt  }
0x68: {  	_ =	shalt  }
0x69: {  	_ =	shalt  }
0x6a: {  	_ =	shalt  }
0x6b: {  	_ =	shalt  }
0x6c: {  	_ =	shalt  }
0x6d: {  	_ =	shalt  }
0x6e: {  	_ =	shalt  }
0x6f: {  	_ =	shalt  }
0x70: {  	_ =	shalt  }
0x71: {  	_ =	shalt  }
0x72: {  	_ =	shalt  }
0x73: {  	_ =	shalt  }
0x74: {  	_ =	shalt  }
0x75: {  	_ =	shalt  }
0x76: {  	_ =	shalt  }
0x77: {  	_ =	shalt  }
0x78: {  	_ =	shalt  }
0x79: {  	_ =	shalt  }
0x7a: {  	_ =	shalt  }
0x7b: {  	_ =	shalt  }
0x7c: {  	_ =	shalt  }
0x7d: {  	_ =	shalt  }
0x7e: {  	_ =	shalt  }
0x7f: {  	_ =	shalt  }
0x80: {  	_ =	shalt  }
0x81: {  	_ =	shalt  }
0x82: {  	_ =	shalt  }
0x83: {  	_ =	shalt  }
0x84: {  	_ =	shalt  }
0x85: {  	_ =	shalt  }
0x86: {  	_ =	shalt  }
0x87: {  	_ =	shalt  }
.Lfunc_end0:
.L_simem_size_0:
called_computation.1_lowered:
.L_overlay_start_0:
0x88: {  	s2 =	sld [smem:$0x3FD9]  }
0x89: {  	s3 =	sld [smem:$0x3FFE];
	_ =	sdelay $0x1  }
0x8a: {  	s1 =	srdreg.scid  }
0x8b: {  	s0 =	sand.u32 $0x1, s1  }
0x8c: {  	s16 =	sshll.u32 s0, $0xA;
	s2 =	sadd.s32 s3, s2  }
0x8d: {  	s2 =	sadd.s32 s2, s16  }
0x8e: {  	[smem:$0x3FBC] =	sst s2  }
0x8f: {  	_ = 	snop  }
0x90: {  	(tm) =	ssettm $0x1  }
0x91: {  	s17 =	sld [smem:$0x3FFB];
	_ =	sdelay $0x3  }
0x92: {  	_ =	strace s17  }
0x93: {  	s2 =	sld [smem:$0x3FFC];
	_ =	sdelay $0x3  }
0x94: {  	_ =	strace s2  }
0x95: {  	s2 =	sld [smem:$0x3FFD];
	_ =	sdelay $0x3  }
0x96: {  	_ =	strace s2  }
0x97: {  	_ =	strace $0x8FFFFFFF  }
0x98: {  	s18 =	sld [smem:$0x3FDB];
	_ =	sdelay $0x1  }
0x99: {  	s19 =	simm.s32 $_scs_section_size  }
0x9a: {  	s4 =	simm.s32 $_size__tile_overlayer_lowered;
	s5 =	simm.s32 $_tile_overlayer_lowered  }
0x9b: {  	s22 =	simm.s32 $0x1BFF;
	s21 =	sshll.u32 s5, $0x1;
	s2 =	sadd.s32 s19, s18  }
0x9c: {  	s6 =	simm.s32 $0x0;
	s20 =	sshll.u32 s4, $0x1;
	s4 =	sadd.s32 s21, s2  }
0x9d: {  	[timem:s6], [sflag:s22] =	dma.local [hbm:s4], s20  }
0x9e: {  	_ =	swait.ge [sflag:s22], s20  }
0x9f: {  	s3 =	ssub.s32 $0x0, s20;
	[sflag:s22] =	ssyncset.done $0x0  }
0xa0: {  	[sflag:s22] =	ssyncadd.s32 s3;
	_ =	sdelay $0x1  }
0xa1: {  	s23 =	simm.s32 $0x1B8B  }
0xa2: {  	_ =	swait.ge [sflag:s23], $0x1  }
0xa3: {  	[sflag:s23] =	ssyncset.done $0x0  }
0xa4: {  	s25 =	simm.s32 $0x1B8E;
	s24 =	sld [smem:$0x3FFE];
	[sflag:s23] =	ssyncadd.s32 $0xFFFFFFFF  }
0xa5: {  	s26 =	simm.s32 $execute0_lowered;
	[smem:$0x3FD2] =	sst s25  }
0xa6: {  	s4 =	sshll.u32 s26, $0x1;
	_ =	strace $0x80000049;
	[dreg:$0x1] =	wrdreg $0xFFFFFFFF  }
0xa7: {  	s28 =	simm.s32 $_size_execute0_lowered;
	s2 =	sadd.s32 s2, s4;
	[dreg:$0x0] =	wrdreg $0x0  }
0xa8: {  	s4 =	sshll.u32 s28, $0x1;
	[dreg:$0x2] =	wrdreg s2  }
0xa9: {  	[dreg:$0x3] =	wrdreg s4  }
0xaa: {  	[dreg:$0x4] =	wrdreg $0xC0  }
0xab: {  	_ =	task [dreg:s6], $0x5FFFF  }
0xac: {  	[dreg:$0x1] =	wrdreg $0xFFFFFFFF  }
0xad: {  	[dreg:$0x0] =	wrdreg $0x60  }
0xae: {  	[dreg:$0x2] =	wrdreg s24  }
0xaf: {  	[dreg:$0x3] =	wrdreg $0xD2800  }
0xb0: {  	[dreg:$0x4] =	wrdreg $0x9  }
0xb1: {  	_ =	task.clear_ibuf [dreg:s6], $0x5FFFF;
	_ =	strace $0x90000049  }
0xb2: {  	s29 =	simm.s32 $0x9;
	_ =	strace $0x8000004B  }
0xb3: {  	_ =	swait.ge [sflag:s29], $0x1  }
0xb4: {  	[sflag:s29] =	ssyncadd.s32 $0xFFFFFFFF  }
0xb5: {  	_ =	strace $0x9000004B  }
0xb6: {  	_ =	sfence  }
0xb7: {  	s30 =	sld [smem:$0x0];
	_ =	sdelay $0x2  }
0xb8: {  	s31 =	sshll.u32 s1, $0xD;
	s1 =	sshrl.u32 s1, $0x2  }
0xb9: {  	s3 =	sand.u32 $0x4000, s31;
	s1 =	sadd.s32 s1, s30  }
0xba: {  	s0 =	sor.u32 s3, s0;
	s1 =	sshll.u32 s1, $0x11  }
0xbb: {  	s0 =	sor.u32 s1, s0  }
0xbc: {  	s0 =	sadd.s32 $0x8F2B, s0  }
0xbd: {  	[sflag:s0] =	ssyncadd.remote.s32 $0x1  }
0xbe: {  	_ =	sfence.sel $0xFFFF  }
0xbf: {  	[dreg:$0x0] =	wrdreg $0xFFFFFFFF;
	(pc) =	sbr.abs _section_cstart, $3  }
0xc0: {  	[dreg:$0x1] =	wrdreg $0xFFFFFFFF  }
0xc1: {  	_ =	task.clear_ibuf [dreg:s6], $0x2FFFF;
	_ =	strace $0x9FFFFFFF  }
0xc2: {  	(tm) =	ssettm $0x7FFFFFFF  }
0xc3: {  	_ =	shalt  }
tec
execute0_lowered:
.L_overlay_start_1:
0x0: {  	(tag) =	ssettag $0x1  }
0x1: {  	s0 =	srdreg.scid;
	s1 =	rddreg [dreg:$0x0]  }
0x2: {  	s8 =	stileid.u32;
	s9 =	rddreg [dreg:$0x1]  }
0x3: {  	s3 =	simm.s32 $0x0;
	s0 =	sand.u32 $0x1, s0;
	s2 =	sshll.u32 s8, $0x1  }
0x4: {  	[smem:$0x7FF] =	sst s3;
	s26 =	smul.u32 $0x2800, s8;
	s10 =	sadd.s32 $0x2BD400, s1  }
0x5: {  	s7 =	sadd.s32 $0x25200, s1;
	s2 =	sor.u32 s0, s2;
	_ =	strace $0x8000004A  }
0x6: {  	s4 =	ssub.s32 $0x2, s0;
	s0 =	smul.u32 $0x27100, s0;
	s5 =	sshrl.u32 s26, $0x3  }
0x7: {  	s2 =	smul.u32 $0x510, s2;
	s6 =	sshrl.u32 s4, $0x1;
	s5 =	sadd.s32 s5, s1  }
0x8: {  	[dreg:$0x9] =	wrdreg s10;
	s4 =	ssub.s32 s4, s6;
	s5 =	sadd.s32 $0x20200, s5  }
0x9: {  	s2 =	sadd.s32 s2, s1;
	s1 =	sadd.s32 $0x24D00, s1;
	[dreg:$0xd] =	wrdreg s5  }
0xa: {  	p0 =	seq.s32 s8, $0xF;
	s31 =	smax.u32 s4, $0x1;
	[dreg:$0xe] =	wrdreg s1  }
0xb: {  	s3 =	sadd.s32 s26, s0;
	s28 =	sadd.s32 $0xBE00, s2;
	[dreg:$0x11] =	wrdreg s31  }
0xc: {  	s0 =	sshrl.u32 s0, $0x3;
	s29 =	sadd.s32 $0x1C00, s2;
	[dreg:$0xa] =	wrdreg s28  }
0xd: {  	v0 =	vimm.s32 $0xECA86420;
	vm0 =	vcmask $0xB08;
	vm1 =	vcmask $0x1310;
	s30 =	sshrl.u32 s3, $0x3;
	s2 =	sadd.s32 $0x16000, s2;
	[dreg:$0xb] =	wrdreg s29  }
0xe: {  	vm2 =	vcmask $0x1B18;
	vm3 =	vcmask $0x300;
	vm4 =	vcmask $0x2320;
	s0 =	sadd.s32 s7, s0;
	s1 =	sadd.s32 s7, s30;
	[dreg:$0xc] =	wrdreg s2  }
0xf: {  	vm5 =	vcmask $0x2B28;
	vm6 =	vcmask $0x3330;
	vm7 =	vcmask $0x3B38;
	s5 =	sadd.s32 $0x25800, s9;
	s0 =	sadd.s32 $0x4B00, s0;
	[dreg:$0xf] =	wrdreg s1  }
0x10: {  	v1 =	vlaneseq.u32;
	vm8 =	vmmov $0xff;
	vm9 =	vcmask $0x704;
	[dreg:$0x10] =	wrdreg s0;
	s3 =	sshrl.u32 @p0 s5, $0x3;
	s0 =	sshll.u32 @!p0 s8, $0x6  }
0x11: {  	vm10 =	vcmask $0xF0C;
	vm11 =	vcmask $0x1714;
	v0 =	vunpack.c.l.s4.s8 v0;
	s2 =	sadd.s32 s26, s9;
	s4 =	sor.u32 @!p0 $0x1C02, s0;
	[dreg:$0x12] =	wrdreg s3  }
0x12: {  	vm12 =	vcmask $0x1F1C;
	vm13 =	vcmask $0x2724;
	vm14 =	vcmask $0x2F2C;
	s5 =	sshrl.u32 @!p0 s2, $0x3;
	[dreg:$0x13] =	wrdreg s4  }
0x13: {  	vm15 =	vcmask $0x3734;
	v1 =	vmul.u32 $0x2, v1;
	v0 =	vunpack.c.0.s8.s32 v0;
	s6 =	simm.s32 $0x2;
	s2 =	simm.s32 $0x0;
	[dreg:$0x14] =	wrdreg s5  }
.LBB2_1:
0x14: {  	[dreg:$0x15] =	wrdreg s2  }
0x15: {  	s0 =	simm.s32 $0x0;
	s1 =	rddreg [dreg:$0xa]  }
0x16: {  	[tilespmem:s0], [sflag:$0x2] =	stream.linear.gather [hbm4b:s1+s0], $0x2880, $0x38;
	[tilespmem:$0xF990] =	vst v63  }
0x17: {  	_ =	swait.ge [sflag:s6], $0x2880  }
0x18: {  	[sflag:s6] =	ssyncset.done $0x0  }
0x19: {  	s10 =	simm.s32 $0x2880;
	s9 =	rddreg [dreg:$0xb];
	[sflag:s6] =	ssyncadd.s32 $0xFFFFD780  }
0x1a: {  	[tilespmem:s10], [sflag:$0x2] =	stream.linear.gather [hbm4b:s9+s0], $0x2880, $0x38;
	[tilespmem:$0xF990] =	vst v63  }
0x1b: {  	_ =	swait.ge [sflag:s6], $0x2880  }
0x1c: {  	[sflag:s6] =	ssyncset.done $0x0  }
0x1d: {  	s12 =	simm.s32 $0x5100;
	s11 =	rddreg [dreg:$0xc];
	[sflag:s6] =	ssyncadd.s32 $0xFFFFD780  }
0x1e: {  	[tilespmem:s12], [sflag:$0x2] =	stream.linear.gather [hbm4b:s11+s0], $0x2880, $0x38;
	[tilespmem:$0xF990] =	vst v63  }
0x1f: {  	_ =	swait.ge [sflag:s6], $0x2880  }
0x20: {  	[sflag:s6] =	ssyncset.done $0x0  }
0x21: {  	s0 =	simm.s32 @p0 $0x1FC2;
	s1 =	rddreg [dreg:$0xe];
	[sflag:s6] =	ssyncadd.s32 $0xFFFFD780  }
0x22: {  	[spmem:s3], [sflag:s0] =	dma.local @p0 [hbm:s1], $0x320  }
0x23: {  	s0 =	simm.s32 @p0 $0x2  }
0x24: {  	_ =	swait.ge @p0 [sflag:s0], $0x320  }
0x25: {  	[sflag:s0] =	ssyncset.done @p0 $0x0  }
0x26: {  	[sflag:s0] =	ssyncadd.s32 @p0 $0xFFFFFCE0;
	s0 =	rddreg [dreg:$0xd]  }
0x27: {  	[spmem:s5], [sflag:s4] =	dma.local @!p0 [hbm:s0], $0x500  }
0x28: {  	s0 =	simm.s32 @!p0 $0x2  }
0x29: {  	_ =	swait.ge @!p0 [sflag:s0], $0x500  }
0x2a: {  	[sflag:s0] =	ssyncset.done @!p0 $0x0  }
0x2b: {  	s13 =	simm.s32 $0x0;
	[sflag:s0] =	ssyncadd.s32 @!p0 $0xFFFFFB00  }
0x2c: {  	v2 =	vld [tilespmem:s13+$0x0];
	_ =	sdelay $0x4  }
0x2d: {  	(v2sf) =	vpush v2, $0x0  }
0x2e: {  	(v2sf) =	vpush v2, $0x7;
	_ =	sdelay $0x2  }
0x2f: {  	(v2sf) =	vpush v2, $0x1  }
0x30: {  	(v2sf) =	vpush v2, $0x2;
	_ =	sdelay $0x1  }
0x31: {  	(v2sf) =	vpush v2, $0xE;
	_ =	sdelay $0x2  }
0x32: {  	(v2sf) =	vpush v2, $0x3  }
0x33: {  	(v2sf) =	vpush v2, $0x4  }
0x34: {  	(v2sf) =	vpush v2, $0x5;
	_ =	sdelay $0x2  }
0x35: {  	(v2sf) =	vpush v2, $0xC;
	s15 =	spop (v2sf)  }
0x36: {  	(v2sf) =	vpush v2, $0x8;
	s16 =	spop (v2sf);
	s0 =	smulhi.u32 $0x68DB8BAD, s15  }
0x37: {  	s1 =	sshra.s32 s15, $0x1F;
	s2 =	smulhi.u32 $0x68DB8BAD, s16  }
0x38: {  	s18 =	sshra.s32 s16, $0x1F;
	s1 =	smul.u32 $0x68DB8BAD, s1  }
0x39: {  	s17 =	spop (v2sf);
	s4 =	smul.u32 $0x68DB8BAD, s18  }
0x3a: {  	s19 =	spop (v2sf);
	s8 =	smulhi.u32 $0x68DB8BAD, s17  }
0x3b: {  	s3 =	sshra.s32 s17, $0x1F;
	s10 =	smulhi.u32 $0x68DB8BAD, s19  }
0x3c: {  	(v2sf) =	vpush v2, $0x9;
	s20 =	spop (v2sf);
	s3 =	smul.u32 $0x68DB8BAD, s3  }
0x3d: {  	s14 =	simm.s32 $0x0;
	(v2sf) =	vpush v2, $0xD;
	s5 =	sshra.s32 s19, $0x1F;
	s6 =	smulhi.u32 $0x68DB8BAD, s20  }
0x3e: {  	[dreg:$0x3] =	wrdreg s14;
	(v2sf) =	vpush v2, $0xF;
	s7 =	sshra.s32 s20, $0x1F;
	s5 =	smul.u32 $0x68DB8BAD, s5  }
0x3f: {  	(v2sf) =	vpush v2, $0xA;
	s9 =	spop (v2sf);
	s2 =	sadd.s32 s4, s2;
	s7 =	smul.u32 $0x68DB8BAD, s7  }
0x40: {  	s11 =	spop (v2sf);
	s13 =	sshra.s32 s9, $0x1F;
	s9 =	smulhi.u32 $0x68DB8BAD, s9  }
0x41: {  	s30 =	sadd.s32 s3, s8;
	s29 =	sshra.s32 s2, $0xC;
	s12 =	spop (v2sf)  }
0x42: {  	(v2sf) =	vpush v2, $0xB;
	s15 =	sshra.s32 s11, $0x1F;
	s13 =	smul.u32 $0x68DB8BAD, s13;
	s28 =	sadd.s32 s5, s10  }
0x43: {  	[dreg:$0x4] =	wrdreg s29;
	s11 =	smulhi.u32 $0x68DB8BAD, s11;
	s14 =	sshra.s32 s12, $0x1F  }
0x44: {  	s16 =	spop (v2sf);
	s22 =	smulhi.u32 $0x68DB8BAD, s12;
	s6 =	sadd.s32 s7, s6  }
0x45: {  	s21 =	smul.u32 $0x68DB8BAD, s14;
	s14 =	sshra.s32 s2, $0x1F;
	s17 =	spop (v2sf)  }
0x46: {  	s20 =	sshra.s32 s16, $0x1F;
	s31 =	sadd.s32 s13, s9;
	s26 =	smulhi.u32 $0x68DB8BAD, s17  }
0x47: {  	s2 =	sshrl.u32 s2, $0x1F;
	s25 =	sshra.s32 s17, $0x1F;
	s17 =	smul.u32 $0x68DB8BAD, s15  }
0x48: {  	s19 =	smulhi.u32 $0x68DB8BAD, s16;
	s9 =	sshra.s32 s28, $0xC;
	[dreg:$0x5] =	wrdreg s2  }
0x49: {  	s5 =	smul.u32 $0x68DB8BAD, s25;
	s18 =	sadd.s32 s21, s22;
	s16 =	sadd.s32 s17, s11  }
0x4a: {  	s17 =	sadd.s32 s1, s0;
	s15 =	sshrl.u32 s18, $0x1F;
	s0 =	sshra.s32 s18, $0xC  }
0x4b: {  	s1 =	sshra.s32 s18, $0x1F;
	s10 =	sadd.s32 s5, s26;
	s12 =	spop (v2sf)  }
0x4c: {  	s26 =	simm.s32 $0x10;
	[dreg:$0x6] =	wrdreg s15;
	s23 =	spop (v2sf)  }
0x4d: {  	s11 =	simm.s32 $0x80;
	v3 =	vld [tilespmem:s26+$0x0];
	s3 =	smulhi.u32 $0x68DB8BAD, s12;
	s13 =	spop (v2sf)  }
0x4e: {  	s15 =	sshra.s32 s16, $0xC;
	s22 =	smulhi.u32 $0x68DB8BAD, s23;
	s5 =	spop (v2sf)  }
0x4f: {  	v4 =	vmov s14;
	s14 =	sshra.s32 s16, $0x1F;
	s29 =	sshra.s32 s13, $0x1F;
	s21 =	smulhi.u32 $0x68DB8BAD, s5  }
0x50: {  	s24 =	sshra.s32 s23, $0x1F;
	s23 =	sshra.s32 s12, $0x1F;
	s4 =	smul.u32 $0x68DB8BAD, s29  }
0x51: {  	(v2sf) =	vpush v2, $0x6;
	s8 =	spop (v2sf);
	s25 =	sshra.s32 s5, $0x1F;
	s5 =	smul.u32 $0x68DB8BAD, s24  }
0x52: {  	(v2sf) =	vpush v3, $0x0;
	s29 =	sshra.s32 s17, $0xC;
	s12 =	smulhi.u32 $0x68DB8BAD, s8;
	s24 =	sshra.s32 s8, $0x1F  }
0x53: {  	s18 =	sshra.s32 s10, $0xC;
	v4 =	vsel vm3, s29, v4;
	(v2sf) =	vpush v3, $0x7;
	s8 =	sshrl.u32 s17, $0x1F;
	s2 =	smul.u32 $0x68DB8BAD, s24  }
.LBB2_2:
0x54: {  	[dreg:$0x8] =	wrdreg s1;
	s20 =	smul.u32 $0x68DB8BAD, s20  }
0x55: {  	s24 =	sshra.s32 s30, $0xC;
	s29 =	sshra.s32 s30, $0x1F;
	s7 =	smov.u32 s11  }
0x56: {  	s1 =	rddreg [dreg:$0x3];
	s5 =	sadd.s32 s5, s22;
	s25 =	smul.u32 $0x68DB8BAD, s25  }
0x57: {  	(v2sf) =	vpush v3, $0x1;
	s13 =	smulhi.u32 $0x68DB8BAD, s13;
	s22 =	sshra.s32 s17, $0x1F;
	p1 =	sne.s32 s11, $0xA1C0  }
0x58: {  	[dreg:$0x7] =	wrdreg s7;
	s7 =	smov.u32 s1;
	s1 =	smov.u32 s26  }
0x59: {  	(v2sf) =	vpush v3, $0x2;
	s26 =	sshrl.u32 s10, $0x1F;
	s10 =	sshrl.u32 s16, $0x1F;
	s16 =	sshrl.u32 s6, $0x1F  }
0x5a: {  	v5 =	vmov s18;
	s18 =	sshrl.u32 s5, $0x1F;
	v4 =	vsel vm9, s22, v4;
	s2 =	sadd.s32 s2, s12;
	[dreg:$0x3] =	wrdreg s1;
	(v2sf) =	vpush v3, $0xE  }
0x5b: {  	s19 =	sadd.s32 s20, s19;
	s1 =	smul.u32 $0x68DB8BAD, s23;
	s21 =	sadd.s32 s25, s21;
	v4 =	vsel vm0, s24, v4  }
0x5c: {  	s4 =	sadd.s32 s4, s13;
	s24 =	sshra.s32 s28, $0x1F;
	s23 =	sshrl.u32 s19, $0x1F;
	v4 =	vsel vm10, s29, v4  }
0x5d: {  	(v2sf) =	vpush v3, $0x3;
	s29 =	sshra.s32 s31, $0xC;
	s20 =	sadd.s32 s1, s3;
	s3 =	sshra.s32 s6, $0xC;
	v4 =	vsel vm1, s9, v4  }
0x5e: {  	(v2sf) =	vpush v3, $0x4;
	s6 =	sshrl.u32 s4, $0x1F;
	s1 =	sshrl.u32 s20, $0x1F;
	s13 =	sshra.s32 s20, $0xC;
	v4 =	vsel vm11, s24, v4  }
0x5f: {  	v7 =	vmov s23;
	s20 =	sshra.s32 s5, $0xC;
	s5 =	sshra.s32 s4, $0xC;
	s4 =	sshra.s32 s31, $0x1F;
	v4 =	vsel vm2, s29, v4  }
0x60: {  	v6 =	vmov s26;
	s25 =	sshra.s32 s21, $0xC;
	s21 =	sshrl.u32 s21, $0x1F;
	v7 =	vsel vm0, s18, v7;
	s18 =	sshra.s32 s19, $0xC;
	v4 =	vsel vm12, s4, v4  }
0x61: {  	s19 =	sshra.s32 s2, $0xC;
	s24 =	rddreg [dreg:$0x8];
	v6 =	vsel vm0, s1, v6;
	v5 =	vsel vm0, s13, v5;
	s1 =	sshrl.u32 s28, $0x1F;
	v4 =	vsel vm4, s15, v4  }
0x62: {  	s29 =	rddreg [dreg:$0x6];
	v5 =	vsel vm1, s25, v5;
	s25 =	sshrl.u32 s2, $0x1F;
	v4 =	vsel vm13, s14, v4;
	s26 =	spop (v2sf)  }
0x63: {  	v8 =	vmov s8;
	v4 =	vsel vm5, s0, v4;
	(v2sf) =	vpush v3, $0x5;
	s17 =	sshra.s32 s26, $0x1F;
	s23 =	smulhi.u32 $0x68DB8BAD, s26;
	s9 =	spop (v2sf)  }
0x64: {  	v9 =	vmov s18;
	v4 =	vsel vm14, s24, v4;
	s24 =	sadd.s32 $0x40, s11;
	(v2sf) =	vpush v3, $0xC;
	s13 =	smul.u32 $0x68DB8BAD, s17;
	s18 =	spop (v2sf)  }
0x65: {  	v8 =	vnsel vm3, $0x0, v8;
	v6 =	vsel vm1, s21, v6;
	s26 =	sshrl.u32 s30, $0x1F;
	(v2sf) =	vpush v3, $0x8;
	s2 =	smulhi.u32 $0x68DB8BAD, s9;
	s21 =	sshra.s32 s18, $0x1F  }
0x66: {  	v9 =	vsel vm0, s20, v9;
	v8 =	vsel vm0, s26, v8;
	s20 =	spop (v2sf);
	s8 =	sadd.s32 s13, s23;
	s26 =	smul.u32 $0x68DB8BAD, s21  }
0x67: {  	(v2sf) =	vpush v3, $0x9;
	v8 =	vsel vm1, s1, v8;
	s13 =	sshrl.u32 s31, $0x1F;
	s14 =	sshra.s32 s20, $0x1F;
	s20 =	smulhi.u32 $0x68DB8BAD, s20  }
0x68: {  	s4 =	sshra.s32 s9, $0x1F;
	(v2sf) =	vpush v3, $0xD;
	s22 =	spop (v2sf);
	v8 =	vsel vm2, s13, v8;
	s13 =	smulhi.u32 $0x68DB8BAD, s18  }
0x69: {  	s9 =	sshra.s32 s22, $0x1F;
	s23 =	spop (v2sf);
	s22 =	smulhi.u32 $0x68DB8BAD, s22  }
0x6a: {  	v5 =	vsel vm2, s19, v5;
	s12 =	sshra.s32 s8, $0x1F;
	s19 =	sshrl.u32 s8, $0x1F;
	s0 =	smulhi.u32 $0x68DB8BAD, s23  }
0x6b: {  	v6 =	vsel vm2, s25, v6;
	(v2sf) =	vpush v3, $0xF;
	s18 =	rddreg [dreg:$0x5];
	s25 =	sshra.s32 s23, $0x1F;
	s9 =	smul.u32 $0x68DB8BAD, s9  }
0x6c: {  	v7 =	vsel vm1, s16, v7;
	v9 =	vsel vm1, s3, v9;
	s8 =	sshra.s32 s8, $0xC;
	s16 =	spop (v2sf);
	s1 =	smul.u32 $0x68DB8BAD, s25  }
0x6d: {  	v8 =	vsel vm4, s10, v8;
	v4 =	vsel vm6, s8, v4;
	(v2sf) =	vpush v3, $0xA;
	s8 =	sshra.s32 s16, $0x1F;
	s3 =	spop (v2sf);
	s25 =	smul.u32 $0x68DB8BAD, s14  }
0x6e: {  	v7 =	vsel vm2, s6, v7;
	v9 =	vsel vm2, s5, v9;
	v8 =	vsel vm5, s29, v8;
	s5 =	sadd.s32 s26, s13;
	s29 =	smulhi.u32 $0x68DB8BAD, s16;
	s6 =	sshra.s32 s3, $0x1F  }
0x6f: {  	v6 =	vcombine.low v6, v7;
	v8 =	vsel vm6, s19, v8;
	s19 =	rddreg [dreg:$0x4];
	s8 =	smul.u32 $0x68DB8BAD, s8;
	s17 =	sshra.s32 s5, $0xC  }
0x70: {  	v5 =	vcombine.low v5, v9;
	v4 =	vsel vm15, s12, v4;
	(v2sf) =	vpush v3, $0xB;
	s12 =	sshra.s32 s5, $0x1F;
	[dreg:$0x4] =	wrdreg s17;
	s17 =	smul.u32 $0x68DB8BAD, s6  }
0x71: {  	v6 =	vperm.xlane v6, v0;
	s5 =	sshrl.u32 s5, $0x1F;
	s30 =	sadd.s32 s25, s20;
	s25 =	smulhi.u32 $0x68DB8BAD, s3  }
0x72: {  	v5 =	vperm.xlane v5, v0;
	s28 =	sadd.s32 s9, s22;
	v7 =	vsel vm7, s18, v8;
	v4 =	vsel vm7, s19, v4;
	[dreg:$0x5] =	wrdreg s5;
	s21 =	spop (v2sf)  }
0x73: {  	v4 =	vperm.xlane v4, v1;
	v7 =	vperm.xlane v7, v1;
	s23 =	sshra.s32 s21, $0x1F;
	s14 =	spop (v2sf);
	s13 =	smulhi.u32 $0x68DB8BAD, s21  }
0x74: {  	v63 =	vld [tilespmem:s7+$0x2880];
	s31 =	sadd.s32 s8, s29;
	s26 =	spop (v2sf);
	s11 =	smul.u32 $0x68DB8BAD, s23  }
0x75: {  	s8 =	rddreg [dreg:$0x7];
	v6 =	vsel vm8, v7, v6;
	v4 =	vsel vm8, v4, v5;
	s16 =	sshra.s32 s26, $0x1F;
	s18 =	smulhi.u32 $0x68DB8BAD, s26  }
0x76: {  	v4 =	vadd.s32 v6, v4;
	s20 =	sshra.s32 s14, $0x1F;
	s15 =	spop (v2sf);
	s21 =	smul.u32 $0x68DB8BAD, s16  }
0x77: {  	v4 =	vmul.u32 $0x2710, v4;
	s26 =	sshra.s32 s8, $0x2;
	s19 =	spop (v2sf);
	s3 =	smulhi.u32 $0x68DB8BAD, s15  }
0x78: {  	s9 =	sadd.s32 s11, s13;
	s23 =	sshra.s32 s15, $0x1F;
	s22 =	smulhi.u32 $0x68DB8BAD, s19  }
0x79: {  	v5 =	vsub.s32 v2, v4;
	v4 =	vadd.s32 v63, v4;
	s16 =	sadd.s32 s17, s25;
	s29 =	sshra.s32 s19, $0x1F;
	s19 =	smulhi.u32 $0x68DB8BAD, s14  }
0x7a: {  	[tilespmem:s7+$0x7980] =	vst v4;
	s13 =	spop (v2sf);
	s6 =	sshrl.u32 s9, $0x1F;
	s14 =	smul.u32 $0x68DB8BAD, s4  }
0x7b: {  	[tilespmem:s7+$0xA200] =	vst v5;
	s15 =	sshra.s32 s16, $0xC;
	s7 =	sshra.s32 s13, $0x1F;
	s10 =	sadd.s32 s21, s18  }
0x7c: {  	v6 =	vmov s12;
	v2 =	vmov v3;
	v3 =	vld [tilespmem:s26+$0x0];
	[dreg:$0x6] =	wrdreg s6;
	s12 =	spop (v2sf);
	s6 =	sadd.s32 s1, s0  }
0x7d: {  	s0 =	sshra.s32 s9, $0xC;
	s1 =	sshra.s32 s9, $0x1F;
	s5 =	smul.u32 $0x68DB8BAD, s29  }
.Ltmp0:
0x7e: {  	s9 =	sshra.s32 s28, $0xC;
	s18 =	sshra.s32 s10, $0xC;
	(pc) =	sbr.rel @p1 .LBB2_2-.Ltmp0, $4  }
0x7f: {  	s11 =	spop (v2sf);
	s21 =	smulhi.u32 $0x68DB8BAD, s12;
	s25 =	sshra.s32 s12, $0x1F  }
0x80: {  	(v2sf) =	vpush v2, $0x6;
	s4 =	smul.u32 $0x68DB8BAD, s7;
	s17 =	sadd.s32 s14, s2;
	s14 =	sshra.s32 s16, $0x1F  }
0x81: {  	s12 =	smulhi.u32 $0x68DB8BAD, s11;
	s11 =	sshra.s32 s11, $0x1F;
	s29 =	sshra.s32 s17, $0xC;
	(v2sf) =	vpush v3, $0x0  }
0x82: {  	s8 =	sshrl.u32 s17, $0x1F;
	s2 =	smul.u32 $0x68DB8BAD, s11;
	v4 =	vsel vm3, s29, v6;
	s11 =	smov.u32 s24;
	(v2sf) =	vpush v3, $0x7  }
0x83: {  	_ =	sdelay $0x1  }
0x84: {  	(v2sf) =	vpush v3, $0x1  }
0x85: {  	(v2sf) =	vpush v3, $0x2  }
0x86: {  	(v2sf) =	vpush v3, $0xE;
	_ =	sdelay $0x1  }
0x87: {  	s24 =	smul.u32 $0x68DB8BAD, s25;
	_ =	sdelay $0x1  }
0x88: {  	[smem:$0x7EC] =	sst s24  }
0x89: {  	s7 =	smul.u32 $0x68DB8BAD, s20;
	s5 =	sadd.s32 s5, s22;
	s22 =	sld [smem:$0x7EC]  }
0x8a: {  	s29 =	smulhi.u32 $0x68DB8BAD, s13;
	[smem:$0x7FC] =	sst s5;
	(v2sf) =	vpush v3, $0x3  }
0x8b: {  	s20 =	smul.u32 $0x68DB8BAD, s23;
	[smem:$0x7EB] =	sst s7;
	(v2sf) =	vpush v3, $0x4  }
0x8c: {  	[smem:$0x7ED] =	sst s29;
	(v2sf) =	vpush v3, $0x5;
	s5 =	sadd.s32 s22, s21;
	s25 =	spop (v2sf)  }
0x8d: {  	[dreg:$0x1d] =	wrdreg s5;
	s24 =	sshra.s32 s25, $0x1F;
	s23 =	smulhi.u32 $0x68DB8BAD, s25  }
0x8e: {  	s29 =	spop (v2sf);
	s11 =	smul.u32 $0x68DB8BAD, s24  }
0x8f: {  	s13 =	spop (v2sf);
	[smem:$0x7EF] =	sst s23  }
0x90: {  	(v2sf) =	vpush v3, $0xC;
	s24 =	sshra.s32 s13, $0x1F;
	s25 =	smulhi.u32 $0x68DB8BAD, s13;
	[smem:$0x7EE] =	sst s11  }
0x91: {  	s11 =	spop (v2sf);
	s7 =	smul.u32 $0x68DB8BAD, s24  }
0x92: {  	(v2sf) =	vpush v3, $0x8;
	[smem:$0x7F0] =	sst s25;
	s25 =	spop (v2sf)  }
0x93: {  	s20 =	sadd.s32 s20, s3;
	s3 =	sld [smem:$0x7EE];
	s23 =	spop (v2sf)  }
0x94: {  	[smem:$0x7F1] =	sst s7;
	s7 =	smulhi.u32 $0x68DB8BAD, s23  }
0x95: {  	(v2sf) =	vpush v3, $0x9;
	s5 =	sld [smem:$0x7F0];
	s24 =	sshra.s32 s23, $0x1F;
	s23 =	smulhi.u32 $0x68DB8BAD, s11  }
0x96: {  	(v2sf) =	vpush v3, $0xD;
	s13 =	smul.u32 $0x68DB8BAD, s24;
	[dreg:$0x1f] =	wrdreg s7  }
0x97: {  	s11 =	sshra.s32 s11, $0x1F;
	s24 =	smulhi.u32 $0x68DB8BAD, s25;
	[smem:$0x7F2] =	sst s23  }
0x98: {  	s11 =	smul.u32 $0x68DB8BAD, s11;
	[smem:$0x7F9] =	sst s13  }
0x99: {  	s7 =	spop (v2sf);
	[smem:$0x7F4] =	sst s24  }
0x9a: {  	s25 =	sshra.s32 s25, $0x1F;
	[smem:$0x7F3] =	sst s11;
	s11 =	spop (v2sf)  }
0x9b: {  	s24 =	sshra.s32 s7, $0x1F;
	s7 =	smulhi.u32 $0x68DB8BAD, s7;
	s23 =	spop (v2sf)  }
0x9c: {  	s25 =	smul.u32 $0x68DB8BAD, s25;
	[dreg:$0x18] =	wrdreg s23  }
0x9d: {  	[smem:$0x7F6] =	sst s7;
	s23 =	smul.u32 $0x68DB8BAD, s24;
	s7 =	sshra.s32 s11, $0x1F  }
0x9e: {  	[smem:$0x7F5] =	sst s25;
	s7 =	smul.u32 $0x68DB8BAD, s7  }
0x9f: {  	s13 =	spop (v2sf);
	[smem:$0x7F7] =	sst s23  }
0xa0: {  	s23 =	smulhi.u32 $0x68DB8BAD, s11;
	[smem:$0x7FA] =	sst s7  }
0xa1: {  	s25 =	spop (v2sf);
	s7 =	sld [smem:$0x7EB]  }
0xa2: {  	s24 =	smulhi.u32 $0x68DB8BAD, s25;
	[smem:$0x7FB] =	sst s23  }
0xa3: {  	s23 =	sld [smem:$0x7ED]  }
0xa4: {  	[smem:$0x7F8] =	sst s24;
	s24 =	sadd.s32 s7, s19;
	s7 =	spop (v2sf)  }
0xa5: {  	[dreg:$0x1b] =	wrdreg s7;
	s11 =	spop (v2sf)  }
0xa6: {  	s23 =	sadd.s32 s4, s23;
	s4 =	sld [smem:$0x7EF];
	s22 =	sshra.s32 s11, $0x1F  }
0xa7: {  	s2 =	sadd.s32 s2, s12;
	s7 =	smul.u32 $0x68DB8BAD, s22;
	s22 =	sld [smem:$0x7F1]  }
0xa8: {  	[dreg:$0x1e] =	wrdreg s2  }
0xa9: {  	s12 =	sadd.s32 s3, s4;
	s4 =	sld [smem:$0x7F2]  }
0xaa: {  	s2 =	sadd.s32 s22, s5;
	s22 =	sld [smem:$0x7F3];
	_ =	sdelay $0x2  }
0xab: {  	s3 =	sadd.s32 s22, s4;
	s22 =	sld [smem:$0x7F5]  }
0xac: {  	(v2sf) =	vpush v3, $0xF;
	[smem:$0x7FD] =	sst s3  }
0xad: {  	(v2sf) =	vpush v3, $0xA;
	s3 =	sld [smem:$0x7F4];
	_ =	sdelay $0x2  }
0xae: {  	s3 =	sadd.s32 s22, s3;
	s22 =	sld [smem:$0x7F7]  }
0xaf: {  	s5 =	smulhi.u32 $0x68DB8BAD, s13;
	s13 =	sshra.s32 s13, $0x1F;
	[dreg:$0x19] =	wrdreg s3  }
0xb0: {  	s3 =	smul.u32 $0x68DB8BAD, s13;
	s13 =	sld [smem:$0x7F6]  }
0xb1: {  	_ = 	snop  }
0xb2: {  	s25 =	sshra.s32 s25, $0x1F;
	s19 =	smulhi.u32 $0x68DB8BAD, s11  }
0xb3: {  	s25 =	smul.u32 $0x68DB8BAD, s25;
	s13 =	sadd.s32 s22, s13;
	s22 =	sld [smem:$0x7F8]  }
0xb4: {  	s7 =	sadd.s32 s7, s19;
	s19 =	sshra.s32 s17, $0x1F;
	s17 =	sld [smem:$0x7FC]  }
0xb5: {  	[dreg:$0x17] =	wrdreg s13  }
0xb6: {  	s13 =	sadd.s32 s25, s22;
	s22 =	sld [smem:$0x7F9]  }
0xb7: {  	s21 =	smulhi.u32 $0x68DB8BAD, s29;
	s29 =	sshra.s32 s29, $0x1F;
	[dreg:$0x1c] =	wrdreg s2  }
0xb8: {  	(v2sf) =	vpush v3, $0xB;
	s11 =	smul.u32 $0x68DB8BAD, s29;
	s25 =	rddreg [dreg:$0x1f]  }
0xb9: {  	s29 =	spop (v2sf);
	s25 =	sadd.s32 s22, s25;
	s22 =	sld [smem:$0x7FA]  }
0xba: {  	s2 =	spop (v2sf);
	[dreg:$0x1a] =	wrdreg s25  }
0xbb: {  	s4 =	smulhi.u32 $0x68DB8BAD, s2;
	s2 =	sshra.s32 s2, $0x1F;
	s25 =	sld [smem:$0x7FB]  }
0xbc: {  	v5 =	vmov s18;
	v4 =	vsel vm9, s19, v4;
	s19 =	sshrl.u32 s20, $0x1F;
	s20 =	sshra.s32 s20, $0xC;
	s2 =	smul.u32 $0x68DB8BAD, s2  }
0xbd: {  	v5 =	vsel vm0, s20, v5;
	s20 =	rddreg [dreg:$0x1e]  }
0xbe: {  	s18 =	sshrl.u32 s17, $0x1F;
	s4 =	sadd.s32 s2, s4;
	s25 =	sadd.s32 s22, s25  }
0xbf: {  	s22 =	sshra.s32 s30, $0xC;
	[dreg:$0x16] =	wrdreg s25;
	s25 =	sadd.s32 s11, s21  }
0xc0: {  	s11 =	sadd.s32 s3, s5;
	s5 =	sshrl.u32 s10, $0x1F;
	s3 =	sshrl.u32 s16, $0x1F  }
0xc1: {  	s10 =	sshrl.u32 s6, $0x1F;
	s6 =	sshra.s32 s6, $0xC;
	s21 =	sshrl.u32 s24, $0x1F  }
0xc2: {  	(v2sf) =	vpush v3, $0x6;
	v4 =	vsel vm0, s22, v4;
	s22 =	sshra.s32 s30, $0x1F;
	s16 =	sshra.s32 s23, $0xC;
	v7 =	vmov s21;
	s21 =	sshra.s32 s24, $0xC  }
0xc3: {  	v6 =	vmov s5;
	s24 =	sshra.s32 s17, $0xC;
	s17 =	rddreg [dreg:$0x1d];
	s5 =	sshrl.u32 s20, $0x1F  }
0xc4: {  	v8 =	vmov s8;
	v4 =	vsel vm10, s22, v4;
	s22 =	sshra.s32 s31, $0xC;
	v7 =	vsel vm0, s18, v7;
	s18 =	sshra.s32 s17, $0xC;
	s8 =	sshrl.u32 s17, $0x1F  }
0xc5: {  	v6 =	vsel vm0, s19, v6;
	v9 =	vmov s21;
	s19 =	sshra.s32 s28, $0x1F;
	s21 =	sshra.s32 s20, $0xC;
	s17 =	rddreg [dreg:$0x18]  }
0xc6: {  	v4 =	vsel vm1, s9, v4;
	v7 =	vsel vm1, s10, v7;
	s10 =	sshrl.u32 s23, $0x1F;
	s23 =	sshrl.u32 s30, $0x1F;
	s30 =	sshra.s32 s29, $0x1F  }
0xc7: {  	v8 =	vnsel vm3, $0x0, v8;
	s20 =	sshrl.u32 s31, $0x1F;
	v4 =	vsel vm11, s19, v4;
	s19 =	spop (v2sf);
	s9 =	smul.u32 $0x68DB8BAD, s30  }
0xc8: {  	v5 =	vsel vm1, s18, v5;
	v9 =	vsel vm0, s24, v9;
	v6 =	vsel vm1, s8, v6;
	s24 =	sshra.s32 s31, $0x1F;
	s18 =	sshrl.u32 s28, $0x1F;
	s8 =	smulhi.u32 $0x68DB8BAD, s19  }
0xc9: {  	v4 =	vsel vm2, s22, v4;
	v8 =	vsel vm0, s23, v8;
	v5 =	vsel vm2, s21, v5;
	s21 =	sshra.s32 s19, $0x1F;
	s22 =	sshra.s32 s12, $0x1F;
	s23 =	sshrl.u32 s12, $0x1F  }
0xca: {  	s30 =	sshra.s32 s12, $0xC;
	v9 =	vsel vm1, s6, v9;
	s6 =	rddreg [dreg:$0x6];
	s19 =	sshra.s32 s13, $0xC  }
0xcb: {  	v6 =	vsel vm2, s5, v6;
	v4 =	vsel vm12, s24, v4;
	s24 =	rddreg [dreg:$0x1b];
	s5 =	smul.u32 $0x68DB8BAD, s21;
	s21 =	sshra.s32 s25, $0xC  }
0xcc: {  	v8 =	vsel vm1, s18, v8;
	v9 =	vsel vm2, s16, v9;
	v11 =	vmov s19;
	s16 =	rddreg [dreg:$0x19];
	s19 =	sshra.s32 s11, $0xC;
	s28 =	smulhi.u32 $0x68DB8BAD, s24  }
0xcd: {  	v7 =	vsel vm2, s10, v7;
	v4 =	vsel vm4, s15, v4;
	v8 =	vsel vm2, s20, v8;
	s31 =	sshra.s32 s24, $0x1F;
	s15 =	rddreg [dreg:$0x1c];
	s20 =	smulhi.u32 $0x68DB8BAD, s29  }
0xce: {  	v6 =	vcombine.low v6, v7;
	s24 =	sshrl.u32 s13, $0x1F;
	s29 =	sshra.s32 s25, $0x1F;
	s13 =	sshrl.u32 s25, $0x1F;
	v15 =	vmov s19;
	v5 =	vcombine.low v5, v9  }
0xcf: {  	s25 =	rddreg [dreg:$0x17];
	v4 =	vsel vm13, s14, v4;
	v8 =	vsel vm4, s3, v8;
	s12 =	smul.u32 $0x68DB8BAD, s31;
	s18 =	sshra.s32 s15, $0x1F;
	v12 =	vmov s24  }
0xd0: {  	s14 =	sld [smem:$0x7FD];
	s31 =	sshrl.u32 s7, $0x1F;
	s5 =	sadd.s32 s5, s8;
	v14 =	vmov s13;
	v6 =	vperm.xlane v6, v0;
	v4 =	vsel vm5, s0, v4  }
0xd1: {  	s8 =	rddreg [dreg:$0x1a];
	s24 =	sshrl.u32 s4, $0x1F;
	s13 =	spop (v2sf);
	v8 =	vsel vm5, s6, v8;
	v10 =	vmov s18;
	v14 =	vnsel vm3, $0x0, v14  }
0xd2: {  	s6 =	sshra.s32 s17, $0x1F;
	s0 =	sadd.s32 s9, s20;
	v5 =	vperm.xlane v5, v0;
	v4 =	vsel vm14, s1, v4;
	s1 =	sadd.s32 s12, s28;
	v10 =	vsel vm3, s21, v10  }
0xd3: {  	v8 =	vsel vm6, s23, v8;
	s28 =	rddreg [dreg:$0x4];
	s21 =	sshra.s32 s7, $0xC;
	v4 =	vsel vm6, s30, v4;
	s30 =	sshrl.u32 s11, $0x1F;
	v10 =	vsel vm9, s29, v10  }
0xd4: {  	s23 =	sshra.s32 s14, $0xC;
	s9 =	sshrl.u32 s1, $0x1F;
	s1 =	sshra.s32 s1, $0xC;
	v15 =	vsel vm0, s21, v15;
	v4 =	vsel vm15, s22, v4;
	v13 =	vmov s30  }
0xd5: {  	s18 =	sshra.s32 s16, $0xC;
	s20 =	sshra.s32 s4, $0xC;
	s22 =	rddreg [dreg:$0x5];
	v12 =	vsel vm0, s9, v12;
	v10 =	vsel vm0, s23, v10;
	v11 =	vsel vm0, s1, v11  }
0xd6: {  	s2 =	smulhi.u32 $0x68DB8BAD, s13;
	s12 =	sshrl.u32 s8, $0x1F;
	s10 =	sshra.s32 s14, $0x1F;
	v8 =	vsel vm7, s22, v8;
	v4 =	vsel vm7, s28, v4;
	v13 =	vsel vm0, s31, v13  }
0xd7: {  	s7 =	smulhi.u32 $0x68DB8BAD, s17;
	s29 =	sshra.s32 s5, $0xC;
	s30 =	sshrl.u32 s14, $0x1F;
	v10 =	vsel vm10, s10, v10;
	v11 =	vsel vm1, s20, v11;
	v12 =	vsel vm1, s24, v12  }
0xd8: {  	s14 =	sshrl.u32 s5, $0x1F;
	s22 =	sshra.s32 s16, $0x1F;
	v14 =	vsel vm0, s30, v14;
	s16 =	sshrl.u32 s16, $0x1F;
	v13 =	vsel vm1, s12, v13;
	v10 =	vsel vm1, s18, v10  }
0xd9: {  	s23 =	smul.u32 $0x68DB8BAD, s6;
	s28 =	sshra.s32 s25, $0xC;
	v11 =	vsel vm2, s29, v11;
	v51 =	vsel vm2, s14, v12;
	v52 =	vsel vm1, s16, v14  }
0xda: {  	s10 =	rddreg [dreg:$0x16];
	s12 =	sshrl.u32 s0, $0x1F;
	v4 =	vperm.xlane v4, v1;
	v8 =	vperm.xlane v8, v1;
	v10 =	vsel vm11, s22, v10;
	s22 =	sshra.s32 s8, $0xC  }
0xdb: {  	s31 =	sshra.s32 s25, $0x1F;
	s1 =	sadd.s32 s23, s7;
	s23 =	rddreg [dreg:$0x3];
	v13 =	vsel vm2, s12, v13;
	v10 =	vsel vm2, s28, v10;
	v54 =	vsel vm1, s22, v15  }
0xdc: {  	s20 =	sshrl.u32 s25, $0x1F;
	s11 =	sshra.s32 s10, $0xC;
	s18 =	sshra.s32 s13, $0x1F;
	v53 =	vld [tilespmem:s23+$0x2880];
	v6 =	vsel vm8, v8, v6;
	v4 =	vsel vm8, v4, v5;
	v10 =	vsel vm12, s31, v10  }
0xdd: {  	s17 =	sshra.s32 s10, $0x1F;
	s0 =	sshra.s32 s0, $0xC;
	s4 =	smul.u32 $0x68DB8BAD, s18;
	v57 =	vcombine.low v51, v13;
	v4 =	vadd.s32 v6, v4;
	v50 =	vsel vm4, s11, v10  }
0xde: {  	s19 =	sshra.s32 s1, $0xC;
	v56 =	vsel vm2, s0, v54;
	v10 =	vsel vm2, s20, v52;
	v7 =	vsel vm13, s17, v50  }
0xdf: {  	s21 =	sshrl.u32 s10, $0x1F;
	s24 =	sshra.s32 s1, $0x1F;
	s2 =	sadd.s32 s4, s2;
	v4 =	vmul.u32 $0x2710, v4;
	v6 =	vcombine.low v11, v56;
	v7 =	vsel vm5, s19, v7  }
0xe0: {  	s1 =	sshrl.u32 s1, $0x1F;
	s28 =	sshra.s32 s2, $0xC;
	v60 =	vperm.xlane v57, v0;
	v10 =	vsel vm4, s21, v10;
	v7 =	vsel vm14, s24, v7  }
0xe1: {  	s25 =	sshrl.u32 s2, $0x1F;
	s30 =	sshra.s32 s2, $0x1F;
	v55 =	vsel vm5, s1, v10;
	v58 =	vadd.s32 v53, v4;
	v7 =	vsel vm6, s28, v7  }
0xe2: {  	s29 =	sshrl.u32 s15, $0x1F;
	s31 =	sshra.s32 s15, $0xC;
	v2 =	vsub.s32 v2, v4;
	v5 =	vsel vm6, s25, v55;
	v7 =	vsel vm15, s30, v7  }
0xe3: {  	v61 =	vperm.xlane v6, v0;
	[tilespmem:s23+$0x7980] =	vst v58;
	v5 =	vsel vm7, s29, v5;
	v7 =	vsel vm7, s31, v7  }
0xe4: {  	[tilespmem:s23+$0xA200] =	vst v2;
	v2 =	vperm.xlane v5, v1;
	v59 =	vperm.xlane v7, v1  }
0xe5: {  	v62 =	vld [tilespmem:s26+$0x2880]  }
0xe6: {  	v2 =	vsel vm8, v2, v60;
	v4 =	vsel vm8, v59, v61  }
0xe7: {  	v2 =	vadd.s32 v2, v4  }
0xe8: {  	v2 =	vmul.u32 $0x2710, v2;
	_ =	sdelay $0x1  }
0xe9: {  	v63 =	vadd.s32 v62, v2  }
0xea: {  	v2 =	vsub.s32 v3, v2;
	[tilespmem:s26+$0x7980] =	vst v63  }
0xeb: {  	[tilespmem:s26+$0xA200] =	vst v2  }
0xec: {  	s6 =	simm.s32 $0x2;
	s9 =	simm.s32 $0x1;
	[bflag:$0x0] =	sbarrier.arrive $0xFFFF  }
0xed: {  	s7 =	simm.s32 $0x80;
	s8 =	simm.s32 $0xCA80;
	s4 =	rddreg [dreg:$0x1]  }
0xee: {  	s0 =	simm.s32 $0x0;
	s1 =	simm.s32 $0x5100;
	s10 =	rddreg [dreg:$0x9]  }
.LBB2_4:
0xef: {  	s14 =	sshll.u32 s0, $0x7  }
0xf0: {  	v2 =	vmov s1;
	s2 =	sadd.s32 $0x7980, s14  }
0xf1: {  	[tilespmem:s8], [sflag:$0x1] =	stream.indirect.gather [hbm4b:s10+s7], $0x10, s2, s7, $0xb8;
	[tilespmem:$0xF990] =	vst v63  }
0xf2: {  	_ =	swait.ge [sflag:s9], $0x800  }
0xf3: {  	[sflag:s9] =	ssyncset.done $0x0  }
0xf4: {  	s31 =	simm.s32 $0x0;
	[sflag:s9] =	ssyncadd.s32 $0xFFFFF800  }
0xf5: {  	v3 =	vld.idx.msk [tilespmem:v2+s31+$0x0 ss:$0x1], $0xffff;
	_ =	sdelay $0x3  }
0xf6: {  	s5 =	simm.s32 $0xCB00  }
0xf7: {  	v4 =	vld [tilespmem:s5+$0xFFFFFF80];
	v8 =	vbroadcast v3, $0x0  }
0xf8: {  	v5 =	vld [tilespmem:s5+$0xFFFFFF90];
	v9 =	vbroadcast v3, $0x1;
	v12 =	vbroadcast v3, $0x2  }
0xf9: {  	v6 =	vld [tilespmem:s5+$0xFFFFFFA0];
	v42 =	vbroadcast v3, $0x3;
	v44 =	vbroadcast v3, $0x4  }
0xfa: {  	v7 =	vld [tilespmem:s5+$0xFFFFFFB0];
	v45 =	vbroadcast v3, $0x5;
	v14 =	vbroadcast v3, $0x6  }
0xfb: {  	v11 =	vld [tilespmem:s5+$0xFFFFFFD0];
	v48 =	vbroadcast v3, $0x7;
	v51 =	vbroadcast v3, $0x8  }
0xfc: {  	v43 =	vld [tilespmem:s5+$0xFFFFFFE0];
	v52 =	vbroadcast v3, $0x9;
	v4 =	vmul.f32 v8, v4  }
0xfd: {  	v47 =	vld [tilespmem:s5+$0x10];
	v55 =	vbroadcast v3, $0xA;
	v5 =	vmul.f32 v5, v9  }
0xfe: {  	v58 =	vld [tilespmem:s5+$0x60];
	v56 =	vbroadcast v3, $0xB;
	v6 =	vmul.f32 v6, v12;
	[tilespmem:s5+$0xFFFFFF80] =	vst v4  }
0xff: {  	v59 =	vld [tilespmem:s5+$0x70];
	v60 =	vbroadcast v3, $0xC;
	v7 =	vmul.f32 v7, v42;
	[tilespmem:s5+$0xFFFFFF90] =	vst v5  }
0x100: {  	v10 =	vld [tilespmem:s5+$0xFFFFFFC0];
	v61 =	vbroadcast v3, $0xD;
	v8 =	vmul.f32 v11, v45;
	[tilespmem:s5+$0xFFFFFFA0] =	vst v6  }
0x101: {  	v13 =	vld [tilespmem:s5+$0xFFFFFFF0];
	v62 =	vbroadcast v3, $0xE;
	v9 =	vmul.f32 v43, v14;
	[tilespmem:s5+$0xFFFFFFB0] =	vst v7  }
0x102: {  	v49 =	vld [tilespmem:s5+$0x20];
	v3 =	vbroadcast v3, $0xF;
	v57 =	vmul.f32 v47, v52;
	[tilespmem:s5+$0xFFFFFFD0] =	vst v8  }
0x103: {  	v50 =	vld [tilespmem:s5+$0x30];
	v63 =	vmul.f32 v58, v62;
	[tilespmem:s5+$0xFFFFFFE0] =	vst v9  }
0x104: {  	v46 =	vld [tilespmem:s5+$0x0];
	v3 =	vmul.f32 v59, v3;
	[tilespmem:s5+$0x10] =	vst v57  }
0x105: {  	v54 =	vld [tilespmem:s5+$0x50];
	v4 =	vmul.f32 v10, v44;
	[tilespmem:s5+$0x60] =	vst v63  }
0x106: {  	v53 =	vld [tilespmem:s5+$0x40];
	v6 =	vmul.f32 v13, v48;
	[tilespmem:s5+$0x70] =	vst v3  }
0x107: {  	v10 =	vmul.f32 v49, v55;
	[tilespmem:s5+$0xFFFFFFC0] =	vst v4  }
0x108: {  	v5 =	vmul.f32 v50, v56;
	[tilespmem:s5+$0xFFFFFFF0] =	vst v6  }
0x109: {  	v4 =	vmul.f32 v46, v51;
	[tilespmem:s5+$0x20] =	vst v10  }
0x10a: {  	v7 =	vmul.f32 v54, v61;
	[tilespmem:s5+$0x30] =	vst v5  }
0x10b: {  	[tilespmem:s5+$0x0] =	vst v4;
	v4 =	vmul.f32 v53, v60  }
0x10c: {  	[tilespmem:s5+$0x50] =	vst v7  }
0x10d: {  	s3 =	simm.s32 $0x10;
	s2 =	simm.s32 $0x80;
	[tilespmem:s5+$0x40] =	vst v4  }
.LBB2_5:
0x10e: {  	p1 =	sne.s32 s2, $0x1C0;
	v3 =	vld.idx.msk [tilespmem:v2+s3+$0x0 ss:$0x1], $0xffff;
	s5 =	sadd.s32 $0x100, s5  }
0x10f: {  	v4 =	vld [tilespmem:s5+$0xFFFFFFB0]  }
0x110: {  	v5 =	vld [tilespmem:s5+$0xFFFFFF90]  }
0x111: {  	v6 =	vld [tilespmem:s5+$0xFFFFFF80]  }
0x112: {  	v7 =	vld [tilespmem:s5+$0xFFFFFFA0]  }
0x113: {  	v8 =	vld [tilespmem:s5+$0xFFFFFFF0]  }
0x114: {  	v9 =	vbroadcast v3, $0x0;
	v10 =	vbroadcast v3, $0x1;
	v11 =	vld [tilespmem:s5+$0xFFFFFFD0]  }
0x115: {  	v12 =	vbroadcast v3, $0x2;
	v13 =	vbroadcast v3, $0x3;
	v14 =	vld [tilespmem:s5+$0xFFFFFFC0]  }
0x116: {  	v5 =	vmul.f32 v5, v10;
	v6 =	vmul.f32 v9, v6;
	v9 =	vld [tilespmem:s5+$0xFFFFFFE0]  }
0x117: {  	v4 =	vmul.f32 v4, v13;
	v7 =	vmul.f32 v7, v12;
	v10 =	vld [tilespmem:s5+$0x30]  }
0x118: {  	v12 =	vbroadcast v3, $0x5;
	[tilespmem:s5+$0xFFFFFF80] =	vst v6;
	v6 =	vbroadcast v3, $0x4;
	v13 =	vld [tilespmem:s5+$0x10]  }
0x119: {  	v15 =	vbroadcast v3, $0x7;
	[tilespmem:s5+$0xFFFFFF90] =	vst v5;
	v5 =	vbroadcast v3, $0x6;
	v16 =	vld [tilespmem:s5+$0x0]  }
0x11a: {  	[tilespmem:s5+$0xFFFFFFA0] =	vst v7;
	v6 =	vmul.f32 v14, v6;
	v7 =	vmul.f32 v11, v12;
	v11 =	vld [tilespmem:s5+$0x20]  }
0x11b: {  	[tilespmem:s5+$0xFFFFFFB0] =	vst v4;
	v4 =	vmul.f32 v9, v5;
	v5 =	vmul.f32 v8, v15;
	v8 =	vld [tilespmem:s5+$0x70]  }
0x11c: {  	v9 =	vbroadcast v3, $0x9;
	[tilespmem:s5+$0xFFFFFFC0] =	vst v6;
	v6 =	vbroadcast v3, $0x8;
	v12 =	vld [tilespmem:s5+$0x50]  }
0x11d: {  	v14 =	vbroadcast v3, $0xB;
	[tilespmem:s5+$0xFFFFFFD0] =	vst v7;
	v7 =	vbroadcast v3, $0xA;
	v15 =	vld [tilespmem:s5+$0x40]  }
0x11e: {  	[tilespmem:s5+$0xFFFFFFE0] =	vst v4;
	v4 =	vmul.f32 v16, v6;
	v6 =	vmul.f32 v13, v9;
	v9 =	vld [tilespmem:s5+$0x60]  }
0x11f: {  	[tilespmem:s5+$0xFFFFFFF0] =	vst v5;
	v5 =	vmul.f32 v11, v7;
	v7 =	vmul.f32 v10, v14  }
0x120: {  	v10 =	vbroadcast v3, $0xD;
	[tilespmem:s5+$0x0] =	vst v4;
	v4 =	vbroadcast v3, $0xC  }
0x121: {  	[tilespmem:s5+$0x10] =	vst v6;
	v6 =	vbroadcast v3, $0xE;
	v3 =	vbroadcast v3, $0xF  }
0x122: {  	[tilespmem:s5+$0x20] =	vst v5;
	v4 =	vmul.f32 v15, v4;
	v5 =	vmul.f32 v12, v10  }
.Ltmp1:
0x123: {  	[tilespmem:s5+$0x30] =	vst v7;
	v6 =	vmul.f32 v9, v6;
	v3 =	vmul.f32 v8, v3;
	(pc) =	sbr.rel @p1 .LBB2_5-.Ltmp1, $4  }
0x124: {  	[tilespmem:s5+$0x40] =	vst v4  }
0x125: {  	[tilespmem:s5+$0x50] =	vst v5  }
0x126: {  	[tilespmem:s5+$0x60] =	vst v6  }
0x127: {  	s3 =	sshra.s32 s2, $0x2;
	s2 =	sadd.s32 $0x40, s2;
	[tilespmem:s5+$0x70] =	vst v3  }
0x128: {  	_ =	sdelay $0x3  }
0x129: {  	v2 =	vld.idx.msk [tilespmem:v2+s3+$0x0 ss:$0x1], $0xffff  }
0x12a: {  	s2 =	sadd.s32 $0x100, s5  }
0x12b: {  	v3 =	vld [tilespmem:s2+$0xFFFFFF80]  }
0x12c: {  	v4 =	vld [tilespmem:s2+$0xFFFFFF90]  }
0x12d: {  	v5 =	vld [tilespmem:s2+$0xFFFFFFA0]  }
0x12e: {  	v6 =	vld [tilespmem:s2+$0xFFFFFFB0];
	v7 =	vbroadcast v2, $0x0  }
0x12f: {  	v10 =	vld [tilespmem:s2+$0xFFFFFFD0];
	v8 =	vbroadcast v2, $0x1  }
0x130: {  	v46 =	vld [tilespmem:s2+$0xFFFFFFE0];
	v11 =	vbroadcast v2, $0x2;
	v3 =	vmul.f32 v7, v3  }
0x131: {  	v9 =	vld [tilespmem:s2+$0xFFFFFFC0];
	v45 =	vbroadcast v2, $0x3;
	v4 =	vmul.f32 v4, v8  }
0x132: {  	v49 =	vld [tilespmem:s2+$0x10];
	v47 =	vbroadcast v2, $0x5;
	v5 =	vmul.f32 v5, v11;
	[tilespmem:s2+$0xFFFFFF80] =	vst v3  }
0x133: {  	v59 =	vld [tilespmem:s2+$0x60];
	v13 =	vbroadcast v2, $0x6;
	v6 =	vmul.f32 v6, v45;
	[tilespmem:s2+$0xFFFFFF90] =	vst v4  }
0x134: {  	v12 =	vld [tilespmem:s2+$0xFFFFFFF0];
	v7 =	vmul.f32 v10, v47;
	v3 =	vbroadcast v2, $0x4;
	[tilespmem:s2+$0xFFFFFFA0] =	vst v5  }
0x135: {  	v48 =	vld [tilespmem:s2+$0x0];
	v53 =	vbroadcast v2, $0x9;
	v8 =	vmul.f32 v46, v13;
	[tilespmem:s2+$0xFFFFFFB0] =	vst v6  }
0x136: {  	v52 =	vld [tilespmem:s2+$0x30];
	v62 =	vbroadcast v2, $0xE;
	[tilespmem:s2+$0xFFFFFFD0] =	vst v7;
	v3 =	vmul.f32 v9, v3  }
0x137: {  	v55 =	vld [tilespmem:s2+$0x50];
	v50 =	vbroadcast v2, $0x7;
	v58 =	vmul.f32 v49, v53;
	[tilespmem:s2+$0xFFFFFFE0] =	vst v8  }
0x138: {  	v51 =	vld [tilespmem:s2+$0x20];
	v63 =	vmul.f32 v59, v62;
	[tilespmem:s2+$0xFFFFFFC0] =	vst v3;
	v3 =	vbroadcast v2, $0x8  }
0x139: {  	v54 =	vld [tilespmem:s2+$0x40];
	v57 =	vbroadcast v2, $0xB;
	v5 =	vmul.f32 v12, v50;
	[tilespmem:s2+$0x10] =	vst v58  }
0x13a: {  	v60 =	vld [tilespmem:s2+$0x70];
	v61 =	vbroadcast v2, $0xD;
	[tilespmem:s2+$0x60] =	vst v63;
	v3 =	vmul.f32 v48, v3  }
0x13b: {  	v56 =	vbroadcast v2, $0xA;
	v4 =	vmul.f32 v52, v57;
	[tilespmem:s2+$0xFFFFFFF0] =	vst v5  }
0x13c: {  	v6 =	vmul.f32 v55, v61;
	[tilespmem:s2+$0x0] =	vst v3;
	v3 =	vbroadcast v2, $0xC  }
0x13d: {  	v9 =	vmul.f32 v51, v56;
	[tilespmem:s2+$0x30] =	vst v4;
	v2 =	vbroadcast v2, $0xF  }
0x13e: {  	[tilespmem:s2+$0x50] =	vst v6;
	v3 =	vmul.f32 v54, v3  }
0x13f: {  	s0 =	sadd.s32 $0x1, s0;
	[tilespmem:s2+$0x20] =	vst v9;
	v2 =	vmul.f32 v60, v2  }
0x140: {  	p1 =	sne.s32 s0, $0x51;
	[tilespmem:s2+$0x40] =	vst v3  }
.Ltmp2:
0x141: {  	s31 =	sadd.s32 $0xA200, s14;
	[tilespmem:s2+$0x70] =	vst v2;
	(pc) =	sbr.rel @p1 .LBB2_4-.Ltmp2, $4  }
0x142: {  	[spmem:s4] =	stream.indirect.scatter.add.f32 [tilespmem:s8], [sflag:$0x2], $0x10, s31, s7, $0xb8;
	[tilespmem:$0xF990] =	vst v63  }
0x143: {  	_ =	swait.ge [sflag:s6], $0x800  }
0x144: {  	[sflag:s6] =	ssyncset.done $0x0  }
0x145: {  	s1 =	sadd.s32 $0x80, s1;
	[sflag:s6] =	ssyncadd.s32 $0xFFFFF800  }
0x146: {  	[bflag:$0x0] =	sbarrier.arrive $0xFFFF  }
0x147: {  	s1 =	rddreg [dreg:$0x10]  }
0x148: {  	s0 =	simm.s32 @p0 $0x1FC2;
	s3 =	rddreg [dreg:$0x12]  }
0x149: {  	[hbm:s1], [sflag:s0] =	dma.local @p0 [spmem:s3], $0x320  }
0x14a: {  	s0 =	simm.s32 @p0 $0x2  }
0x14b: {  	_ =	swait.ge @p0 [sflag:s0], $0x320  }
0x14c: {  	s4 =	rddreg [dreg:$0x13]  }
0x14d: {  	[sflag:s0] =	ssyncset.done @p0 $0x0;
	s5 =	rddreg [dreg:$0x14]  }
0x14e: {  	[sflag:s0] =	ssyncadd.s32 @p0 $0xFFFFFCE0;
	s0 =	rddreg [dreg:$0xf]  }
0x14f: {  	[hbm:s0], [sflag:s4] =	dma.local @!p0 [spmem:s5], $0x500  }
0x150: {  	s0 =	simm.s32 @!p0 $0x2  }
0x151: {  	_ =	swait.ge @!p0 [sflag:s0], $0x500  }
0x152: {  	s2 =	rddreg [dreg:$0x15]  }
0x153: {  	s31 =	rddreg [dreg:$0x11];
	s2 =	sadd.s32 $0x1, s2  }
0x154: {  	p1 =	sne.s32 s2, s31  }
.Ltmp3:
0x155: {  	_ = 	snop;
	(pc) =	sbr.rel @p1 .LBB2_1-.Ltmp3, $3  }
0x156: {  	_ =	sdelay $0x1  }
0x157: {  	[sflag:s0] =	ssyncset.done @!p0 $0x0  }
0x158: {  	[sflag:s0] =	ssyncadd.s32 @!p0 $0xFFFFFB00  }
0x159: {  	_ =	sfence.sel $0x180000  }
0x15a: {  	[bflag:$0x0] =	sbarrier.arrive $0xFFFF  }
0x15b: {  	_ =	strace $0x9000004A  }
0x15c: {  	s0 =	stileid.u32;
	[bflag:$0x2] =	sbarrier.arrive $0xFFFF  }
0x15d: {  	p0 =	sne.s32 s0, $0x0;
	s0 =	rddreg [dreg:$0x2]  }
0x15e: {  	s0 =	sadd.s32 @!p0 $0x100000, s0  }
0x15f: {  	[sflag:s0] =	ssyncadd.tile.s32 @!p0 $0x1;
	_ =	shalt  }
.Lfunc_end2:
_tile_overlayer_lowered:
.L_overlay_start_2:
0x160: {  	(tag) =	ssettag $0x2  }
0x161: {  	s0 =	rddreg [dreg:$0x0];
	s2 =	stileid.u32  }
0x162: {  	s1 =	rddreg [dreg:$0x1];
	p0 =	sne.s32 s2, $0x0  }
0x163: {  	s3 =	rddreg [dreg:$0x2];
	[bflag:$0x3] =	sbarrier.arrive $0xFFFF;
	s2 =	simm.s32 @!p0 $0x1C02  }
0x164: {  	[timem:s3], [sflag:s2] =	dma.local @!p0 [hbm:s0], s1  }
0x165: {  	s0 =	simm.s32 @!p0 $0x2  }
0x166: {  	_ =	swait.ge @!p0 [sflag:s0], s1  }
0x167: {  	s1 =	ssub.s32 @!p0 $0x0, s1;
	[sflag:s0] =	ssyncset.done @!p0 $0x0  }
0x168: {  	[sflag:s0] =	ssyncadd.s32 @!p0 s1  }
0x169: {  	[bflag:$0x3] =	sbarrier.arrive $0xFFFF  }
0x16a: {  	_ =	shalt  }

// kernel: kernel.7.cloned.1.call-start
scs
__scs_entry_jumppad:
0x0: {  	(pc) =	sbr.rel $0x88, $3  }
0x1: {  	(tag) =	ssettag $0x0;
	lr =	simm.s32 $0x1  }
0x2: {  	[smem:$0x3F95] =	sst lr;
	_ =	strace $0xD0000000  }
0x3: {  	_ = 	snop  }
0x4: {  	_ = 	snop  }
0x5: {  	_ = 	snop  }
0x6: {  	_ = 	snop  }
0x7: {  	_ = 	snop  }
__scs_overlays_trampoline_lowered:
0x8: {  	[smem:$0x3FA4] =	sst s0  }
0x9: {  	[smem:$0x3FA5] =	sst s1  }
0xa: {  	[smem:$0x3FA6] =	sst s2  }
0xb: {  	[smem:$0x3FA7] =	sst s3  }
0xc: {  	[smem:$0x3FA8] =	sst s4  }
0xd: {  	[smem:$0x3FA9] =	sst s5  }
0xe: {  	[smem:$0x3FAA] =	sst s6  }
0xf: {  	[smem:$0x3FAB] =	sst s7  }
0x10: {  	[smem:$0x3FAC] =	sst s8  }
0x11: {  	[smem:$0x3FAD] =	sst s9;
	s0 =	simm.s32 @!p0 $0x0  }
0x12: {  	s1 =	sld [smem:$0x3F93];
	s0 =	simm.s32 @p0 $0x1  }
0x13: {  	[smem:$0x3FAE] =	sst s0;
	s0 =	simm.s32 @!p1 $0x0  }
0x14: {  	s2 =	sld [smem:$0x3F92];
	s0 =	simm.s32 @p1 $0x1  }
0x15: {  	[smem:$0x3FAF] =	sst s0;
	s0 =	simm.s32 @!p2 $0x0  }
0x16: {  	s3 =	sld [smem:$0x3FDB];
	s0 =	simm.s32 @p2 $0x1  }
0x17: {  	s4 =	simm.s32 $0x1BF5;
	[smem:$0x3FB1] =	sst s0  }
0x18: {  	s0 =	sld [smem:$0x3F94];
	_ =	swait.ge [sflag:s4], $0x0  }
0x19: {  	s7 =	sld [smem:$0x3F95]  }
0x1a: {  	s8 =	sadd.s32 $0xFFFFE003, lr  }
0x1b: {  	s9 =	sadd.s32 $0xFFFFFEF7, lr;
	s5 =	simm.s32 $0xFFFFFFFF;
	p2 =	slt.u32 s8, $0xFFFFF086  }
0x1c: {  	p1 =	slt.u32 s9, $0xF7A;
	s5 =	simm.s32 @!p2 $0x0  }
0x1d: {  	s5 =	simm.s32 @p1 $0x1;
	p0 =	seq.s32 s7, s2  }
0x1e: {  	s7 =	smul.u32 @!p0 $0xF7A, s2;
	p2 =	seq.s32 @!p0 s5, $0x0  }
0x1f: {  	s9 =	smul.u32 $0xF7A, s1;
	s8 =	simm.s32 @!p0 $0x1BF5;
	p2 =	por !p2, p0  }
0x20: {  	[sflag:s8] =	ssyncset.s32 @!p0 $0xFFFFF086;
	s6 =	sadd.s32 @!p0 s3, s7;
	s7 =	simm.s32 @!p0 $0x108  }
0x21: {  	s3 =	sadd.s32 s3, s9;
	s6 =	sadd.s32 @!p0 $0x88, s6;
	s7 =	simm.s32 @p2 $0x1082  }
0x22: {  	[simem:s7], [sflag:s8] =	dma.local @!p0 [hbm:s6], $0xF7A  }
0x23: {  	s9 =	sor.u32 $0xD0000000, s2;
	s6 =	simm.s32 $0x108;
	_ =	swait.ge @!p0 [sflag:s8], $0x0  }
0x24: {  	s3 =	sadd.s32 $0x88, s3;
	s6 =	simm.s32 @!p1 $0x1082;
	[sflag:s4] =	ssyncset.s32 $0xFFFFF086  }
0x25: {  	[simem:s6], [sflag:s4] =	dma.local [hbm:s3], $0xF7A  }
0x26: {  	[smem:$0x3F95] =	sst s1;
	(tag) =	ssettag s2;
	_ =	strace s9  }
0x27: {  	s1 =	sld [smem:$0x3FA5]  }
0x28: {  	s2 =	sld [smem:$0x3FA6]  }
0x29: {  	s4 =	sld [smem:$0x3FA8]  }
0x2a: {  	p0 =	seq.s32 s5, $0x0;
	s5 =	sld [smem:$0x3FA9]  }
0x2b: {  	s6 =	sld [smem:$0x3FAA]  }
0x2c: {  	s7 =	sld [smem:$0x3FAB]  }
0x2d: {  	s3 =	simm.s32 $0x108;
	s8 =	sld [smem:$0x3FAC]  }
0x2e: {  	s3 =	simm.s32 @!p0 $0x1082;
	s9 =	sld [smem:$0x3FAD]  }
0x2f: {  	lr =	sadd.s32 s0, s3;
	s0 =	sld [smem:$0x3FA4]  }
0x30: {  	s3 =	sld [smem:$0x3FA7]  }
0x31: {  	[smem:$0x3FB0] =	sst s10  }
0x32: {  	s10 =	sld [smem:$0x3FAE];
	_ =	sdelay $0x3  }
0x33: {  	p0 =	seq.s32 s10, $0x1;
	s10 =	sld [smem:$0x3FB0];
	_ =	sdelay $0x3  }
0x34: {  	[smem:$0x3FB0] =	sst s10  }
0x35: {  	s10 =	sld [smem:$0x3FAF];
	_ =	sdelay $0x3  }
0x36: {  	p1 =	seq.s32 s10, $0x1;
	s10 =	sld [smem:$0x3FB0];
	_ =	sdelay $0x3  }
0x37: {  	[smem:$0x3FB0] =	sst s10  }
0x38: {  	s10 =	sld [smem:$0x3FB1]  }
0x39: {  	_ = 	snop;
	(pc) =	sbr.ind lr, $3  }
0x3a: {  	_ = 	snop  }
0x3b: {  	_ = 	snop  }
0x3c: {  	p2 =	seq.s32 s10, $0x1;
	s10 =	sld [smem:$0x3FB0]  }
0x3d: {  	_ =	shalt  }
0x3e: {  	_ =	shalt  }
0x3f: {  	_ =	shalt  }
0x40: {  	_ =	shalt  }
0x41: {  	_ =	shalt  }
0x42: {  	_ =	shalt  }
0x43: {  	_ =	shalt  }
0x44: {  	_ =	shalt  }
0x45: {  	_ =	shalt  }
0x46: {  	_ =	shalt  }
0x47: {  	_ =	shalt  }
0x48: {  	_ =	shalt  }
0x49: {  	_ =	shalt  }
0x4a: {  	_ =	shalt  }
0x4b: {  	_ =	shalt  }
0x4c: {  	_ =	shalt  }
0x4d: {  	_ =	shalt  }
0x4e: {  	_ =	shalt  }
0x4f: {  	_ =	shalt  }
0x50: {  	_ =	shalt  }
0x51: {  	_ =	shalt  }
0x52: {  	_ =	shalt  }
0x53: {  	_ =	shalt  }
0x54: {  	_ =	shalt  }
0x55: {  	_ =	shalt  }
0x56: {  	_ =	shalt  }
0x57: {  	_ =	shalt  }
0x58: {  	_ =	shalt  }
0x59: {  	_ =	shalt  }
0x5a: {  	_ =	shalt  }
0x5b: {  	_ =	shalt  }
0x5c: {  	_ =	shalt  }
0x5d: {  	_ =	shalt  }
0x5e: {  	_ =	shalt  }
0x5f: {  	_ =	shalt  }
0x60: {  	_ =	shalt  }
0x61: {  	_ =	shalt  }
0x62: {  	_ =	shalt  }
0x63: {  	_ =	shalt  }
0x64: {  	_ =	shalt  }
0x65: {  	_ =	shalt  }
0x66: {  	_ =	shalt  }
0x67: {  	_ =	shalt  }
0x68: {  	_ =	shalt  }
0x69: {  	_ =	shalt  }
0x6a: {  	_ =	shalt  }
0x6b: {  	_ =	shalt  }
0x6c: {  	_ =	shalt  }
0x6d: {  	_ =	shalt  }
0x6e: {  	_ =	shalt  }
0x6f: {  	_ =	shalt  }
0x70: {  	_ =	shalt  }
0x71: {  	_ =	shalt  }
0x72: {  	_ =	shalt  }
0x73: {  	_ =	shalt  }
0x74: {  	_ =	shalt  }
0x75: {  	_ =	shalt  }
0x76: {  	_ =	shalt  }
0x77: {  	_ =	shalt  }
0x78: {  	_ =	shalt  }
0x79: {  	_ =	shalt  }
0x7a: {  	_ =	shalt  }
0x7b: {  	_ =	shalt  }
0x7c: {  	_ =	shalt  }
0x7d: {  	_ =	shalt  }
0x7e: {  	_ =	shalt  }
0x7f: {  	_ =	shalt  }
0x80: {  	_ =	shalt  }
0x81: {  	_ =	shalt  }
0x82: {  	_ =	shalt  }
0x83: {  	_ =	shalt  }
0x84: {  	_ =	shalt  }
0x85: {  	_ =	shalt  }
0x86: {  	_ =	shalt  }
0x87: {  	_ =	shalt  }
.Lfunc_end0:
.L_simem_size_0:
called_computation_lowered:
.L_overlay_start_0:
0x88: {  	s2 =	sld [smem:$0x3FD9]  }
0x89: {  	s3 =	sld [smem:$0x3FFE];
	_ =	sdelay $0x1  }
0x8a: {  	s1 =	srdreg.scid  }
0x8b: {  	s0 =	sand.u32 $0x1, s1  }
0x8c: {  	s16 =	sshll.u32 s0, $0xA;
	s2 =	sadd.s32 s3, s2  }
0x8d: {  	s2 =	sadd.s32 s2, s16  }
0x8e: {  	[smem:$0x3FBC] =	sst s2  }
0x8f: {  	_ = 	snop  }
0x90: {  	(tm) =	ssettm $0x1  }
0x91: {  	s17 =	sld [smem:$0x3FFB];
	_ =	sdelay $0x3  }
0x92: {  	_ =	strace s17  }
0x93: {  	s2 =	sld [smem:$0x3FFC];
	_ =	sdelay $0x3  }
0x94: {  	_ =	strace s2  }
0x95: {  	s2 =	sld [smem:$0x3FFD];
	_ =	sdelay $0x3  }
0x96: {  	_ =	strace s2  }
0x97: {  	_ =	strace $0x8FFFFFFF  }
0x98: {  	s18 =	sld [smem:$0x3FDB];
	_ =	sdelay $0x1  }
0x99: {  	s19 =	simm.s32 $_scs_section_size  }
0x9a: {  	s4 =	simm.s32 $_size__tile_overlayer_lowered;
	s5 =	simm.s32 $_tile_overlayer_lowered  }
0x9b: {  	s22 =	simm.s32 $0x1BFF;
	s21 =	sshll.u32 s5, $0x1;
	s2 =	sadd.s32 s19, s18  }
0x9c: {  	s6 =	simm.s32 $0x0;
	s20 =	sshll.u32 s4, $0x1;
	s4 =	sadd.s32 s21, s2  }
0x9d: {  	[timem:s6], [sflag:s22] =	dma.local [hbm:s4], s20  }
0x9e: {  	_ =	swait.ge [sflag:s22], s20  }
0x9f: {  	s3 =	ssub.s32 $0x0, s20;
	[sflag:s22] =	ssyncset.done $0x0  }
0xa0: {  	[sflag:s22] =	ssyncadd.s32 s3;
	_ =	sdelay $0x1  }
0xa1: {  	s23 =	simm.s32 $0x1B8B  }
0xa2: {  	_ =	swait.ge [sflag:s23], $0x1  }
0xa3: {  	[sflag:s23] =	ssyncset.done $0x0  }
0xa4: {  	s25 =	simm.s32 $0x1B8E;
	s24 =	sld [smem:$0x3FFE];
	[sflag:s23] =	ssyncadd.s32 $0xFFFFFFFF  }
0xa5: {  	s26 =	simm.s32 $execute0_lowered;
	[smem:$0x3FD2] =	sst s25  }
0xa6: {  	s4 =	sshll.u32 s26, $0x1;
	_ =	strace $0x80000046;
	[dreg:$0x1] =	wrdreg $0xFFFFFFFF  }
0xa7: {  	s28 =	simm.s32 $_size_execute0_lowered;
	s2 =	sadd.s32 s2, s4;
	[dreg:$0x0] =	wrdreg $0x0  }
0xa8: {  	s4 =	sshll.u32 s28, $0x1;
	[dreg:$0x2] =	wrdreg s2  }
0xa9: {  	[dreg:$0x3] =	wrdreg s4  }
0xaa: {  	[dreg:$0x4] =	wrdreg $0xC0  }
0xab: {  	_ =	task [dreg:s6], $0x5FFFF  }
0xac: {  	[dreg:$0x1] =	wrdreg $0xFFFFFFFF  }
0xad: {  	[dreg:$0x0] =	wrdreg $0x60  }
0xae: {  	[dreg:$0x2] =	wrdreg s24  }
0xaf: {  	[dreg:$0x3] =	wrdreg $0xD2800  }
0xb0: {  	[dreg:$0x4] =	wrdreg $0x9  }
0xb1: {  	_ =	task.clear_ibuf [dreg:s6], $0x5FFFF;
	_ =	strace $0x90000046  }
0xb2: {  	s29 =	simm.s32 $0x9;
	_ =	strace $0x80000048  }
0xb3: {  	_ =	swait.ge [sflag:s29], $0x1  }
0xb4: {  	[sflag:s29] =	ssyncadd.s32 $0xFFFFFFFF  }
0xb5: {  	_ =	strace $0x90000048  }
0xb6: {  	_ =	sfence  }
0xb7: {  	s30 =	sld [smem:$0x0];
	_ =	sdelay $0x2  }
0xb8: {  	s31 =	sshll.u32 s1, $0xD;
	s1 =	sshrl.u32 s1, $0x2  }
0xb9: {  	s3 =	sand.u32 $0x4000, s31;
	s1 =	sadd.s32 s1, s30  }
0xba: {  	s0 =	sor.u32 s3, s0;
	s1 =	sshll.u32 s1, $0x11  }
0xbb: {  	s0 =	sor.u32 s1, s0  }
0xbc: {  	s0 =	sadd.s32 $0x8F2B, s0  }
0xbd: {  	[sflag:s0] =	ssyncadd.remote.s32 $0x1  }
0xbe: {  	_ =	sfence.sel $0xFFFF  }
0xbf: {  	[dreg:$0x0] =	wrdreg $0xFFFFFFFF;
	(pc) =	sbr.abs _section_cstart, $3  }
0xc0: {  	[dreg:$0x1] =	wrdreg $0xFFFFFFFF  }
0xc1: {  	_ =	task.clear_ibuf [dreg:s6], $0x2FFFF;
	_ =	strace $0x9FFFFFFF  }
0xc2: {  	(tm) =	ssettm $0x7FFFFFFF  }
0xc3: {  	_ =	shalt  }
tec
execute0_lowered:
.L_overlay_start_1:
0x0: {  	(tag) =	ssettag $0x1  }
0x1: {  	s0 =	srdreg.scid;
	s1 =	rddreg [dreg:$0x0]  }
0x2: {  	s8 =	stileid.u32;
	s9 =	rddreg [dreg:$0x1]  }
0x3: {  	s3 =	simm.s32 $0x0;
	s0 =	sand.u32 $0x1, s0;
	s2 =	sshll.u32 s8, $0x1  }
0x4: {  	[smem:$0x7FF] =	sst s3;
	s26 =	smul.u32 $0x2800, s8;
	s10 =	sadd.s32 $0x2AE200, s1  }
0x5: {  	s7 =	sadd.s32 $0x25200, s1;
	s2 =	sor.u32 s0, s2;
	_ =	strace $0x80000047  }
0x6: {  	s4 =	ssub.s32 $0x2, s0;
	s0 =	smul.u32 $0x27100, s0;
	s5 =	sshrl.u32 s26, $0x3  }
0x7: {  	s2 =	smul.u32 $0x510, s2;
	s6 =	sshrl.u32 s4, $0x1;
	s5 =	sadd.s32 s5, s1  }
0x8: {  	[dreg:$0x9] =	wrdreg s10;
	s4 =	ssub.s32 s4, s6;
	s5 =	sadd.s32 $0x20200, s5  }
0x9: {  	s2 =	sadd.s32 s2, s1;
	s1 =	sadd.s32 $0x24D00, s1;
	[dreg:$0xd] =	wrdreg s5  }
0xa: {  	p0 =	seq.s32 s8, $0xF;
	s31 =	smax.u32 s4, $0x1;
	[dreg:$0xe] =	wrdreg s1  }
0xb: {  	s3 =	sadd.s32 s26, s0;
	s28 =	sadd.s32 $0xBE00, s2;
	[dreg:$0x11] =	wrdreg s31  }
0xc: {  	s0 =	sshrl.u32 s0, $0x3;
	s29 =	sadd.s32 $0x1C00, s2;
	[dreg:$0xa] =	wrdreg s28  }
0xd: {  	v0 =	vimm.s32 $0xECA86420;
	vm0 =	vcmask $0xB08;
	vm1 =	vcmask $0x1310;
	s30 =	sshrl.u32 s3, $0x3;
	s2 =	sadd.s32 $0x16000, s2;
	[dreg:$0xb] =	wrdreg s29  }
0xe: {  	vm2 =	vcmask $0x1B18;
	vm3 =	vcmask $0x300;
	vm4 =	vcmask $0x2320;
	s0 =	sadd.s32 s7, s0;
	s1 =	sadd.s32 s7, s30;
	[dreg:$0xc] =	wrdreg s2  }
0xf: {  	vm5 =	vcmask $0x2B28;
	vm6 =	vcmask $0x3330;
	vm7 =	vcmask $0x3B38;
	s5 =	sadd.s32 $0x25800, s9;
	s0 =	sadd.s32 $0x4B00, s0;
	[dreg:$0xf] =	wrdreg s1  }
0x10: {  	v1 =	vlaneseq.u32;
	vm8 =	vmmov $0xff;
	vm9 =	vcmask $0x704;
	[dreg:$0x10] =	wrdreg s0;
	s3 =	sshrl.u32 @p0 s5, $0x3;
	s0 =	sshll.u32 @!p0 s8, $0x6  }
0x11: {  	vm10 =	vcmask $0xF0C;
	vm11 =	vcmask $0x1714;
	v0 =	vunpack.c.l.s4.s8 v0;
	s2 =	sadd.s32 s26, s9;
	s4 =	sor.u32 @!p0 $0x1C02, s0;
	[dreg:$0x12] =	wrdreg s3  }
0x12: {  	vm12 =	vcmask $0x1F1C;
	vm13 =	vcmask $0x2724;
	vm14 =	vcmask $0x2F2C;
	s5 =	sshrl.u32 @!p0 s2, $0x3;
	[dreg:$0x13] =	wrdreg s4  }
0x13: {  	vm15 =	vcmask $0x3734;
	v1 =	vmul.u32 $0x2, v1;
	v0 =	vunpack.c.0.s8.s32 v0;
	s6 =	simm.s32 $0x2;
	s2 =	simm.s32 $0x0;
	[dreg:$0x14] =	wrdreg s5  }
.LBB2_1:
0x14: {  	[dreg:$0x15] =	wrdreg s2  }
0x15: {  	s0 =	simm.s32 $0x0;
	s1 =	rddreg [dreg:$0xa]  }
0x16: {  	[tilespmem:s0], [sflag:$0x2] =	stream.linear.gather [hbm4b:s1+s0], $0x2880, $0x38;
	[tilespmem:$0xF990] =	vst v63  }
0x17: {  	_ =	swait.ge [sflag:s6], $0x2880  }
0x18: {  	[sflag:s6] =	ssyncset.done $0x0  }
0x19: {  	s10 =	simm.s32 $0x2880;
	s9 =	rddreg [dreg:$0xb];
	[sflag:s6] =	ssyncadd.s32 $0xFFFFD780  }
0x1a: {  	[tilespmem:s10], [sflag:$0x2] =	stream.linear.gather [hbm4b:s9+s0], $0x2880, $0x38;
	[tilespmem:$0xF990] =	vst v63  }
0x1b: {  	_ =	swait.ge [sflag:s6], $0x2880  }
0x1c: {  	[sflag:s6] =	ssyncset.done $0x0  }
0x1d: {  	s12 =	simm.s32 $0x5100;
	s11 =	rddreg [dreg:$0xc];
	[sflag:s6] =	ssyncadd.s32 $0xFFFFD780  }
0x1e: {  	[tilespmem:s12], [sflag:$0x2] =	stream.linear.gather [hbm4b:s11+s0], $0x2880, $0x38;
	[tilespmem:$0xF990] =	vst v63  }
0x1f: {  	_ =	swait.ge [sflag:s6], $0x2880  }
0x20: {  	[sflag:s6] =	ssyncset.done $0x0  }
0x21: {  	s0 =	simm.s32 @p0 $0x1FC2;
	s1 =	rddreg [dreg:$0xe];
	[sflag:s6] =	ssyncadd.s32 $0xFFFFD780  }
0x22: {  	[spmem:s3], [sflag:s0] =	dma.local @p0 [hbm:s1], $0x320  }
0x23: {  	s0 =	simm.s32 @p0 $0x2  }
0x24: {  	_ =	swait.ge @p0 [sflag:s0], $0x320  }
0x25: {  	[sflag:s0] =	ssyncset.done @p0 $0x0  }
0x26: {  	[sflag:s0] =	ssyncadd.s32 @p0 $0xFFFFFCE0;
	s0 =	rddreg [dreg:$0xd]  }
0x27: {  	[spmem:s5], [sflag:s4] =	dma.local @!p0 [hbm:s0], $0x500  }
0x28: {  	s0 =	simm.s32 @!p0 $0x2  }
0x29: {  	_ =	swait.ge @!p0 [sflag:s0], $0x500  }
0x2a: {  	[sflag:s0] =	ssyncset.done @!p0 $0x0  }
0x2b: {  	s13 =	simm.s32 $0x0;
	[sflag:s0] =	ssyncadd.s32 @!p0 $0xFFFFFB00  }
0x2c: {  	v2 =	vld [tilespmem:s13+$0x0];
	_ =	sdelay $0x4  }
0x2d: {  	(v2sf) =	vpush v2, $0x0  }
0x2e: {  	(v2sf) =	vpush v2, $0x7;
	_ =	sdelay $0x2  }
0x2f: {  	(v2sf) =	vpush v2, $0x1  }
0x30: {  	(v2sf) =	vpush v2, $0x2;
	_ =	sdelay $0x1  }
0x31: {  	(v2sf) =	vpush v2, $0xE;
	_ =	sdelay $0x2  }
0x32: {  	(v2sf) =	vpush v2, $0x3  }
0x33: {  	(v2sf) =	vpush v2, $0x4  }
0x34: {  	(v2sf) =	vpush v2, $0x5;
	_ =	sdelay $0x2  }
0x35: {  	(v2sf) =	vpush v2, $0xC;
	s15 =	spop (v2sf)  }
0x36: {  	(v2sf) =	vpush v2, $0x8;
	s16 =	spop (v2sf);
	s0 =	smulhi.u32 $0x68DB8BAD, s15  }
0x37: {  	s1 =	sshra.s32 s15, $0x1F;
	s2 =	smulhi.u32 $0x68DB8BAD, s16  }
0x38: {  	s18 =	sshra.s32 s16, $0x1F;
	s1 =	smul.u32 $0x68DB8BAD, s1  }
0x39: {  	s17 =	spop (v2sf);
	s4 =	smul.u32 $0x68DB8BAD, s18  }
0x3a: {  	s19 =	spop (v2sf);
	s8 =	smulhi.u32 $0x68DB8BAD, s17  }
0x3b: {  	s3 =	sshra.s32 s17, $0x1F;
	s10 =	smulhi.u32 $0x68DB8BAD, s19  }
0x3c: {  	(v2sf) =	vpush v2, $0x9;
	s20 =	spop (v2sf);
	s3 =	smul.u32 $0x68DB8BAD, s3  }
0x3d: {  	s14 =	simm.s32 $0x0;
	(v2sf) =	vpush v2, $0xD;
	s5 =	sshra.s32 s19, $0x1F;
	s6 =	smulhi.u32 $0x68DB8BAD, s20  }
0x3e: {  	[dreg:$0x3] =	wrdreg s14;
	(v2sf) =	vpush v2, $0xF;
	s7 =	sshra.s32 s20, $0x1F;
	s5 =	smul.u32 $0x68DB8BAD, s5  }
0x3f: {  	(v2sf) =	vpush v2, $0xA;
	s9 =	spop (v2sf);
	s2 =	sadd.s32 s4, s2;
	s7 =	smul.u32 $0x68DB8BAD, s7  }
0x40: {  	s11 =	spop (v2sf);
	s13 =	sshra.s32 s9, $0x1F;
	s9 =	smulhi.u32 $0x68DB8BAD, s9  }
0x41: {  	s30 =	sadd.s32 s3, s8;
	s29 =	sshra.s32 s2, $0xC;
	s12 =	spop (v2sf)  }
0x42: {  	(v2sf) =	vpush v2, $0xB;
	s15 =	sshra.s32 s11, $0x1F;
	s13 =	smul.u32 $0x68DB8BAD, s13;
	s28 =	sadd.s32 s5, s10  }
0x43: {  	[dreg:$0x4] =	wrdreg s29;
	s11 =	smulhi.u32 $0x68DB8BAD, s11;
	s14 =	sshra.s32 s12, $0x1F  }
0x44: {  	s16 =	spop (v2sf);
	s22 =	smulhi.u32 $0x68DB8BAD, s12;
	s6 =	sadd.s32 s7, s6  }
0x45: {  	s21 =	smul.u32 $0x68DB8BAD, s14;
	s14 =	sshra.s32 s2, $0x1F;
	s17 =	spop (v2sf)  }
0x46: {  	s20 =	sshra.s32 s16, $0x1F;
	s31 =	sadd.s32 s13, s9;
	s26 =	smulhi.u32 $0x68DB8BAD, s17  }
0x47: {  	s2 =	sshrl.u32 s2, $0x1F;
	s25 =	sshra.s32 s17, $0x1F;
	s17 =	smul.u32 $0x68DB8BAD, s15  }
0x48: {  	s19 =	smulhi.u32 $0x68DB8BAD, s16;
	s9 =	sshra.s32 s28, $0xC;
	[dreg:$0x5] =	wrdreg s2  }
0x49: {  	s5 =	smul.u32 $0x68DB8BAD, s25;
	s18 =	sadd.s32 s21, s22;
	s16 =	sadd.s32 s17, s11  }
0x4a: {  	s17 =	sadd.s32 s1, s0;
	s15 =	sshrl.u32 s18, $0x1F;
	s0 =	sshra.s32 s18, $0xC  }
0x4b: {  	s1 =	sshra.s32 s18, $0x1F;
	s10 =	sadd.s32 s5, s26;
	s12 =	spop (v2sf)  }
0x4c: {  	s26 =	simm.s32 $0x10;
	[dreg:$0x6] =	wrdreg s15;
	s23 =	spop (v2sf)  }
0x4d: {  	s11 =	simm.s32 $0x80;
	v3 =	vld [tilespmem:s26+$0x0];
	s3 =	smulhi.u32 $0x68DB8BAD, s12;
	s13 =	spop (v2sf)  }
0x4e: {  	s15 =	sshra.s32 s16, $0xC;
	s22 =	smulhi.u32 $0x68DB8BAD, s23;
	s5 =	spop (v2sf)  }
0x4f: {  	v4 =	vmov s14;
	s14 =	sshra.s32 s16, $0x1F;
	s29 =	sshra.s32 s13, $0x1F;
	s21 =	smulhi.u32 $0x68DB8BAD, s5  }
0x50: {  	s24 =	sshra.s32 s23, $0x1F;
	s23 =	sshra.s32 s12, $0x1F;
	s4 =	smul.u32 $0x68DB8BAD, s29  }
0x51: {  	(v2sf) =	vpush v2, $0x6;
	s8 =	spop (v2sf);
	s25 =	sshra.s32 s5, $0x1F;
	s5 =	smul.u32 $0x68DB8BAD, s24  }
0x52: {  	(v2sf) =	vpush v3, $0x0;
	s29 =	sshra.s32 s17, $0xC;
	s12 =	smulhi.u32 $0x68DB8BAD, s8;
	s24 =	sshra.s32 s8, $0x1F  }
0x53: {  	s18 =	sshra.s32 s10, $0xC;
	v4 =	vsel vm3, s29, v4;
	(v2sf) =	vpush v3, $0x7;
	s8 =	sshrl.u32 s17, $0x1F;
	s2 =	smul.u32 $0x68DB8BAD, s24  }
.LBB2_2:
0x54: {  	[dreg:$0x8] =	wrdreg s1;
	s20 =	smul.u32 $0x68DB8BAD, s20  }
0x55: {  	s24 =	sshra.s32 s30, $0xC;
	s29 =	sshra.s32 s30, $0x1F;
	s7 =	smov.u32 s11  }
0x56: {  	s1 =	rddreg [dreg:$0x3];
	s5 =	sadd.s32 s5, s22;
	s25 =	smul.u32 $0x68DB8BAD, s25  }
0x57: {  	(v2sf) =	vpush v3, $0x1;
	s13 =	smulhi.u32 $0x68DB8BAD, s13;
	s22 =	sshra.s32 s17, $0x1F;
	p1 =	sne.s32 s11, $0xA1C0  }
0x58: {  	[dreg:$0x7] =	wrdreg s7;
	s7 =	smov.u32 s1;
	s1 =	smov.u32 s26  }
0x59: {  	(v2sf) =	vpush v3, $0x2;
	s26 =	sshrl.u32 s10, $0x1F;
	s10 =	sshrl.u32 s16, $0x1F;
	s16 =	sshrl.u32 s6, $0x1F  }
0x5a: {  	v5 =	vmov s18;
	s18 =	sshrl.u32 s5, $0x1F;
	v4 =	vsel vm9, s22, v4;
	s2 =	sadd.s32 s2, s12;
	[dreg:$0x3] =	wrdreg s1;
	(v2sf) =	vpush v3, $0xE  }
0x5b: {  	s19 =	sadd.s32 s20, s19;
	s1 =	smul.u32 $0x68DB8BAD, s23;
	s21 =	sadd.s32 s25, s21;
	v4 =	vsel vm0, s24, v4  }
0x5c: {  	s4 =	sadd.s32 s4, s13;
	s24 =	sshra.s32 s28, $0x1F;
	s23 =	sshrl.u32 s19, $0x1F;
	v4 =	vsel vm10, s29, v4  }
0x5d: {  	(v2sf) =	vpush v3, $0x3;
	s29 =	sshra.s32 s31, $0xC;
	s20 =	sadd.s32 s1, s3;
	s3 =	sshra.s32 s6, $0xC;
	v4 =	vsel vm1, s9, v4  }
0x5e: {  	(v2sf) =	vpush v3, $0x4;
	s6 =	sshrl.u32 s4, $0x1F;
	s1 =	sshrl.u32 s20, $0x1F;
	s13 =	sshra.s32 s20, $0xC;
	v4 =	vsel vm11, s24, v4  }
0x5f: {  	v7 =	vmov s23;
	s20 =	sshra.s32 s5, $0xC;
	s5 =	sshra.s32 s4, $0xC;
	s4 =	sshra.s32 s31, $0x1F;
	v4 =	vsel vm2, s29, v4  }
0x60: {  	v6 =	vmov s26;
	s25 =	sshra.s32 s21, $0xC;
	s21 =	sshrl.u32 s21, $0x1F;
	v7 =	vsel vm0, s18, v7;
	s18 =	sshra.s32 s19, $0xC;
	v4 =	vsel vm12, s4, v4  }
0x61: {  	s19 =	sshra.s32 s2, $0xC;
	s24 =	rddreg [dreg:$0x8];
	v6 =	vsel vm0, s1, v6;
	v5 =	vsel vm0, s13, v5;
	s1 =	sshrl.u32 s28, $0x1F;
	v4 =	vsel vm4, s15, v4  }
0x62: {  	s29 =	rddreg [dreg:$0x6];
	v5 =	vsel vm1, s25, v5;
	s25 =	sshrl.u32 s2, $0x1F;
	v4 =	vsel vm13, s14, v4;
	s26 =	spop (v2sf)  }
0x63: {  	v8 =	vmov s8;
	v4 =	vsel vm5, s0, v4;
	(v2sf) =	vpush v3, $0x5;
	s17 =	sshra.s32 s26, $0x1F;
	s23 =	smulhi.u32 $0x68DB8BAD, s26;
	s9 =	spop (v2sf)  }
0x64: {  	v9 =	vmov s18;
	v4 =	vsel vm14, s24, v4;
	s24 =	sadd.s32 $0x40, s11;
	(v2sf) =	vpush v3, $0xC;
	s13 =	smul.u32 $0x68DB8BAD, s17;
	s18 =	spop (v2sf)  }
0x65: {  	v8 =	vnsel vm3, $0x0, v8;
	v6 =	vsel vm1, s21, v6;
	s26 =	sshrl.u32 s30, $0x1F;
	(v2sf) =	vpush v3, $0x8;
	s2 =	smulhi.u32 $0x68DB8BAD, s9;
	s21 =	sshra.s32 s18, $0x1F  }
0x66: {  	v9 =	vsel vm0, s20, v9;
	v8 =	vsel vm0, s26, v8;
	s20 =	spop (v2sf);
	s8 =	sadd.s32 s13, s23;
	s26 =	smul.u32 $0x68DB8BAD, s21  }
0x67: {  	(v2sf) =	vpush v3, $0x9;
	v8 =	vsel vm1, s1, v8;
	s13 =	sshrl.u32 s31, $0x1F;
	s14 =	sshra.s32 s20, $0x1F;
	s20 =	smulhi.u32 $0x68DB8BAD, s20  }
0x68: {  	s4 =	sshra.s32 s9, $0x1F;
	(v2sf) =	vpush v3, $0xD;
	s22 =	spop (v2sf);
	v8 =	vsel vm2, s13, v8;
	s13 =	smulhi.u32 $0x68DB8BAD, s18  }
0x69: {  	s9 =	sshra.s32 s22, $0x1F;
	s23 =	spop (v2sf);
	s22 =	smulhi.u32 $0x68DB8BAD, s22  }
0x6a: {  	v5 =	vsel vm2, s19, v5;
	s12 =	sshra.s32 s8, $0x1F;
	s19 =	sshrl.u32 s8, $0x1F;
	s0 =	smulhi.u32 $0x68DB8BAD, s23  }
0x6b: {  	v6 =	vsel vm2, s25, v6;
	(v2sf) =	vpush v3, $0xF;
	s18 =	rddreg [dreg:$0x5];
	s25 =	sshra.s32 s23, $0x1F;
	s9 =	smul.u32 $0x68DB8BAD, s9  }
0x6c: {  	v7 =	vsel vm1, s16, v7;
	v9 =	vsel vm1, s3, v9;
	s8 =	sshra.s32 s8, $0xC;
	s16 =	spop (v2sf);
	s1 =	smul.u32 $0x68DB8BAD, s25  }
0x6d: {  	v8 =	vsel vm4, s10, v8;
	v4 =	vsel vm6, s8, v4;
	(v2sf) =	vpush v3, $0xA;
	s8 =	sshra.s32 s16, $0x1F;
	s3 =	spop (v2sf);
	s25 =	smul.u32 $0x68DB8BAD, s14  }
0x6e: {  	v7 =	vsel vm2, s6, v7;
	v9 =	vsel vm2, s5, v9;
	v8 =	vsel vm5, s29, v8;
	s5 =	sadd.s32 s26, s13;
	s29 =	smulhi.u32 $0x68DB8BAD, s16;
	s6 =	sshra.s32 s3, $0x1F  }
0x6f: {  	v6 =	vcombine.low v6, v7;
	v8 =	vsel vm6, s19, v8;
	s19 =	rddreg [dreg:$0x4];
	s8 =	smul.u32 $0x68DB8BAD, s8;
	s17 =	sshra.s32 s5, $0xC  }
0x70: {  	v5 =	vcombine.low v5, v9;
	v4 =	vsel vm15, s12, v4;
	(v2sf) =	vpush v3, $0xB;
	s12 =	sshra.s32 s5, $0x1F;
	[dreg:$0x4] =	wrdreg s17;
	s17 =	smul.u32 $0x68DB8BAD, s6  }
0x71: {  	v6 =	vperm.xlane v6, v0;
	s5 =	sshrl.u32 s5, $0x1F;
	s30 =	sadd.s32 s25, s20;
	s25 =	smulhi.u32 $0x68DB8BAD, s3  }
0x72: {  	v5 =	vperm.xlane v5, v0;
	s28 =	sadd.s32 s9, s22;
	v7 =	vsel vm7, s18, v8;
	v4 =	vsel vm7, s19, v4;
	[dreg:$0x5] =	wrdreg s5;
	s21 =	spop (v2sf)  }
0x73: {  	v4 =	vperm.xlane v4, v1;
	v7 =	vperm.xlane v7, v1;
	s23 =	sshra.s32 s21, $0x1F;
	s14 =	spop (v2sf);
	s13 =	smulhi.u32 $0x68DB8BAD, s21  }
0x74: {  	v63 =	vld [tilespmem:s7+$0x2880];
	s31 =	sadd.s32 s8, s29;
	s26 =	spop (v2sf);
	s11 =	smul.u32 $0x68DB8BAD, s23  }
0x75: {  	s8 =	rddreg [dreg:$0x7];
	v6 =	vsel vm8, v7, v6;
	v4 =	vsel vm8, v4, v5;
	s16 =	sshra.s32 s26, $0x1F;
	s18 =	smulhi.u32 $0x68DB8BAD, s26  }
0x76: {  	v4 =	vadd.s32 v6, v4;
	s20 =	sshra.s32 s14, $0x1F;
	s15 =	spop (v2sf);
	s21 =	smul.u32 $0x68DB8BAD, s16  }
0x77: {  	v4 =	vmul.u32 $0x2710, v4;
	s26 =	sshra.s32 s8, $0x2;
	s19 =	spop (v2sf);
	s3 =	smulhi.u32 $0x68DB8BAD, s15  }
0x78: {  	s9 =	sadd.s32 s11, s13;
	s23 =	sshra.s32 s15, $0x1F;
	s22 =	smulhi.u32 $0x68DB8BAD, s19  }
0x79: {  	v5 =	vsub.s32 v2, v4;
	v4 =	vadd.s32 v63, v4;
	s16 =	sadd.s32 s17, s25;
	s29 =	sshra.s32 s19, $0x1F;
	s19 =	smulhi.u32 $0x68DB8BAD, s14  }
0x7a: {  	[tilespmem:s7+$0x7980] =	vst v4;
	s13 =	spop (v2sf);
	s6 =	sshrl.u32 s9, $0x1F;
	s14 =	smul.u32 $0x68DB8BAD, s4  }
0x7b: {  	[tilespmem:s7+$0xA200] =	vst v5;
	s15 =	sshra.s32 s16, $0xC;
	s7 =	sshra.s32 s13, $0x1F;
	s10 =	sadd.s32 s21, s18  }
0x7c: {  	v6 =	vmov s12;
	v2 =	vmov v3;
	v3 =	vld [tilespmem:s26+$0x0];
	[dreg:$0x6] =	wrdreg s6;
	s12 =	spop (v2sf);
	s6 =	sadd.s32 s1, s0  }
0x7d: {  	s0 =	sshra.s32 s9, $0xC;
	s1 =	sshra.s32 s9, $0x1F;
	s5 =	smul.u32 $0x68DB8BAD, s29  }
.Ltmp0:
0x7e: {  	s9 =	sshra.s32 s28, $0xC;
	s18 =	sshra.s32 s10, $0xC;
	(pc) =	sbr.rel @p1 .LBB2_2-.Ltmp0, $4  }
0x7f: {  	s11 =	spop (v2sf);
	s21 =	smulhi.u32 $0x68DB8BAD, s12;
	s25 =	sshra.s32 s12, $0x1F  }
0x80: {  	(v2sf) =	vpush v2, $0x6;
	s4 =	smul.u32 $0x68DB8BAD, s7;
	s17 =	sadd.s32 s14, s2;
	s14 =	sshra.s32 s16, $0x1F  }
0x81: {  	s12 =	smulhi.u32 $0x68DB8BAD, s11;
	s11 =	sshra.s32 s11, $0x1F;
	s29 =	sshra.s32 s17, $0xC;
	(v2sf) =	vpush v3, $0x0  }
0x82: {  	s8 =	sshrl.u32 s17, $0x1F;
	s2 =	smul.u32 $0x68DB8BAD, s11;
	v4 =	vsel vm3, s29, v6;
	s11 =	smov.u32 s24;
	(v2sf) =	vpush v3, $0x7  }
0x83: {  	_ =	sdelay $0x1  }
0x84: {  	(v2sf) =	vpush v3, $0x1  }
0x85: {  	(v2sf) =	vpush v3, $0x2  }
0x86: {  	(v2sf) =	vpush v3, $0xE;
	_ =	sdelay $0x1  }
0x87: {  	s24 =	smul.u32 $0x68DB8BAD, s25;
	_ =	sdelay $0x1  }
0x88: {  	[smem:$0x7EC] =	sst s24  }
0x89: {  	s7 =	smul.u32 $0x68DB8BAD, s20;
	s5 =	sadd.s32 s5, s22;
	s22 =	sld [smem:$0x7EC]  }
0x8a: {  	s29 =	smulhi.u32 $0x68DB8BAD, s13;
	[smem:$0x7FC] =	sst s5;
	(v2sf) =	vpush v3, $0x3  }
0x8b: {  	s20 =	smul.u32 $0x68DB8BAD, s23;
	[smem:$0x7EB] =	sst s7;
	(v2sf) =	vpush v3, $0x4  }
0x8c: {  	[smem:$0x7ED] =	sst s29;
	(v2sf) =	vpush v3, $0x5;
	s5 =	sadd.s32 s22, s21;
	s25 =	spop (v2sf)  }
0x8d: {  	[dreg:$0x1d] =	wrdreg s5;
	s24 =	sshra.s32 s25, $0x1F;
	s23 =	smulhi.u32 $0x68DB8BAD, s25  }
0x8e: {  	s29 =	spop (v2sf);
	s11 =	smul.u32 $0x68DB8BAD, s24  }
0x8f: {  	s13 =	spop (v2sf);
	[smem:$0x7EF] =	sst s23  }
0x90: {  	(v2sf) =	vpush v3, $0xC;
	s24 =	sshra.s32 s13, $0x1F;
	s25 =	smulhi.u32 $0x68DB8BAD, s13;
	[smem:$0x7EE] =	sst s11  }
0x91: {  	s11 =	spop (v2sf);
	s7 =	smul.u32 $0x68DB8BAD, s24  }
0x92: {  	(v2sf) =	vpush v3, $0x8;
	[smem:$0x7F0] =	sst s25;
	s25 =	spop (v2sf)  }
0x93: {  	s20 =	sadd.s32 s20, s3;
	s3 =	sld [smem:$0x7EE];
	s23 =	spop (v2sf)  }
0x94: {  	[smem:$0x7F1] =	sst s7;
	s7 =	smulhi.u32 $0x68DB8BAD, s23  }
0x95: {  	(v2sf) =	vpush v3, $0x9;
	s5 =	sld [smem:$0x7F0];
	s24 =	sshra.s32 s23, $0x1F;
	s23 =	smulhi.u32 $0x68DB8BAD, s11  }
0x96: {  	(v2sf) =	vpush v3, $0xD;
	s13 =	smul.u32 $0x68DB8BAD, s24;
	[dreg:$0x1f] =	wrdreg s7  }
0x97: {  	s11 =	sshra.s32 s11, $0x1F;
	s24 =	smulhi.u32 $0x68DB8BAD, s25;
	[smem:$0x7F2] =	sst s23  }
0x98: {  	s11 =	smul.u32 $0x68DB8BAD, s11;
	[smem:$0x7F9] =	sst s13  }
0x99: {  	s7 =	spop (v2sf);
	[smem:$0x7F4] =	sst s24  }
0x9a: {  	s25 =	sshra.s32 s25, $0x1F;
	[smem:$0x7F3] =	sst s11;
	s11 =	spop (v2sf)  }
0x9b: {  	s24 =	sshra.s32 s7, $0x1F;
	s7 =	smulhi.u32 $0x68DB8BAD, s7;
	s23 =	spop (v2sf)  }
0x9c: {  	s25 =	smul.u32 $0x68DB8BAD, s25;
	[dreg:$0x18] =	wrdreg s23  }
0x9d: {  	[smem:$0x7F6] =	sst s7;
	s23 =	smul.u32 $0x68DB8BAD, s24;
	s7 =	sshra.s32 s11, $0x1F  }
0x9e: {  	[smem:$0x7F5] =	sst s25;
	s7 =	smul.u32 $0x68DB8BAD, s7  }
0x9f: {  	s13 =	spop (v2sf);
	[smem:$0x7F7] =	sst s23  }
0xa0: {  	s23 =	smulhi.u32 $0x68DB8BAD, s11;
	[smem:$0x7FA] =	sst s7  }
0xa1: {  	s25 =	spop (v2sf);
	s7 =	sld [smem:$0x7EB]  }
0xa2: {  	s24 =	smulhi.u32 $0x68DB8BAD, s25;
	[smem:$0x7FB] =	sst s23  }
0xa3: {  	s23 =	sld [smem:$0x7ED]  }
0xa4: {  	[smem:$0x7F8] =	sst s24;
	s24 =	sadd.s32 s7, s19;
	s7 =	spop (v2sf)  }
0xa5: {  	[dreg:$0x1b] =	wrdreg s7;
	s11 =	spop (v2sf)  }
0xa6: {  	s23 =	sadd.s32 s4, s23;
	s4 =	sld [smem:$0x7EF];
	s22 =	sshra.s32 s11, $0x1F  }
0xa7: {  	s2 =	sadd.s32 s2, s12;
	s7 =	smul.u32 $0x68DB8BAD, s22;
	s22 =	sld [smem:$0x7F1]  }
0xa8: {  	[dreg:$0x1e] =	wrdreg s2  }
0xa9: {  	s12 =	sadd.s32 s3, s4;
	s4 =	sld [smem:$0x7F2]  }
0xaa: {  	s2 =	sadd.s32 s22, s5;
	s22 =	sld [smem:$0x7F3];
	_ =	sdelay $0x2  }
0xab: {  	s3 =	sadd.s32 s22, s4;
	s22 =	sld [smem:$0x7F5]  }
0xac: {  	(v2sf) =	vpush v3, $0xF;
	[smem:$0x7FD] =	sst s3  }
0xad: {  	(v2sf) =	vpush v3, $0xA;
	s3 =	sld [smem:$0x7F4];
	_ =	sdelay $0x2  }
0xae: {  	s3 =	sadd.s32 s22, s3;
	s22 =	sld [smem:$0x7F7]  }
0xaf: {  	s5 =	smulhi.u32 $0x68DB8BAD, s13;
	s13 =	sshra.s32 s13, $0x1F;
	[dreg:$0x19] =	wrdreg s3  }
0xb0: {  	s3 =	smul.u32 $0x68DB8BAD, s13;
	s13 =	sld [smem:$0x7F6]  }
0xb1: {  	_ = 	snop  }
0xb2: {  	s25 =	sshra.s32 s25, $0x1F;
	s19 =	smulhi.u32 $0x68DB8BAD, s11  }
0xb3: {  	s25 =	smul.u32 $0x68DB8BAD, s25;
	s13 =	sadd.s32 s22, s13;
	s22 =	sld [smem:$0x7F8]  }
0xb4: {  	s7 =	sadd.s32 s7, s19;
	s19 =	sshra.s32 s17, $0x1F;
	s17 =	sld [smem:$0x7FC]  }
0xb5: {  	[dreg:$0x17] =	wrdreg s13  }
0xb6: {  	s13 =	sadd.s32 s25, s22;
	s22 =	sld [smem:$0x7F9]  }
0xb7: {  	s21 =	smulhi.u32 $0x68DB8BAD, s29;
	s29 =	sshra.s32 s29, $0x1F;
	[dreg:$0x1c] =	wrdreg s2  }
0xb8: {  	(v2sf) =	vpush v3, $0xB;
	s11 =	smul.u32 $0x68DB8BAD, s29;
	s25 =	rddreg [dreg:$0x1f]  }
0xb9: {  	s29 =	spop (v2sf);
	s25 =	sadd.s32 s22, s25;
	s22 =	sld [smem:$0x7FA]  }
0xba: {  	s2 =	spop (v2sf);
	[dreg:$0x1a] =	wrdreg s25  }
0xbb: {  	s4 =	smulhi.u32 $0x68DB8BAD, s2;
	s2 =	sshra.s32 s2, $0x1F;
	s25 =	sld [smem:$0x7FB]  }
0xbc: {  	v5 =	vmov s18;
	v4 =	vsel vm9, s19, v4;
	s19 =	sshrl.u32 s20, $0x1F;
	s20 =	sshra.s32 s20, $0xC;
	s2 =	smul.u32 $0x68DB8BAD, s2  }
0xbd: {  	v5 =	vsel vm0, s20, v5;
	s20 =	rddreg [dreg:$0x1e]  }
0xbe: {  	s18 =	sshrl.u32 s17, $0x1F;
	s4 =	sadd.s32 s2, s4;
	s25 =	sadd.s32 s22, s25  }
0xbf: {  	s22 =	sshra.s32 s30, $0xC;
	[dreg:$0x16] =	wrdreg s25;
	s25 =	sadd.s32 s11, s21  }
0xc0: {  	s11 =	sadd.s32 s3, s5;
	s5 =	sshrl.u32 s10, $0x1F;
	s3 =	sshrl.u32 s16, $0x1F  }
0xc1: {  	s10 =	sshrl.u32 s6, $0x1F;
	s6 =	sshra.s32 s6, $0xC;
	s21 =	sshrl.u32 s24, $0x1F  }
0xc2: {  	(v2sf) =	vpush v3, $0x6;
	v4 =	vsel vm0, s22, v4;
	s22 =	sshra.s32 s30, $0x1F;
	s16 =	sshra.s32 s23, $0xC;
	v7 =	vmov s21;
	s21 =	sshra.s32 s24, $0xC  }
0xc3: {  	v6 =	vmov s5;
	s24 =	sshra.s32 s17, $0xC;
	s17 =	rddreg [dreg:$0x1d];
	s5 =	sshrl.u32 s20, $0x1F  }
0xc4: {  	v8 =	vmov s8;
	v4 =	vsel vm10, s22, v4;
	s22 =	sshra.s32 s31, $0xC;
	v7 =	vsel vm0, s18, v7;
	s18 =	sshra.s32 s17, $0xC;
	s8 =	sshrl.u32 s17, $0x1F  }
0xc5: {  	v6 =	vsel vm0, s19, v6;
	v9 =	vmov s21;
	s19 =	sshra.s32 s28, $0x1F;
	s21 =	sshra.s32 s20, $0xC;
	s17 =	rddreg [dreg:$0x18]  }
0xc6: {  	v4 =	vsel vm1, s9, v4;
	v7 =	vsel vm1, s10, v7;
	s10 =	sshrl.u32 s23, $0x1F;
	s23 =	sshrl.u32 s30, $0x1F;
	s30 =	sshra.s32 s29, $0x1F  }
0xc7: {  	v8 =	vnsel vm3, $0x0, v8;
	s20 =	sshrl.u32 s31, $0x1F;
	v4 =	vsel vm11, s19, v4;
	s19 =	spop (v2sf);
	s9 =	smul.u32 $0x68DB8BAD, s30  }
0xc8: {  	v5 =	vsel vm1, s18, v5;
	v9 =	vsel vm0, s24, v9;
	v6 =	vsel vm1, s8, v6;
	s24 =	sshra.s32 s31, $0x1F;
	s18 =	sshrl.u32 s28, $0x1F;
	s8 =	smulhi.u32 $0x68DB8BAD, s19  }
0xc9: {  	v4 =	vsel vm2, s22, v4;
	v8 =	vsel vm0, s23, v8;
	v5 =	vsel vm2, s21, v5;
	s21 =	sshra.s32 s19, $0x1F;
	s22 =	sshra.s32 s12, $0x1F;
	s23 =	sshrl.u32 s12, $0x1F  }
0xca: {  	s30 =	sshra.s32 s12, $0xC;
	v9 =	vsel vm1, s6, v9;
	s6 =	rddreg [dreg:$0x6];
	s19 =	sshra.s32 s13, $0xC  }
0xcb: {  	v6 =	vsel vm2, s5, v6;
	v4 =	vsel vm12, s24, v4;
	s24 =	rddreg [dreg:$0x1b];
	s5 =	smul.u32 $0x68DB8BAD, s21;
	s21 =	sshra.s32 s25, $0xC  }
0xcc: {  	v8 =	vsel vm1, s18, v8;
	v9 =	vsel vm2, s16, v9;
	v11 =	vmov s19;
	s16 =	rddreg [dreg:$0x19];
	s19 =	sshra.s32 s11, $0xC;
	s28 =	smulhi.u32 $0x68DB8BAD, s24  }
0xcd: {  	v7 =	vsel vm2, s10, v7;
	v4 =	vsel vm4, s15, v4;
	v8 =	vsel vm2, s20, v8;
	s31 =	sshra.s32 s24, $0x1F;
	s15 =	rddreg [dreg:$0x1c];
	s20 =	smulhi.u32 $0x68DB8BAD, s29  }
0xce: {  	v6 =	vcombine.low v6, v7;
	s24 =	sshrl.u32 s13, $0x1F;
	s29 =	sshra.s32 s25, $0x1F;
	s13 =	sshrl.u32 s25, $0x1F;
	v15 =	vmov s19;
	v5 =	vcombine.low v5, v9  }
0xcf: {  	s25 =	rddreg [dreg:$0x17];
	v4 =	vsel vm13, s14, v4;
	v8 =	vsel vm4, s3, v8;
	s12 =	smul.u32 $0x68DB8BAD, s31;
	s18 =	sshra.s32 s15, $0x1F;
	v12 =	vmov s24  }
0xd0: {  	s14 =	sld [smem:$0x7FD];
	s31 =	sshrl.u32 s7, $0x1F;
	s5 =	sadd.s32 s5, s8;
	v14 =	vmov s13;
	v6 =	vperm.xlane v6, v0;
	v4 =	vsel vm5, s0, v4  }
0xd1: {  	s8 =	rddreg [dreg:$0x1a];
	s24 =	sshrl.u32 s4, $0x1F;
	s13 =	spop (v2sf);
	v8 =	vsel vm5, s6, v8;
	v10 =	vmov s18;
	v14 =	vnsel vm3, $0x0, v14  }
0xd2: {  	s6 =	sshra.s32 s17, $0x1F;
	s0 =	sadd.s32 s9, s20;
	v5 =	vperm.xlane v5, v0;
	v4 =	vsel vm14, s1, v4;
	s1 =	sadd.s32 s12, s28;
	v10 =	vsel vm3, s21, v10  }
0xd3: {  	v8 =	vsel vm6, s23, v8;
	s28 =	rddreg [dreg:$0x4];
	s21 =	sshra.s32 s7, $0xC;
	v4 =	vsel vm6, s30, v4;
	s30 =	sshrl.u32 s11, $0x1F;
	v10 =	vsel vm9, s29, v10  }
0xd4: {  	s23 =	sshra.s32 s14, $0xC;
	s9 =	sshrl.u32 s1, $0x1F;
	s1 =	sshra.s32 s1, $0xC;
	v15 =	vsel vm0, s21, v15;
	v4 =	vsel vm15, s22, v4;
	v13 =	vmov s30  }
0xd5: {  	s18 =	sshra.s32 s16, $0xC;
	s20 =	sshra.s32 s4, $0xC;
	s22 =	rddreg [dreg:$0x5];
	v12 =	vsel vm0, s9, v12;
	v10 =	vsel vm0, s23, v10;
	v11 =	vsel vm0, s1, v11  }
0xd6: {  	s2 =	smulhi.u32 $0x68DB8BAD, s13;
	s12 =	sshrl.u32 s8, $0x1F;
	s10 =	sshra.s32 s14, $0x1F;
	v8 =	vsel vm7, s22, v8;
	v4 =	vsel vm7, s28, v4;
	v13 =	vsel vm0, s31, v13  }
0xd7: {  	s7 =	smulhi.u32 $0x68DB8BAD, s17;
	s29 =	sshra.s32 s5, $0xC;
	s30 =	sshrl.u32 s14, $0x1F;
	v10 =	vsel vm10, s10, v10;
	v11 =	vsel vm1, s20, v11;
	v12 =	vsel vm1, s24, v12  }
0xd8: {  	s14 =	sshrl.u32 s5, $0x1F;
	s22 =	sshra.s32 s16, $0x1F;
	v14 =	vsel vm0, s30, v14;
	s16 =	sshrl.u32 s16, $0x1F;
	v13 =	vsel vm1, s12, v13;
	v10 =	vsel vm1, s18, v10  }
0xd9: {  	s23 =	smul.u32 $0x68DB8BAD, s6;
	s28 =	sshra.s32 s25, $0xC;
	v11 =	vsel vm2, s29, v11;
	v51 =	vsel vm2, s14, v12;
	v52 =	vsel vm1, s16, v14  }
0xda: {  	s10 =	rddreg [dreg:$0x16];
	s12 =	sshrl.u32 s0, $0x1F;
	v4 =	vperm.xlane v4, v1;
	v8 =	vperm.xlane v8, v1;
	v10 =	vsel vm11, s22, v10;
	s22 =	sshra.s32 s8, $0xC  }
0xdb: {  	s31 =	sshra.s32 s25, $0x1F;
	s1 =	sadd.s32 s23, s7;
	s23 =	rddreg [dreg:$0x3];
	v13 =	vsel vm2, s12, v13;
	v10 =	vsel vm2, s28, v10;
	v54 =	vsel vm1, s22, v15  }
0xdc: {  	s20 =	sshrl.u32 s25, $0x1F;
	s11 =	sshra.s32 s10, $0xC;
	s18 =	sshra.s32 s13, $0x1F;
	v53 =	vld [tilespmem:s23+$0x2880];
	v6 =	vsel vm8, v8, v6;
	v4 =	vsel vm8, v4, v5;
	v10 =	vsel vm12, s31, v10  }
0xdd: {  	s17 =	sshra.s32 s10, $0x1F;
	s0 =	sshra.s32 s0, $0xC;
	s4 =	smul.u32 $0x68DB8BAD, s18;
	v57 =	vcombine.low v51, v13;
	v4 =	vadd.s32 v6, v4;
	v50 =	vsel vm4, s11, v10  }
0xde: {  	s19 =	sshra.s32 s1, $0xC;
	v56 =	vsel vm2, s0, v54;
	v10 =	vsel vm2, s20, v52;
	v7 =	vsel vm13, s17, v50  }
0xdf: {  	s21 =	sshrl.u32 s10, $0x1F;
	s24 =	sshra.s32 s1, $0x1F;
	s2 =	sadd.s32 s4, s2;
	v4 =	vmul.u32 $0x2710, v4;
	v6 =	vcombine.low v11, v56;
	v7 =	vsel vm5, s19, v7  }
0xe0: {  	s1 =	sshrl.u32 s1, $0x1F;
	s28 =	sshra.s32 s2, $0xC;
	v60 =	vperm.xlane v57, v0;
	v10 =	vsel vm4, s21, v10;
	v7 =	vsel vm14, s24, v7  }
0xe1: {  	s25 =	sshrl.u32 s2, $0x1F;
	s30 =	sshra.s32 s2, $0x1F;
	v55 =	vsel vm5, s1, v10;
	v58 =	vadd.s32 v53, v4;
	v7 =	vsel vm6, s28, v7  }
0xe2: {  	s29 =	sshrl.u32 s15, $0x1F;
	s31 =	sshra.s32 s15, $0xC;
	v2 =	vsub.s32 v2, v4;
	v5 =	vsel vm6, s25, v55;
	v7 =	vsel vm15, s30, v7  }
0xe3: {  	v61 =	vperm.xlane v6, v0;
	[tilespmem:s23+$0x7980] =	vst v58;
	v5 =	vsel vm7, s29, v5;
	v7 =	vsel vm7, s31, v7  }
0xe4: {  	[tilespmem:s23+$0xA200] =	vst v2;
	v2 =	vperm.xlane v5, v1;
	v59 =	vperm.xlane v7, v1  }
0xe5: {  	v62 =	vld [tilespmem:s26+$0x2880]  }
0xe6: {  	v2 =	vsel vm8, v2, v60;
	v4 =	vsel vm8, v59, v61  }
0xe7: {  	v2 =	vadd.s32 v2, v4  }
0xe8: {  	v2 =	vmul.u32 $0x2710, v2;
	_ =	sdelay $0x1  }
0xe9: {  	v63 =	vadd.s32 v62, v2  }
0xea: {  	v2 =	vsub.s32 v3, v2;
	[tilespmem:s26+$0x7980] =	vst v63  }
0xeb: {  	[tilespmem:s26+$0xA200] =	vst v2  }
0xec: {  	s6 =	simm.s32 $0x2;
	s9 =	simm.s32 $0x1;
	[bflag:$0x0] =	sbarrier.arrive $0xFFFF  }
0xed: {  	s7 =	simm.s32 $0x80;
	s8 =	simm.s32 $0xCA80;
	s4 =	rddreg [dreg:$0x1]  }
0xee: {  	s0 =	simm.s32 $0x0;
	s1 =	simm.s32 $0x5100;
	s10 =	rddreg [dreg:$0x9]  }
.LBB2_4:
0xef: {  	s14 =	sshll.u32 s0, $0x7  }
0xf0: {  	v2 =	vmov s1;
	s2 =	sadd.s32 $0x7980, s14  }
0xf1: {  	[tilespmem:s8], [sflag:$0x1] =	stream.indirect.gather [hbm4b:s10+s7], $0x10, s2, s7, $0xb8;
	[tilespmem:$0xF990] =	vst v63  }
0xf2: {  	_ =	swait.ge [sflag:s9], $0x800  }
0xf3: {  	[sflag:s9] =	ssyncset.done $0x0  }
0xf4: {  	s31 =	simm.s32 $0x0;
	[sflag:s9] =	ssyncadd.s32 $0xFFFFF800  }
0xf5: {  	v3 =	vld.idx.msk [tilespmem:v2+s31+$0x0 ss:$0x1], $0xffff;
	_ =	sdelay $0x3  }
0xf6: {  	s5 =	simm.s32 $0xCB00  }
0xf7: {  	v4 =	vld [tilespmem:s5+$0xFFFFFF80];
	v8 =	vbroadcast v3, $0x0  }
0xf8: {  	v5 =	vld [tilespmem:s5+$0xFFFFFF90];
	v9 =	vbroadcast v3, $0x1;
	v12 =	vbroadcast v3, $0x2  }
0xf9: {  	v6 =	vld [tilespmem:s5+$0xFFFFFFA0];
	v42 =	vbroadcast v3, $0x3;
	v44 =	vbroadcast v3, $0x4  }
0xfa: {  	v7 =	vld [tilespmem:s5+$0xFFFFFFB0];
	v45 =	vbroadcast v3, $0x5;
	v14 =	vbroadcast v3, $0x6  }
0xfb: {  	v11 =	vld [tilespmem:s5+$0xFFFFFFD0];
	v48 =	vbroadcast v3, $0x7;
	v51 =	vbroadcast v3, $0x8  }
0xfc: {  	v43 =	vld [tilespmem:s5+$0xFFFFFFE0];
	v52 =	vbroadcast v3, $0x9;
	v4 =	vmul.f32 v8, v4  }
0xfd: {  	v47 =	vld [tilespmem:s5+$0x10];
	v55 =	vbroadcast v3, $0xA;
	v5 =	vmul.f32 v5, v9  }
0xfe: {  	v58 =	vld [tilespmem:s5+$0x60];
	v56 =	vbroadcast v3, $0xB;
	v6 =	vmul.f32 v6, v12;
	[tilespmem:s5+$0xFFFFFF80] =	vst v4  }
0xff: {  	v59 =	vld [tilespmem:s5+$0x70];
	v60 =	vbroadcast v3, $0xC;
	v7 =	vmul.f32 v7, v42;
	[tilespmem:s5+$0xFFFFFF90] =	vst v5  }
0x100: {  	v10 =	vld [tilespmem:s5+$0xFFFFFFC0];
	v61 =	vbroadcast v3, $0xD;
	v8 =	vmul.f32 v11, v45;
	[tilespmem:s5+$0xFFFFFFA0] =	vst v6  }
0x101: {  	v13 =	vld [tilespmem:s5+$0xFFFFFFF0];
	v62 =	vbroadcast v3, $0xE;
	v9 =	vmul.f32 v43, v14;
	[tilespmem:s5+$0xFFFFFFB0] =	vst v7  }
0x102: {  	v49 =	vld [tilespmem:s5+$0x20];
	v3 =	vbroadcast v3, $0xF;
	v57 =	vmul.f32 v47, v52;
	[tilespmem:s5+$0xFFFFFFD0] =	vst v8  }
0x103: {  	v50 =	vld [tilespmem:s5+$0x30];
	v63 =	vmul.f32 v58, v62;
	[tilespmem:s5+$0xFFFFFFE0] =	vst v9  }
0x104: {  	v46 =	vld [tilespmem:s5+$0x0];
	v3 =	vmul.f32 v59, v3;
	[tilespmem:s5+$0x10] =	vst v57  }
0x105: {  	v54 =	vld [tilespmem:s5+$0x50];
	v4 =	vmul.f32 v10, v44;
	[tilespmem:s5+$0x60] =	vst v63  }
0x106: {  	v53 =	vld [tilespmem:s5+$0x40];
	v6 =	vmul.f32 v13, v48;
	[tilespmem:s5+$0x70] =	vst v3  }
0x107: {  	v10 =	vmul.f32 v49, v55;
	[tilespmem:s5+$0xFFFFFFC0] =	vst v4  }
0x108: {  	v5 =	vmul.f32 v50, v56;
	[tilespmem:s5+$0xFFFFFFF0] =	vst v6  }
0x109: {  	v4 =	vmul.f32 v46, v51;
	[tilespmem:s5+$0x20] =	vst v10  }
0x10a: {  	v7 =	vmul.f32 v54, v61;
	[tilespmem:s5+$0x30] =	vst v5  }
0x10b: {  	[tilespmem:s5+$0x0] =	vst v4;
	v4 =	vmul.f32 v53, v60  }
0x10c: {  	[tilespmem:s5+$0x50] =	vst v7  }
0x10d: {  	s3 =	simm.s32 $0x10;
	s2 =	simm.s32 $0x80;
	[tilespmem:s5+$0x40] =	vst v4  }
.LBB2_5:
0x10e: {  	p1 =	sne.s32 s2, $0x1C0;
	v3 =	vld.idx.msk [tilespmem:v2+s3+$0x0 ss:$0x1], $0xffff;
	s5 =	sadd.s32 $0x100, s5  }
0x10f: {  	v4 =	vld [tilespmem:s5+$0xFFFFFFB0]  }
0x110: {  	v5 =	vld [tilespmem:s5+$0xFFFFFF90]  }
0x111: {  	v6 =	vld [tilespmem:s5+$0xFFFFFF80]  }
0x112: {  	v7 =	vld [tilespmem:s5+$0xFFFFFFA0]  }
0x113: {  	v8 =	vld [tilespmem:s5+$0xFFFFFFF0]  }
0x114: {  	v9 =	vbroadcast v3, $0x0;
	v10 =	vbroadcast v3, $0x1;
	v11 =	vld [tilespmem:s5+$0xFFFFFFD0]  }
0x115: {  	v12 =	vbroadcast v3, $0x2;
	v13 =	vbroadcast v3, $0x3;
	v14 =	vld [tilespmem:s5+$0xFFFFFFC0]  }
0x116: {  	v5 =	vmul.f32 v5, v10;
	v6 =	vmul.f32 v9, v6;
	v9 =	vld [tilespmem:s5+$0xFFFFFFE0]  }
0x117: {  	v4 =	vmul.f32 v4, v13;
	v7 =	vmul.f32 v7, v12;
	v10 =	vld [tilespmem:s5+$0x30]  }
0x118: {  	v12 =	vbroadcast v3, $0x5;
	[tilespmem:s5+$0xFFFFFF80] =	vst v6;
	v6 =	vbroadcast v3, $0x4;
	v13 =	vld [tilespmem:s5+$0x10]  }
0x119: {  	v15 =	vbroadcast v3, $0x7;
	[tilespmem:s5+$0xFFFFFF90] =	vst v5;
	v5 =	vbroadcast v3, $0x6;
	v16 =	vld [tilespmem:s5+$0x0]  }
0x11a: {  	[tilespmem:s5+$0xFFFFFFA0] =	vst v7;
	v6 =	vmul.f32 v14, v6;
	v7 =	vmul.f32 v11, v12;
	v11 =	vld [tilespmem:s5+$0x20]  }
0x11b: {  	[tilespmem:s5+$0xFFFFFFB0] =	vst v4;
	v4 =	vmul.f32 v9, v5;
	v5 =	vmul.f32 v8, v15;
	v8 =	vld [tilespmem:s5+$0x70]  }
0x11c: {  	v9 =	vbroadcast v3, $0x9;
	[tilespmem:s5+$0xFFFFFFC0] =	vst v6;
	v6 =	vbroadcast v3, $0x8;
	v12 =	vld [tilespmem:s5+$0x50]  }
0x11d: {  	v14 =	vbroadcast v3, $0xB;
	[tilespmem:s5+$0xFFFFFFD0] =	vst v7;
	v7 =	vbroadcast v3, $0xA;
	v15 =	vld [tilespmem:s5+$0x40]  }
0x11e: {  	[tilespmem:s5+$0xFFFFFFE0] =	vst v4;
	v4 =	vmul.f32 v16, v6;
	v6 =	vmul.f32 v13, v9;
	v9 =	vld [tilespmem:s5+$0x60]  }
0x11f: {  	[tilespmem:s5+$0xFFFFFFF0] =	vst v5;
	v5 =	vmul.f32 v11, v7;
	v7 =	vmul.f32 v10, v14  }
0x120: {  	v10 =	vbroadcast v3, $0xD;
	[tilespmem:s5+$0x0] =	vst v4;
	v4 =	vbroadcast v3, $0xC  }
0x121: {  	[tilespmem:s5+$0x10] =	vst v6;
	v6 =	vbroadcast v3, $0xE;
	v3 =	vbroadcast v3, $0xF  }
0x122: {  	[tilespmem:s5+$0x20] =	vst v5;
	v4 =	vmul.f32 v15, v4;
	v5 =	vmul.f32 v12, v10  }
.Ltmp1:
0x123: {  	[tilespmem:s5+$0x30] =	vst v7;
	v6 =	vmul.f32 v9, v6;
	v3 =	vmul.f32 v8, v3;
	(pc) =	sbr.rel @p1 .LBB2_5-.Ltmp1, $4  }
0x124: {  	[tilespmem:s5+$0x40] =	vst v4  }
0x125: {  	[tilespmem:s5+$0x50] =	vst v5  }
0x126: {  	[tilespmem:s5+$0x60] =	vst v6  }
0x127: {  	s3 =	sshra.s32 s2, $0x2;
	s2 =	sadd.s32 $0x40, s2;
	[tilespmem:s5+$0x70] =	vst v3  }
0x128: {  	_ =	sdelay $0x3  }
0x129: {  	v2 =	vld.idx.msk [tilespmem:v2+s3+$0x0 ss:$0x1], $0xffff  }
0x12a: {  	s2 =	sadd.s32 $0x100, s5  }
0x12b: {  	v3 =	vld [tilespmem:s2+$0xFFFFFF80]  }
0x12c: {  	v4 =	vld [tilespmem:s2+$0xFFFFFF90]  }
0x12d: {  	v5 =	vld [tilespmem:s2+$0xFFFFFFA0]  }
0x12e: {  	v6 =	vld [tilespmem:s2+$0xFFFFFFB0];
	v7 =	vbroadcast v2, $0x0  }
0x12f: {  	v10 =	vld [tilespmem:s2+$0xFFFFFFD0];
	v8 =	vbroadcast v2, $0x1  }
0x130: {  	v46 =	vld [tilespmem:s2+$0xFFFFFFE0];
	v11 =	vbroadcast v2, $0x2;
	v3 =	vmul.f32 v7, v3  }
0x131: {  	v9 =	vld [tilespmem:s2+$0xFFFFFFC0];
	v45 =	vbroadcast v2, $0x3;
	v4 =	vmul.f32 v4, v8  }
0x132: {  	v49 =	vld [tilespmem:s2+$0x10];
	v47 =	vbroadcast v2, $0x5;
	v5 =	vmul.f32 v5, v11;
	[tilespmem:s2+$0xFFFFFF80] =	vst v3  }
0x133: {  	v59 =	vld [tilespmem:s2+$0x60];
	v13 =	vbroadcast v2, $0x6;
	v6 =	vmul.f32 v6, v45;
	[tilespmem:s2+$0xFFFFFF90] =	vst v4  }
0x134: {  	v12 =	vld [tilespmem:s2+$0xFFFFFFF0];
	v7 =	vmul.f32 v10, v47;
	v3 =	vbroadcast v2, $0x4;
	[tilespmem:s2+$0xFFFFFFA0] =	vst v5  }
0x135: {  	v48 =	vld [tilespmem:s2+$0x0];
	v53 =	vbroadcast v2, $0x9;
	v8 =	vmul.f32 v46, v13;
	[tilespmem:s2+$0xFFFFFFB0] =	vst v6  }
0x136: {  	v52 =	vld [tilespmem:s2+$0x30];
	v62 =	vbroadcast v2, $0xE;
	[tilespmem:s2+$0xFFFFFFD0] =	vst v7;
	v3 =	vmul.f32 v9, v3  }
0x137: {  	v55 =	vld [tilespmem:s2+$0x50];
	v50 =	vbroadcast v2, $0x7;
	v58 =	vmul.f32 v49, v53;
	[tilespmem:s2+$0xFFFFFFE0] =	vst v8  }
0x138: {  	v51 =	vld [tilespmem:s2+$0x20];
	v63 =	vmul.f32 v59, v62;
	[tilespmem:s2+$0xFFFFFFC0] =	vst v3;
	v3 =	vbroadcast v2, $0x8  }
0x139: {  	v54 =	vld [tilespmem:s2+$0x40];
	v57 =	vbroadcast v2, $0xB;
	v5 =	vmul.f32 v12, v50;
	[tilespmem:s2+$0x10] =	vst v58  }
0x13a: {  	v60 =	vld [tilespmem:s2+$0x70];
	v61 =	vbroadcast v2, $0xD;
	[tilespmem:s2+$0x60] =	vst v63;
	v3 =	vmul.f32 v48, v3  }
0x13b: {  	v56 =	vbroadcast v2, $0xA;
	v4 =	vmul.f32 v52, v57;
	[tilespmem:s2+$0xFFFFFFF0] =	vst v5  }
0x13c: {  	v6 =	vmul.f32 v55, v61;
	[tilespmem:s2+$0x0] =	vst v3;
	v3 =	vbroadcast v2, $0xC  }
0x13d: {  	v9 =	vmul.f32 v51, v56;
	[tilespmem:s2+$0x30] =	vst v4;
	v2 =	vbroadcast v2, $0xF  }
0x13e: {  	[tilespmem:s2+$0x50] =	vst v6;
	v3 =	vmul.f32 v54, v3  }
0x13f: {  	s0 =	sadd.s32 $0x1, s0;
	[tilespmem:s2+$0x20] =	vst v9;
	v2 =	vmul.f32 v60, v2  }
0x140: {  	p1 =	sne.s32 s0, $0x51;
	[tilespmem:s2+$0x40] =	vst v3  }
.Ltmp2:
0x141: {  	s31 =	sadd.s32 $0xA200, s14;
	[tilespmem:s2+$0x70] =	vst v2;
	(pc) =	sbr.rel @p1 .LBB2_4-.Ltmp2, $4  }
0x142: {  	[spmem:s4] =	stream.indirect.scatter.add.f32 [tilespmem:s8], [sflag:$0x2], $0x10, s31, s7, $0xb8;
	[tilespmem:$0xF990] =	vst v63  }
0x143: {  	_ =	swait.ge [sflag:s6], $0x800  }
0x144: {  	[sflag:s6] =	ssyncset.done $0x0  }
0x145: {  	s1 =	sadd.s32 $0x80, s1;
	[sflag:s6] =	ssyncadd.s32 $0xFFFFF800  }
0x146: {  	[bflag:$0x0] =	sbarrier.arrive $0xFFFF  }
0x147: {  	s1 =	rddreg [dreg:$0x10]  }
0x148: {  	s0 =	simm.s32 @p0 $0x1FC2;
	s3 =	rddreg [dreg:$0x12]  }
0x149: {  	[hbm:s1], [sflag:s0] =	dma.local @p0 [spmem:s3], $0x320  }
0x14a: {  	s0 =	simm.s32 @p0 $0x2  }
0x14b: {  	_ =	swait.ge @p0 [sflag:s0], $0x320  }
0x14c: {  	s4 =	rddreg [dreg:$0x13]  }
0x14d: {  	[sflag:s0] =	ssyncset.done @p0 $0x0;
	s5 =	rddreg [dreg:$0x14]  }
0x14e: {  	[sflag:s0] =	ssyncadd.s32 @p0 $0xFFFFFCE0;
	s0 =	rddreg [dreg:$0xf]  }
0x14f: {  	[hbm:s0], [sflag:s4] =	dma.local @!p0 [spmem:s5], $0x500  }
0x150: {  	s0 =	simm.s32 @!p0 $0x2  }
0x151: {  	_ =	swait.ge @!p0 [sflag:s0], $0x500  }
0x152: {  	s2 =	rddreg [dreg:$0x15]  }
0x153: {  	s31 =	rddreg [dreg:$0x11];
	s2 =	sadd.s32 $0x1, s2  }
0x154: {  	p1 =	sne.s32 s2, s31  }
.Ltmp3:
0x155: {  	_ = 	snop;
	(pc) =	sbr.rel @p1 .LBB2_1-.Ltmp3, $3  }
0x156: {  	_ =	sdelay $0x1  }
0x157: {  	[sflag:s0] =	ssyncset.done @!p0 $0x0  }
0x158: {  	[sflag:s0] =	ssyncadd.s32 @!p0 $0xFFFFFB00  }
0x159: {  	_ =	sfence.sel $0x180000  }
0x15a: {  	[bflag:$0x0] =	sbarrier.arrive $0xFFFF  }
0x15b: {  	_ =	strace $0x90000047  }
0x15c: {  	s0 =	stileid.u32;
	[bflag:$0x2] =	sbarrier.arrive $0xFFFF  }
0x15d: {  	p0 =	sne.s32 s0, $0x0;
	s0 =	rddreg [dreg:$0x2]  }
0x15e: {  	s0 =	sadd.s32 @!p0 $0x100000, s0  }
0x15f: {  	[sflag:s0] =	ssyncadd.tile.s32 @!p0 $0x1;
	_ =	shalt  }
.Lfunc_end2:
_tile_overlayer_lowered:
.L_overlay_start_2:
0x160: {  	(tag) =	ssettag $0x2  }
0x161: {  	s0 =	rddreg [dreg:$0x0];
	s2 =	stileid.u32  }
0x162: {  	s1 =	rddreg [dreg:$0x1];
	p0 =	sne.s32 s2, $0x0  }
0x163: {  	s3 =	rddreg [dreg:$0x2];
	[bflag:$0x3] =	sbarrier.arrive $0xFFFF;
	s2 =	simm.s32 @!p0 $0x1C02  }
0x164: {  	[timem:s3], [sflag:s2] =	dma.local @!p0 [hbm:s0], s1  }
0x165: {  	s0 =	simm.s32 @!p0 $0x2  }
0x166: {  	_ =	swait.ge @!p0 [sflag:s0], s1  }
0x167: {  	s1 =	ssub.s32 @!p0 $0x0, s1;
	[sflag:s0] =	ssyncset.done @!p0 $0x0  }
0x168: {  	[sflag:s0] =	ssyncadd.s32 @!p0 s1  }
0x169: {  	[bflag:$0x3] =	sbarrier.arrive $0xFFFF  }
0x16a: {  	_ =	shalt  }

</sc_bundles>
